<compile_context>
chip_gen: v7x
topology: tpu7x:2x2x1
jax: 0.10.2.dev20260603
libtpu: 0.0.44.dev20260713+nightly
codegen_flags: <defaults>
</compile_context>

<pallas_src>
import functools

import jax
import jax.numpy as jnp
from jax import lax
from jax.experimental import pallas as pl
from jax.experimental.pallas import tpu as pltpu
from jax.experimental.pallas import tpu_sc as plsc

NC = 2
NS = 16
NW = NC * NS
L = 16
CW = 128
LN_EPS = 1e-5


def _silu(x):
    return x / (1.0 + jnp.exp(-x))


def _sc_mesh():
    return plsc.VectorSubcoreMesh(
        core_axis_name="c", subcore_axis_name="s", num_cores=NC, num_subcores=NS
    )



def _pre_body(nf_ref, gamma_ref, beta_ref, w1a_ref, w1b_ref, p_ref, q_ref):
    x = nf_ref[...]
    mu = jnp.mean(x, axis=-1, keepdims=True)
    xc = x - mu
    var = jnp.mean(xc * xc, axis=-1, keepdims=True)
    h = xc * lax.rsqrt(var + LN_EPS) * gamma_ref[...] + beta_ref[...]
    p_ref[...] = jnp.dot(h, w1a_ref[...], preferred_element_type=jnp.float32)
    q_ref[...] = jnp.dot(h, w1b_ref[...], preferred_element_type=jnp.float32)


def _pre_tc(nf, gamma, beta, w1a, w1b):
    n, d = nf.shape
    bn = 1000
    return pl.pallas_call(
        _pre_body,
        grid=(n // bn,),
        in_specs=[
            pl.BlockSpec((bn, d), lambda i: (i, 0)),
            pl.BlockSpec((1, d), lambda i: (0, 0)),
            pl.BlockSpec((1, d), lambda i: (0, 0)),
            pl.BlockSpec((d, d), lambda i: (0, 0)),
            pl.BlockSpec((d, d), lambda i: (0, 0)),
        ],
        out_specs=[pl.BlockSpec((bn, d), lambda i: (i, 0))] * 2,
        out_shape=[jax.ShapeDtypeStruct((n, d), jnp.float32)] * 2,
    )(nf, gamma.reshape(1, d), beta.reshape(1, d), w1a, w1b)



def _gather_sc(p, q, src, dst):
    n, d = p.shape
    e = src.shape[0]
    ew = e // NW
    c = 40
    k = ew // c
    sr = (n // NS) // 8 * 8
    zr = 16
    tail = n - NS * sr

    @functools.partial(
        pl.kernel,
        out_type=[
            jax.ShapeDtypeStruct((e, d), jnp.float32),
            jax.ShapeDtypeStruct((NC, n, CW), jnp.float32),
        ],
        mesh=_sc_mesh(),
        scratch_types=[
            pltpu.VMEM((c,), jnp.int32),
            pltpu.VMEM((c,), jnp.int32),
            pltpu.VMEM((c,), jnp.int32),
            pltpu.VMEM((c,), jnp.int32),
            pltpu.VMEM((c, d), jnp.float32),
            pltpu.VMEM((c, d), jnp.float32),
            pltpu.VMEM((c, d), jnp.float32),
            pltpu.VMEM((c, d), jnp.float32),
            pltpu.VMEM((c, CW), jnp.float32),
            pltpu.VMEM((zr, CW), jnp.float32),
            pltpu.VMEM_SHARED((n, CW), jnp.float32),
            pltpu.SemaphoreType.DMA,
            pltpu.SemaphoreType.DMA,
            pltpu.SemaphoreType.DMA,
            pltpu.SemaphoreType.DMA,
            pltpu.SemaphoreType.DMA,
            pltpu.SemaphoreType.DMA,
        ],
    )
    def gather_kernel(p_hbm, q_hbm, src_hbm, dst_hbm, g_hbm, outcnt_hbm,
                      idx_s0, idx_d0, idx_s1, idx_d1,
                      bufp0, bufq0, bufp1, bufq1,
                      ones, zbuf, cnt,
                      semp0, semq0, semc0, semp1, semq1, semc1):
        cid = lax.axis_index("c")
        sid = lax.axis_index("s")
        wid = sid * NC + cid
        base = wid * ew
        row0 = sid * sr
        zk = sr // zr

        sets = (
            (idx_s0, idx_d0, bufp0, bufq0, semp0, semq0, semc0),
            (idx_s1, idx_d1, bufp1, bufq1, semp1, semq1, semc1),
        )

        def fill_ones(i, cc):
            for j in range(CW // L):
                ones[i, pl.ds(j * L, L)] = jnp.ones((L,), jnp.float32)
            return cc

        lax.fori_loop(0, c, fill_ones, 0)

        def fill_zero(i, cc):
            for j in range(CW // L):
                zbuf[i, pl.ds(j * L, L)] = jnp.zeros((L,), jnp.float32)
            return cc

        lax.fori_loop(0, zr, fill_zero, 0)

        def zcp(z, cc):
            pltpu.sync_copy(zbuf, cnt.at[pl.ds(row0 + z * zr, zr)])
            return cc

        lax.fori_loop(0, zk, zcp, 0)

        @pl.when(sid == 0)
        def _zero_tail():
            def zcp_t(z, cc):
                pltpu.sync_copy(zbuf, cnt.at[pl.ds(NS * sr + z * zr, zr)])
                return cc
            lax.fori_loop(0, tail // zr, zcp_t, 0)

        plsc.subcore_barrier()

        def issue(kk, st):
            idx_s, idx_d, bufp, bufq, semp, semq, semc = st
            off = base + kk * c
            pltpu.sync_copy(src_hbm.at[pl.ds(off, c)], idx_s)
            pltpu.sync_copy(dst_hbm.at[pl.ds(off, c)], idx_d)
            pltpu.async_copy(p_hbm.at[idx_s], bufp, semp)
            pltpu.async_copy(q_hbm.at[idx_d], bufq, semq)
            pltpu.async_copy(ones, cnt.at[idx_s], semc, add=True)

        def process(kk, st):
            idx_s, idx_d, bufp, bufq, semp, semq, semc = st
            off = base + kk * c
            pltpu.make_async_copy(p_hbm.at[idx_s], bufp, semp).wait()
            pltpu.make_async_copy(q_hbm.at[idx_d], bufq, semq).wait()

            def add_row(i, cc):
                for j in range(d // L):
                    sl = pl.ds(j * L, L)
                    bufp[i, sl] = bufp[i, sl] + bufq[i, sl]
                return cc

            lax.fori_loop(0, c, add_row, 0)
            pltpu.sync_copy(bufp, g_hbm.at[pl.ds(off, c)])
            pltpu.make_async_copy(ones, cnt.at[idx_s], semc).wait()

        issue(0, sets[0])

        def body(t, cc):
            kk = 1 + 2 * t
            issue(kk, sets[1])
            process(kk - 1, sets[0])
            issue(kk + 1, sets[0])
            process(kk, sets[1])
            return cc

        lax.fori_loop(0, k // 2 - 1, body, 0)
        issue(k - 1, sets[1])
        process(k - 2, sets[0])
        process(k - 1, sets[1])
        plsc.subcore_barrier()

        def wb(z, cc):
            r = row0 + z * zr
            pltpu.sync_copy(cnt.at[pl.ds(r, zr)], zbuf)
            pltpu.sync_copy(zbuf, outcnt_hbm.at[cid, pl.ds(r, zr)])
            return cc

        lax.fori_loop(0, zk, wb, 0)

        @pl.when(sid == 0)
        def _wb_tail():
            def wb_t(z, cc):
                r = NS * sr + z * zr
                pltpu.sync_copy(cnt.at[pl.ds(r, zr)], zbuf)
                pltpu.sync_copy(zbuf, outcnt_hbm.at[cid, pl.ds(r, zr)])
                return cc
            lax.fori_loop(0, tail // zr, wb_t, 0)

    return gather_kernel(p, q, src, dst)



def _edge_body(g_ref, ef_ref, w1c_ref, b1_ref, w2_ref, b2_ref, out_ref):
    u = (g_ref[...]
         + jnp.dot(ef_ref[...], w1c_ref[...], preferred_element_type=jnp.float32)
         + b1_ref[...])
    u = _silu(u)
    v = jnp.dot(u, w2_ref[...], preferred_element_type=jnp.float32) + b2_ref[...]
    out_ref[...] = _silu(v)


def _edge_tc(g, ef, w1c, b1, w2, b2):
    e, d = g.shape
    ed = ef.shape[1]
    be = 2000
    return pl.pallas_call(
        _edge_body,
        grid=(e // be,),
        in_specs=[
            pl.BlockSpec((be, d), lambda i: (i, 0)),
            pl.BlockSpec((be, ed), lambda i: (i, 0)),
            pl.BlockSpec((ed, d), lambda i: (0, 0)),
            pl.BlockSpec((1, d), lambda i: (0, 0)),
            pl.BlockSpec((d, d), lambda i: (0, 0)),
            pl.BlockSpec((1, d), lambda i: (0, 0)),
        ],
        out_specs=pl.BlockSpec((be, d), lambda i: (i, 0)),
        out_shape=jax.ShapeDtypeStruct((e, d), jnp.float32),
    )(g, ef, w1c, b1.reshape(1, d), w2, b2.reshape(1, d))



def _scatter_sc(mij, src, n):
    e, d = mij.shape
    ew = e // NW
    c = 80
    k = ew // c
    sr = (n // NS) // 8 * 8
    zr = 16
    tail = n - NS * sr

    @functools.partial(
        pl.kernel,
        out_type=jax.ShapeDtypeStruct((NC, n, d), jnp.float32),
        mesh=_sc_mesh(),
        scratch_types=[
            pltpu.VMEM((c,), jnp.int32),
            pltpu.VMEM((c,), jnp.int32),
            pltpu.VMEM((c, d), jnp.float32),
            pltpu.VMEM((c, d), jnp.float32),
            pltpu.VMEM((zr, d), jnp.float32),
            pltpu.VMEM_SHARED((n, d), jnp.float32),
            pltpu.SemaphoreType.DMA,
            pltpu.SemaphoreType.DMA,
            pltpu.SemaphoreType.DMA,
            pltpu.SemaphoreType.DMA,
        ],
    )
    def scatter_kernel(mij_hbm, src_hbm, outsum_hbm,
                       idx0, idx1, buf0, buf1, zbuf, accum,
                       semr0, semi0, semr1, semi1):
        cid = lax.axis_index("c")
        sid = lax.axis_index("s")
        base = (sid * NC + cid) * ew
        row0 = sid * sr
        zk = sr // zr

        sets = ((idx0, buf0, semr0, semi0), (idx1, buf1, semr1, semi1))

        def z_row(i, cc):
            for j in range(d // L):
                zbuf[i, pl.ds(j * L, L)] = jnp.zeros((L,), jnp.float32)
            return cc

        lax.fori_loop(0, zr, z_row, 0)

        def zcp(z, cc):
            pltpu.sync_copy(zbuf, accum.at[pl.ds(row0 + z * zr, zr)])
            return cc

        lax.fori_loop(0, zk, zcp, 0)

        @pl.when(sid == 0)
        def _zero_tail():
            def zcp_t(z, cc):
                pltpu.sync_copy(zbuf, accum.at[pl.ds(NS * sr + z * zr, zr)])
                return cc
            lax.fori_loop(0, tail // zr, zcp_t, 0)

        plsc.subcore_barrier()

        def load(kk, st):
            idx, buf, semr, semi = st
            off = base + kk * c
            pltpu.async_copy(src_hbm.at[pl.ds(off, c)], idx, semi)
            pltpu.async_copy(mij_hbm.at[pl.ds(off, c)], buf, semr)

        def flush(kk, st):
            idx, buf, semr, semi = st
            off = base + kk * c
            pltpu.make_async_copy(src_hbm.at[pl.ds(off, c)], idx, semi).wait()
            pltpu.make_async_copy(mij_hbm.at[pl.ds(off, c)], buf, semr).wait()
            pltpu.sync_copy(buf, accum.at[idx], add=True)

        load(0, sets[0])

        def body(t, cc):
            kk = 1 + 2 * t
            load(kk, sets[1])
            flush(kk - 1, sets[0])
            load(kk + 1, sets[0])
            flush(kk, sets[1])
            return cc

        lax.fori_loop(0, (k - 1) // 2, body, 0)
        flush(k - 1, sets[0])
        plsc.subcore_barrier()

        def wb(z, cc):
            r = row0 + z * zr
            pltpu.sync_copy(accum.at[pl.ds(r, zr)], zbuf)
            pltpu.sync_copy(zbuf, outsum_hbm.at[cid, pl.ds(r, zr)])
            return cc

        lax.fori_loop(0, zk, wb, 0)

        @pl.when(sid == 0)
        def _wb_tail():
            def wb_t(z, cc):
                r = NS * sr + z * zr
                pltpu.sync_copy(accum.at[pl.ds(r, zr)], zbuf)
                pltpu.sync_copy(zbuf, outsum_hbm.at[cid, pl.ds(r, zr)])
                return cc
            lax.fori_loop(0, tail // zr, wb_t, 0)

    return scatter_kernel(mij, src)



def _final_body(nf_ref, ms0_ref, ms1_ref, cn0_ref, cn1_ref,
                a1a_ref, a1b_ref, c1_ref, a2_ref, c2_ref, out_ref):
    x = nf_ref[...]
    cnt = cn0_ref[...][:, :1] + cn1_ref[...][:, :1]
    msg = (ms0_ref[...] + ms1_ref[...]) / jnp.maximum(cnt, 1.0)
    u = (jnp.dot(x, a1a_ref[...], preferred_element_type=jnp.float32)
         + jnp.dot(msg, a1b_ref[...], preferred_element_type=jnp.float32)
         + c1_ref[...])
    u = _silu(u)
    v = jnp.dot(u, a2_ref[...], preferred_element_type=jnp.float32) + c2_ref[...]
    out_ref[...] = x + _silu(v)


def _final_tc(nf, ms0, ms1, cn0, cn1, a1a, a1b, c1, a2, c2):
    n, d = nf.shape
    bn = 1000
    return pl.pallas_call(
        _final_body,
        grid=(n // bn,),
        in_specs=[pl.BlockSpec((bn, d), lambda i: (i, 0))] * 3 + [
            pl.BlockSpec((bn, CW), lambda i: (i, 0)),
            pl.BlockSpec((bn, CW), lambda i: (i, 0)),
        ] + [
            pl.BlockSpec((d, d), lambda i: (0, 0)),
            pl.BlockSpec((d, d), lambda i: (0, 0)),
            pl.BlockSpec((1, d), lambda i: (0, 0)),
            pl.BlockSpec((d, d), lambda i: (0, 0)),
            pl.BlockSpec((1, d), lambda i: (0, 0)),
        ],
        out_specs=pl.BlockSpec((bn, d), lambda i: (i, 0)),
        out_shape=jax.ShapeDtypeStruct((n, d), jnp.float32),
    )(nf, ms0, ms1, cn0, cn1, a1a, a1b, c1.reshape(1, d), a2, c2.reshape(1, d))



def kernel(node_features, edge_features, edge_index, edge2graph,
           W1, b1, W2, b2, A1, c1, A2, c2, gamma, beta):
    n, d = node_features.shape
    src = edge_index[0]
    dst = edge_index[1]
    w1a, w1b, w1c = W1[:d], W1[d:2 * d], W1[2 * d:]
    a1a, a1b = A1[:d], A1[d:]

    p, q = _pre_tc(node_features, gamma, beta, w1a, w1b)
    g, cnth = _gather_sc(p, q, src, dst)
    mij = _edge_tc(g, edge_features, w1c, b1, W2, b2)
    msum = _scatter_sc(mij, src, n)
    return _final_tc(node_features, msum[0], msum[1], cnth[0], cnth[1],
                     a1a, a1b, c1, A2, c2)

# --- scband reference (transcript-rebuilt; emitter-appended) ---
"""Pipeline reference for scband-simple-gnnlayer-31293131719368 (READ-ONLY COPY).

The authoritative reference and input builder live on the scoring server;
editing this copy changes nothing except your own understanding.
"""

import jax, jax.numpy as jnp
import numpy as np

N = 10000
E = 320000
D = 128
ED = 16

def _init_linear(key, fan_in, fan_out):
    k1, k2 = jax.random.split(key)
    bound = 1.0 / np.sqrt(fan_in)
    W = jax.random.uniform(k1, (fan_in, fan_out), minval=-bound, maxval=bound, dtype=jnp.float32)
    b = jax.random.uniform(k2, (fan_out,), minval=-bound, maxval=bound, dtype=jnp.float32)
    return W, b

def setup_inputs(seed: int = 0) -> dict:
    key = jax.random.key(seed)
    ks = jax.random.split(key, 10)
    node_features = jax.random.normal(ks[0], (N, D), dtype=jnp.float32)
    edge_features = jax.random.normal(ks[1], (E, ED), dtype=jnp.float32)
    edge_index = jax.random.randint(ks[2], (2, E), 0, N, dtype=jnp.int32)
    edge2graph = jnp.sort(jax.random.randint(ks[3], (E,), 0, 64, dtype=jnp.int32))
    W1, b1 = _init_linear(ks[4], 2 * D + ED, D)
    W2, b2 = _init_linear(ks[5], D, D)
    A1, c1 = _init_linear(ks[6], 2 * D, D)
    A2, c2 = _init_linear(ks[7], D, D)
    gamma = jnp.ones((D,), dtype=jnp.float32)
    beta = jnp.zeros((D,), dtype=jnp.float32)
    return {"node_features": node_features, "edge_features": edge_features,
            "edge_index": edge_index, "edge2graph": edge2graph,
            "W1": W1, "b1": b1, "W2": W2, "b2": b2,
            "A1": A1, "c1": c1, "A2": A2, "c2": c2,
            "gamma": gamma, "beta": beta}

def _layer_norm(x, gamma, beta, eps=1e-5):
    mu = jnp.mean(x, axis=-1, keepdims=True)
    var = jnp.mean((x - mu) ** 2, axis=-1, keepdims=True)
    return (x - mu) / jnp.sqrt(var + eps) * gamma + beta

def reference(node_features, edge_features, edge_index, edge2graph,
              W1, b1, W2, b2, A1, c1, A2, c2, gamma, beta):
    silu = jax.nn.silu
    # message_model
    h = _layer_norm(node_features, gamma, beta)
    hi = jnp.take(h, edge_index[0], axis=0)
    hj = jnp.take(h, edge_index[1], axis=0)
    m_in = jnp.concatenate([hi, hj, edge_features], axis=1)
    mij = silu(m_in @ W1 + b1)
    mij = silu(mij @ W2 + b2)
    # scatter mean over destination = edge_index[0]
    seg = edge_index[0]
    msum = jax.ops.segment_sum(mij, seg, num_segments=node_features.shape[0])
    cnt = jax.ops.segment_sum(jnp.ones((mij.shape[0], 1), dtype=mij.dtype), seg,
                              num_segments=node_features.shape[0])
    message = msum / jnp.maximum(cnt, 1.0)
    # agg_model
    a_in = jnp.concatenate([node_features, message], axis=1)
    agg = silu(a_in @ A1 + c1)
    agg = silu(agg @ A2 + c2)
    return node_features + agg

if __name__ == "__main__":
    import jax
    _d = setup_inputs()
    print(jax.jit(kernel)(*tuple(_d.values())))

</pallas_src>

<mosaic_0001>
#map = affine_map<(d0, d1) -> (0, 0)>
#map1 = affine_map<(d0, d1) -> (0)>
#map2 = affine_map<(d0, d1) -> (0, 0, 0)>
module attributes {stable_mosaic.version = 14 : i64} {
  func.func @gather_kernel(%arg0: i32, %arg1: i32, %arg2: memref<10000x128xf32, #tpu.memory_space<hbm>>, %arg3: memref<10000x128xf32, #tpu.memory_space<hbm>>, %arg4: memref<320000xi32, #tpu.memory_space<hbm>>, %arg5: memref<320000xi32, #tpu.memory_space<hbm>>, %arg6: memref<320000x128xf32, #tpu.memory_space<hbm>>, %arg7: memref<2x10000x128xf32, #tpu.memory_space<hbm>>, %arg8: memref<40xi32, #tpu.memory_space<vmem>>, %arg9: memref<40xi32, #tpu.memory_space<vmem>>, %arg10: memref<40xi32, #tpu.memory_space<vmem>>, %arg11: memref<40xi32, #tpu.memory_space<vmem>>, %arg12: memref<40x128xf32, #tpu.memory_space<vmem>>, %arg13: memref<40x128xf32, #tpu.memory_space<vmem>>, %arg14: memref<40x128xf32, #tpu.memory_space<vmem>>, %arg15: memref<40x128xf32, #tpu.memory_space<vmem>>, %arg16: memref<40x128xf32, #tpu.memory_space<vmem>>, %arg17: memref<16x128xf32, #tpu.memory_space<vmem>>, %arg18: memref<10000x128xf32, #tpu.memory_space<vmem_shared>>, %arg19: memref<!tpu.dma_semaphore, #tpu.memory_space<semaphore_mem>>, %arg20: memref<!tpu.dma_semaphore, #tpu.memory_space<semaphore_mem>>, %arg21: memref<!tpu.dma_semaphore, #tpu.memory_space<semaphore_mem>>, %arg22: memref<!tpu.dma_semaphore, #tpu.memory_space<semaphore_mem>>, %arg23: memref<!tpu.dma_semaphore, #tpu.memory_space<semaphore_mem>>, %arg24: memref<!tpu.dma_semaphore, #tpu.memory_space<semaphore_mem>>) attributes {dimension_semantics = [#tpu.dimension_semantics<core_parallel>, #tpu.dimension_semantics<subcore_parallel>], iteration_bounds = array<i64: 2, 16>, scalar_prefetch = 0 : i64, scratch_operands = 17 : i64, tpu.core_type = #tpu.core_type<sc_vector_subcore>, window_params = [{transform_indices = #map}, {transform_indices = #map}, {transform_indices = #map1}, {transform_indices = #map1}, {transform_indices = #map}, {transform_indices = #map2}]} {
    %mul3A = arith.constant 2 : i32
    %mul3A_0 = arith.muli %arg1, %mul3A : i32
    %add3A = arith.addi %mul3A_0, %arg0 : i32
    %mul3A_1 = arith.constant 10000 : i32
    %mul3A_2 = arith.muli %add3A, %mul3A_1 : i32
    %mul3A_3 = arith.constant 624 : i32
    %mul3A_4 = arith.muli %arg1, %mul3A_3 : i32
    %scan3A = arith.constant 0 : i32
    %scan3A_5 = arith.constant 0 : i32
    %scan3A_6 = arith.constant 40 : i32
    %scan3A_7 = arith.addi %scan3A_5, %scan3A_6 : i32
    %scan3A_8 = arith.constant 1 : i32
    scf.for %scan3A_96 = %scan3A_5 to %scan3A_7 step %scan3A_8  : i32 {
      %broadcast_in_dim3A = arith.constant 1.000000e+00 : f32
      %broadcast_in_dim3A_97 = vector.broadcast %broadcast_in_dim3A : f32 to vector<16xf32>
      %swap3A = arith.index_cast %scan3A_96 : i32 to index
      %swap3A_98 = arith.constant 0 : index
      %swap3A_99 = tpu.vector_load %arg16[%swap3A, %swap3A_98] {strides = array<i32>} : memref<40x128xf32, #tpu.memory_space<vmem>>, vector<1x16xf32>,
      %swap3A_100 = vector.shape_cast %swap3A_99 : vector<1x16xf32> to vector<16xf32>
      %swap3A_101 = vector.shape_cast %broadcast_in_dim3A_97 : vector<16xf32> to vector<1x16xf32>
      tpu.vector_store %arg16[%swap3A, %swap3A_98], %swap3A_101 {strides = array<i32>} : memref<40x128xf32, #tpu.memory_space<vmem>>, vector<1x16xf32>,
      %broadcast_in_dim3A_102 = arith.constant 1.000000e+00 : f32
      %broadcast_in_dim3A_103 = vector.broadcast %broadcast_in_dim3A_102 : f32 to vector<16xf32>
      %swap3A_104 = arith.index_cast %scan3A_96 : i32 to index
      %swap3A_105 = arith.constant 16 : index
      %swap3A_106 = tpu.vector_load %arg16[%swap3A_104, %swap3A_105] {strides = array<i32>} : memref<40x128xf32, #tpu.memory_space<vmem>>, vector<1x16xf32>,
      %swap3A_107 = vector.shape_cast %swap3A_106 : vector<1x16xf32> to vector<16xf32>
      %swap3A_108 = vector.shape_cast %broadcast_in_dim3A_103 : vector<16xf32> to vector<1x16xf32>
      tpu.vector_store %arg16[%swap3A_104, %swap3A_105], %swap3A_108 {strides = array<i32>} : memref<40x128xf32, #tpu.memory_space<vmem>>, vector<1x16xf32>,
      %broadcast_in_dim3A_109 = arith.constant 1.000000e+00 : f32
      %broadcast_in_dim3A_110 = vector.broadcast %broadcast_in_dim3A_109 : f32 to vector<16xf32>
      %swap3A_111 = arith.index_cast %scan3A_96 : i32 to index
      %swap3A_112 = arith.constant 32 : index
      %swap3A_113 = tpu.vector_load %arg16[%swap3A_111, %swap3A_112] {strides = array<i32>} : memref<40x128xf32, #tpu.memory_space<vmem>>, vector<1x16xf32>,
      %swap3A_114 = vector.shape_cast %swap3A_113 : vector<1x16xf32> to vector<16xf32>
      %swap3A_115 = vector.shape_cast %broadcast_in_dim3A_110 : vector<16xf32> to vector<1x16xf32>
      tpu.vector_store %arg16[%swap3A_111, %swap3A_112], %swap3A_115 {strides = array<i32>} : memref<40x128xf32, #tpu.memory_space<vmem>>, vector<1x16xf32>,
      %broadcast_in_dim3A_116 = arith.constant 1.000000e+00 : f32
      %broadcast_in_dim3A_117 = vector.broadcast %broadcast_in_dim3A_116 : f32 to vector<16xf32>
      %swap3A_118 = arith.index_cast %scan3A_96 : i32 to index
      %swap3A_119 = arith.constant 48 : index
      %swap3A_120 = tpu.vector_load %arg16[%swap3A_118, %swap3A_119] {strides = array<i32>} : memref<40x128xf32, #tpu.memory_space<vmem>>, vector<1x16xf32>,
      %swap3A_121 = vector.shape_cast %swap3A_120 : vector<1x16xf32> to vector<16xf32>
      %swap3A_122 = vector.shape_cast %broadcast_in_dim3A_117 : vector<16xf32> to vector<1x16xf32>
      tpu.vector_store %arg16[%swap3A_118, %swap3A_119], %swap3A_122 {strides = array<i32>} : memref<40x128xf32, #tpu.memory_space<vmem>>, vector<1x16xf32>,
      %broadcast_in_dim3A_123 = arith.constant 1.000000e+00 : f32
      %broadcast_in_dim3A_124 = vector.broadcast %broadcast_in_dim3A_123 : f32 to vector<16xf32>
      %swap3A_125 = arith.index_cast %scan3A_96 : i32 to index
      %swap3A_126 = arith.constant 64 : index
      %swap3A_127 = tpu.vector_load %arg16[%swap3A_125, %swap3A_126] {strides = array<i32>} : memref<40x128xf32, #tpu.memory_space<vmem>>, vector<1x16xf32>,
      %swap3A_128 = vector.shape_cast %swap3A_127 : vector<1x16xf32> to vector<16xf32>
      %swap3A_129 = vector.shape_cast %broadcast_in_dim3A_124 : vector<16xf32> to vector<1x16xf32>
      tpu.vector_store %arg16[%swap3A_125, %swap3A_126], %swap3A_129 {strides = array<i32>} : memref<40x128xf32, #tpu.memory_space<vmem>>, vector<1x16xf32>,
      %broadcast_in_dim3A_130 = arith.constant 1.000000e+00 : f32
      %broadcast_in_dim3A_131 = vector.broadcast %broadcast_in_dim3A_130 : f32 to vector<16xf32>
      %swap3A_132 = arith.index_cast %scan3A_96 : i32 to index
      %swap3A_133 = arith.constant 80 : index
      %swap3A_134 = tpu.vector_load %arg16[%swap3A_132, %swap3A_133] {strides = array<i32>} : memref<40x128xf32, #tpu.memory_space<vmem>>, vector<1x16xf32>,
      %swap3A_135 = vector.shape_cast %swap3A_134 : vector<1x16xf32> to vector<16xf32>
      %swap3A_136 = vector.shape_cast %broadcast_in_dim3A_131 : vector<16xf32> to vector<1x16xf32>
      tpu.vector_store %arg16[%swap3A_132, %swap3A_133], %swap3A_136 {strides = array<i32>} : memref<40x128xf32, #tpu.memory_space<vmem>>, vector<1x16xf32>,
      %broadcast_in_dim3A_137 = arith.constant 1.000000e+00 : f32
      %broadcast_in_dim3A_138 = vector.broadcast %broadcast_in_dim3A_137 : f32 to vector<16xf32>
      %swap3A_139 = arith.index_cast %scan3A_96 : i32 to index
      %swap3A_140 = arith.constant 96 : index
      %swap3A_141 = tpu.vector_load %arg16[%swap3A_139, %swap3A_140] {strides = array<i32>} : memref<40x128xf32, #tpu.memory_space<vmem>>, vector<1x16xf32>,
      %swap3A_142 = vector.shape_cast %swap3A_141 : vector<1x16xf32> to vector<16xf32>
      %swap3A_143 = vector.shape_cast %broadcast_in_dim3A_138 : vector<16xf32> to vector<1x16xf32>
      tpu.vector_store %arg16[%swap3A_139, %swap3A_140], %swap3A_143 {strides = array<i32>} : memref<40x128xf32, #tpu.memory_space<vmem>>, vector<1x16xf32>,
      %broadcast_in_dim3A_144 = arith.constant 1.000000e+00 : f32
      %broadcast_in_dim3A_145 = vector.broadcast %broadcast_in_dim3A_144 : f32 to vector<16xf32>
      %swap3A_146 = arith.index_cast %scan3A_96 : i32 to index
      %swap3A_147 = arith.constant 112 : index
      %swap3A_148 = tpu.vector_load %arg16[%swap3A_146, %swap3A_147] {strides = array<i32>} : memref<40x128xf32, #tpu.memory_space<vmem>>, vector<1x16xf32>,
      %swap3A_149 = vector.shape_cast %swap3A_148 : vector<1x16xf32> to vector<16xf32>
      %swap3A_150 = vector.shape_cast %broadcast_in_dim3A_145 : vector<16xf32> to vector<1x16xf32>
      tpu.vector_store %arg16[%swap3A_146, %swap3A_147], %swap3A_150 {strides = array<i32>} : memref<40x128xf32, #tpu.memory_space<vmem>>, vector<1x16xf32>,
    }
    %scan3A_9 = arith.constant 40 : i32
    %scan3A_10 = arith.constant 0 : i32
    %scan3A_11 = arith.constant 0 : i32
    %scan3A_12 = arith.constant 16 : i32
    %scan3A_13 = arith.addi %scan3A_11, %scan3A_12 : i32
    %scan3A_14 = arith.constant 1 : i32
    scf.for %scan3A_96 = %scan3A_11 to %scan3A_13 step %scan3A_14  : i32 {
      %broadcast_in_dim3A = arith.constant 0.000000e+00 : f32
      %broadcast_in_dim3A_97 = vector.broadcast %broadcast_in_dim3A : f32 to vector<16xf32>
      %swap3A = arith.index_cast %scan3A_96 : i32 to index
      %swap3A_98 = arith.constant 0 : index
      %swap3A_99 = tpu.vector_load %arg17[%swap3A, %swap3A_98] {strides = array<i32>} : memref<16x128xf32, #tpu.memory_space<vmem>>, vector<1x16xf32>,
      %swap3A_100 = vector.shape_cast %swap3A_99 : vector<1x16xf32> to vector<16xf32>
      %swap3A_101 = vector.shape_cast %broadcast_in_dim3A_97 : vector<16xf32> to vector<1x16xf32>
      tpu.vector_store %arg17[%swap3A, %swap3A_98], %swap3A_101 {strides = array<i32>} : memref<16x128xf32, #tpu.memory_space<vmem>>, vector<1x16xf32>,
      %broadcast_in_dim3A_102 = arith.constant 0.000000e+00 : f32
      %broadcast_in_dim3A_103 = vector.broadcast %broadcast_in_dim3A_102 : f32 to vector<16xf32>
      %swap3A_104 = arith.index_cast %scan3A_96 : i32 to index
      %swap3A_105 = arith.constant 16 : index
      %swap3A_106 = tpu.vector_load %arg17[%swap3A_104, %swap3A_105] {strides = array<i32>} : memref<16x128xf32, #tpu.memory_space<vmem>>, vector<1x16xf32>,
      %swap3A_107 = vector.shape_cast %swap3A_106 : vector<1x16xf32> to vector<16xf32>
      %swap3A_108 = vector.shape_cast %broadcast_in_dim3A_103 : vector<16xf32> to vector<1x16xf32>
      tpu.vector_store %arg17[%swap3A_104, %swap3A_105], %swap3A_108 {strides = array<i32>} : memref<16x128xf32, #tpu.memory_space<vmem>>, vector<1x16xf32>,
      %broadcast_in_dim3A_109 = arith.constant 0.000000e+00 : f32
      %broadcast_in_dim3A_110 = vector.broadcast %broadcast_in_dim3A_109 : f32 to vector<16xf32>
      %swap3A_111 = arith.index_cast %scan3A_96 : i32 to index
      %swap3A_112 = arith.constant 32 : index
      %swap3A_113 = tpu.vector_load %arg17[%swap3A_111, %swap3A_112] {strides = array<i32>} : memref<16x128xf32, #tpu.memory_space<vmem>>, vector<1x16xf32>,
      %swap3A_114 = vector.shape_cast %swap3A_113 : vector<1x16xf32> to vector<16xf32>
      %swap3A_115 = vector.shape_cast %broadcast_in_dim3A_110 : vector<16xf32> to vector<1x16xf32>
      tpu.vector_store %arg17[%swap3A_111, %swap3A_112], %swap3A_115 {strides = array<i32>} : memref<16x128xf32, #tpu.memory_space<vmem>>, vector<1x16xf32>,
      %broadcast_in_dim3A_116 = arith.constant 0.000000e+00 : f32
      %broadcast_in_dim3A_117 = vector.broadcast %broadcast_in_dim3A_116 : f32 to vector<16xf32>
      %swap3A_118 = arith.index_cast %scan3A_96 : i32 to index
      %swap3A_119 = arith.constant 48 : index
      %swap3A_120 = tpu.vector_load %arg17[%swap3A_118, %swap3A_119] {strides = array<i32>} : memref<16x128xf32, #tpu.memory_space<vmem>>, vector<1x16xf32>,
      %swap3A_121 = vector.shape_cast %swap3A_120 : vector<1x16xf32> to vector<16xf32>
      %swap3A_122 = vector.shape_cast %broadcast_in_dim3A_117 : vector<16xf32> to vector<1x16xf32>
      tpu.vector_store %arg17[%swap3A_118, %swap3A_119], %swap3A_122 {strides = array<i32>} : memref<16x128xf32, #tpu.memory_space<vmem>>, vector<1x16xf32>,
      %broadcast_in_dim3A_123 = arith.constant 0.000000e+00 : f32
      %broadcast_in_dim3A_124 = vector.broadcast %broadcast_in_dim3A_123 : f32 to vector<16xf32>
      %swap3A_125 = arith.index_cast %scan3A_96 : i32 to index
      %swap3A_126 = arith.constant 64 : index
      %swap3A_127 = tpu.vector_load %arg17[%swap3A_125, %swap3A_126] {strides = array<i32>} : memref<16x128xf32, #tpu.memory_space<vmem>>, vector<1x16xf32>,
      %swap3A_128 = vector.shape_cast %swap3A_127 : vector<1x16xf32> to vector<16xf32>
      %swap3A_129 = vector.shape_cast %broadcast_in_dim3A_124 : vector<16xf32> to vector<1x16xf32>
      tpu.vector_store %arg17[%swap3A_125, %swap3A_126], %swap3A_129 {strides = array<i32>} : memref<16x128xf32, #tpu.memory_space<vmem>>, vector<1x16xf32>,
      %broadcast_in_dim3A_130 = arith.constant 0.000000e+00 : f32
      %broadcast_in_dim3A_131 = vector.broadcast %broadcast_in_dim3A_130 : f32 to vector<16xf32>
      %swap3A_132 = arith.index_cast %scan3A_96 : i32 to index
      %swap3A_133 = arith.constant 80 : index
      %swap3A_134 = tpu.vector_load %arg17[%swap3A_132, %swap3A_133] {strides = array<i32>} : memref<16x128xf32, #tpu.memory_space<vmem>>, vector<1x16xf32>,
      %swap3A_135 = vector.shape_cast %swap3A_134 : vector<1x16xf32> to vector<16xf32>
      %swap3A_136 = vector.shape_cast %broadcast_in_dim3A_131 : vector<16xf32> to vector<1x16xf32>
      tpu.vector_store %arg17[%swap3A_132, %swap3A_133], %swap3A_136 {strides = array<i32>} : memref<16x128xf32, #tpu.memory_space<vmem>>, vector<1x16xf32>,
      %broadcast_in_dim3A_137 = arith.constant 0.000000e+00 : f32
      %broadcast_in_dim3A_138 = vector.broadcast %broadcast_in_dim3A_137 : f32 to vector<16xf32>
      %swap3A_139 = arith.index_cast %scan3A_96 : i32 to index
      %swap3A_140 = arith.constant 96 : index
      %swap3A_141 = tpu.vector_load %arg17[%swap3A_139, %swap3A_140] {strides = array<i32>} : memref<16x128xf32, #tpu.memory_space<vmem>>, vector<1x16xf32>,
      %swap3A_142 = vector.shape_cast %swap3A_141 : vector<1x16xf32> to vector<16xf32>
      %swap3A_143 = vector.shape_cast %broadcast_in_dim3A_138 : vector<16xf32> to vector<1x16xf32>
      tpu.vector_store %arg17[%swap3A_139, %swap3A_140], %swap3A_143 {strides = array<i32>} : memref<16x128xf32, #tpu.memory_space<vmem>>, vector<1x16xf32>,
      %broadcast_in_dim3A_144 = arith.constant 0.000000e+00 : f32
      %broadcast_in_dim3A_145 = vector.broadcast %broadcast_in_dim3A_144 : f32 to vector<16xf32>
      %swap3A_146 = arith.index_cast %scan3A_96 : i32 to index
      %swap3A_147 = arith.constant 112 : index
      %swap3A_148 = tpu.vector_load %arg17[%swap3A_146, %swap3A_147] {strides = array<i32>} : memref<16x128xf32, #tpu.memory_space<vmem>>, vector<1x16xf32>,
      %swap3A_149 = vector.shape_cast %swap3A_148 : vector<1x16xf32> to vector<16xf32>
      %swap3A_150 = vector.shape_cast %broadcast_in_dim3A_145 : vector<16xf32> to vector<1x16xf32>
      tpu.vector_store %arg17[%swap3A_146, %swap3A_147], %swap3A_150 {strides = array<i32>} : memref<16x128xf32, #tpu.memory_space<vmem>>, vector<1x16xf32>,
    }
    %scan3A_15 = arith.constant 16 : i32
    %scan3A_16 = arith.constant 0 : i32
    %scan3A_17 = arith.constant 0 : i32
    %scan3A_18 = arith.constant 39 : i32
    %scan3A_19 = arith.addi %scan3A_17, %scan3A_18 : i32
    %scan3A_20 = arith.constant 1 : i32
    scf.for %scan3A_96 = %scan3A_17 to %scan3A_19 step %scan3A_20  : i32 {
      %mul3A_97 = arith.constant 16 : i32
      %mul3A_98 = arith.muli %scan3A_96, %mul3A_97 : i32
      %add3A_99 = arith.addi %mul3A_4, %mul3A_98 : i32
      "tpu.region"() ({
        %run_scoped3A = tpu.sem_alloc : memref<!tpu.dma_semaphore, #tpu.memory_space<semaphore_mem>>
        %dma_start3A_100 = arith.constant 0 : i32
        %dma_start3A_101 = tpu.memref_slice %arg18[%add3A_99, %dma_start3A_100] : memref<10000x128xf32, #tpu.memory_space<vmem_shared>> -> memref<16x128xf32, #tpu.memory_space<vmem_shared>>
        %dma_start3A_102 = arith.constant 0 : i32
        %dma_start3A_103 = tpu.memref_slice %arg18[%add3A_99, %dma_start3A_102] : memref<10000x128xf32, #tpu.memory_space<vmem_shared>> -> memref<16x128xf32, #tpu.memory_space<vmem_shared>>
        tpu.enqueue_dma source(%arg17 : memref<16x128xf32, #tpu.memory_space<vmem>>) target(%dma_start3A_103 : memref<16x128xf32, #tpu.memory_space<vmem_shared>>) target_semaphore(%run_scoped3A : memref<!tpu.dma_semaphore, #tpu.memory_space<semaphore_mem>>)
        %dma_wait3A_104 = arith.constant 0 : i32
        %dma_wait3A_105 = tpu.memref_slice %arg18[%add3A_99, %dma_wait3A_104] : memref<10000x128xf32, #tpu.memory_space<vmem_shared>> -> memref<16x128xf32, #tpu.memory_space<vmem_shared>>
        %dma_wait3A_106 = arith.constant 0 : i32
        %dma_wait3A_107 = tpu.memref_slice %arg18[%add3A_99, %dma_wait3A_106] : memref<10000x128xf32, #tpu.memory_space<vmem_shared>> -> memref<16x128xf32, #tpu.memory_space<vmem_shared>>
        tpu.wait_dma2 semaphore(%run_scoped3A : memref<!tpu.dma_semaphore, #tpu.memory_space<semaphore_mem>>) src(%arg17 : memref<16x128xf32, #tpu.memory_space<vmem>>) dst(%dma_wait3A_107 : memref<16x128xf32, #tpu.memory_space<vmem_shared>>)
        tpu.yield
      }) : () -> ()
    }
    %scan3A_21 = arith.constant 39 : i32
    %eq3A = arith.constant 0 : i32
    %eq3A_22 = arith.cmpi eq, %arg1, %eq3A : i32
    %convert_element_type3A = arith.extui %eq3A_22 : i1 to i32
    %cond3A = arith.constant 0 : i32
    %cond3A_23 = arith.cmpi ne, %convert_element_type3A, %cond3A : i32
    scf.if %cond3A_23 {
      %scan3A_96 = arith.constant 0 : i32
      %scan3A_97 = arith.constant 0 : i32
      %mul3A_98 = arith.constant 16 : i32
      %mul3A_99 = arith.muli %scan3A_97, %mul3A_98 : i32
      %add3A_100 = arith.constant 9984 : i32
      %add3A_101 = arith.addi %add3A_100, %mul3A_99 : i32
      "tpu.region"() ({
        %run_scoped3A = tpu.sem_alloc : memref<!tpu.dma_semaphore, #tpu.memory_space<semaphore_mem>>
        %dma_start3A_103 = arith.constant 0 : i32
        %dma_start3A_104 = tpu.memref_slice %arg18[%add3A_101, %dma_start3A_103] : memref<10000x128xf32, #tpu.memory_space<vmem_shared>> -> memref<16x128xf32, #tpu.memory_space<vmem_shared>>
        %dma_start3A_105 = arith.constant 0 : i32
        %dma_start3A_106 = tpu.memref_slice %arg18[%add3A_101, %dma_start3A_105] : memref<10000x128xf32, #tpu.memory_space<vmem_shared>> -> memref<16x128xf32, #tpu.memory_space<vmem_shared>>
        tpu.enqueue_dma source(%arg17 : memref<16x128xf32, #tpu.memory_space<vmem>>) target(%dma_start3A_106 : memref<16x128xf32, #tpu.memory_space<vmem_shared>>) target_semaphore(%run_scoped3A : memref<!tpu.dma_semaphore, #tpu.memory_space<semaphore_mem>>)
        %dma_wait3A_107 = arith.constant 0 : i32
        %dma_wait3A_108 = tpu.memref_slice %arg18[%add3A_101, %dma_wait3A_107] : memref<10000x128xf32, #tpu.memory_space<vmem_shared>> -> memref<16x128xf32, #tpu.memory_space<vmem_shared>>
        %dma_wait3A_109 = arith.constant 0 : i32
        %dma_wait3A_110 = tpu.memref_slice %arg18[%add3A_101, %dma_wait3A_109] : memref<10000x128xf32, #tpu.memory_space<vmem_shared>> -> memref<16x128xf32, #tpu.memory_space<vmem_shared>>
        tpu.wait_dma2 semaphore(%run_scoped3A : memref<!tpu.dma_semaphore, #tpu.memory_space<semaphore_mem>>) src(%arg17 : memref<16x128xf32, #tpu.memory_space<vmem>>) dst(%dma_wait3A_110 : memref<16x128xf32, #tpu.memory_space<vmem_shared>>)
        tpu.yield
      }) : () -> ()
      %scan3A_102 = arith.constant 1 : i32
    } else {
    }
    %barrier3A = arith.constant 0 : index
    tpu.barrier barrier_id(%barrier3A)
    %add3A_24 = arith.constant 0 : i32
    %add3A_25 = arith.addi %mul3A_2, %add3A_24 : i32
    "tpu.region"() ({
      %run_scoped3A = tpu.sem_alloc : memref<!tpu.dma_semaphore, #tpu.memory_space<semaphore_mem>>
      %dma_start3A_96 = tpu.memref_slice %arg4[%add3A_25] : memref<320000xi32, #tpu.memory_space<hbm>> -> memref<40xi32, #tpu.memory_space<hbm>>
      %dma_start3A_97 = tpu.memref_slice %arg4[%add3A_25] : memref<320000xi32, #tpu.memory_space<hbm>> -> memref<40xi32, #tpu.memory_space<hbm>>
      tpu.enqueue_dma source(%dma_start3A_97 : memref<40xi32, #tpu.memory_space<hbm>>) target(%arg8 : memref<40xi32, #tpu.memory_space<vmem>>) target_semaphore(%run_scoped3A : memref<!tpu.dma_semaphore, #tpu.memory_space<semaphore_mem>>)
      %dma_wait3A_98 = tpu.memref_slice %arg4[%add3A_25] : memref<320000xi32, #tpu.memory_space<hbm>> -> memref<40xi32, #tpu.memory_space<hbm>>
      %dma_wait3A_99 = tpu.memref_slice %arg4[%add3A_25] : memref<320000xi32, #tpu.memory_space<hbm>> -> memref<40xi32, #tpu.memory_space<hbm>>
      tpu.wait_dma2 semaphore(%run_scoped3A : memref<!tpu.dma_semaphore, #tpu.memory_space<semaphore_mem>>) src(%dma_wait3A_99 : memref<40xi32, #tpu.memory_space<hbm>>) dst(%arg8 : memref<40xi32, #tpu.memory_space<vmem>>)
      tpu.yield
    }) : () -> ()
    "tpu.region"() ({
      %run_scoped3A = tpu.sem_alloc : memref<!tpu.dma_semaphore, #tpu.memory_space<semaphore_mem>>
      %dma_start3A_96 = tpu.memref_slice %arg5[%add3A_25] : memref<320000xi32, #tpu.memory_space<hbm>> -> memref<40xi32, #tpu.memory_space<hbm>>
      %dma_start3A_97 = tpu.memref_slice %arg5[%add3A_25] : memref<320000xi32, #tpu.memory_space<hbm>> -> memref<40xi32, #tpu.memory_space<hbm>>
      tpu.enqueue_dma source(%dma_start3A_97 : memref<40xi32, #tpu.memory_space<hbm>>) target(%arg9 : memref<40xi32, #tpu.memory_space<vmem>>) target_semaphore(%run_scoped3A : memref<!tpu.dma_semaphore, #tpu.memory_space<semaphore_mem>>)
      %dma_wait3A_98 = tpu.memref_slice %arg5[%add3A_25] : memref<320000xi32, #tpu.memory_space<hbm>> -> memref<40xi32, #tpu.memory_space<hbm>>
      %dma_wait3A_99 = tpu.memref_slice %arg5[%add3A_25] : memref<320000xi32, #tpu.memory_space<hbm>> -> memref<40xi32, #tpu.memory_space<hbm>>
      tpu.wait_dma2 semaphore(%run_scoped3A : memref<!tpu.dma_semaphore, #tpu.memory_space<semaphore_mem>>) src(%dma_wait3A_99 : memref<40xi32, #tpu.memory_space<hbm>>) dst(%arg9 : memref<40xi32, #tpu.memory_space<vmem>>)
      tpu.yield
    }) : () -> ()
    %dma_start3A = arith.constant 0 : i32
    %dma_start3A_26 = arith.constant 0 : i32
    %dma_start3A_27 = tpu.memref_slice %arg2[%dma_start3A, %dma_start3A_26] : memref<10000x128xf32, #tpu.memory_space<hbm>> -> memref<10000x128xf32, #tpu.memory_space<hbm>>
    tpu.enqueue_indirect_dma source(%dma_start3A_27 : memref<10000x128xf32, #tpu.memory_space<hbm>>) target(%arg12 : memref<40x128xf32, #tpu.memory_space<vmem>>) offsets(%arg8 : memref<40xi32, #tpu.memory_space<vmem>>) semaphore(%arg19 : memref<!tpu.dma_semaphore, #tpu.memory_space<semaphore_mem>>)
    %dma_start3A_28 = arith.constant 0 : i32
    %dma_start3A_29 = arith.constant 0 : i32
    %dma_start3A_30 = tpu.memref_slice %arg3[%dma_start3A_28, %dma_start3A_29] : memref<10000x128xf32, #tpu.memory_space<hbm>> -> memref<10000x128xf32, #tpu.memory_space<hbm>>
    tpu.enqueue_indirect_dma source(%dma_start3A_30 : memref<10000x128xf32, #tpu.memory_space<hbm>>) target(%arg13 : memref<40x128xf32, #tpu.memory_space<vmem>>) offsets(%arg9 : memref<40xi32, #tpu.memory_space<vmem>>) semaphore(%arg20 : memref<!tpu.dma_semaphore, #tpu.memory_space<semaphore_mem>>)
    %dma_start3A_31 = arith.constant 0 : i32
    %dma_start3A_32 = arith.constant 0 : i32
    %dma_start3A_33 = tpu.memref_slice %arg18[%dma_start3A_31, %dma_start3A_32] : memref<10000x128xf32, #tpu.memory_space<vmem_shared>> -> memref<10000x128xf32, #tpu.memory_space<vmem_shared>>
    tpu.enqueue_indirect_dma source(%arg16 : memref<40x128xf32, #tpu.memory_space<vmem>>) target(%dma_start3A_33 : memref<10000x128xf32, #tpu.memory_space<vmem_shared>>) offsets(%arg8 : memref<40xi32, #tpu.memory_space<vmem>>) semaphore(%arg21 : memref<!tpu.dma_semaphore, #tpu.memory_space<semaphore_mem>>) {add = true}
    %scan3A_34 = arith.constant 0 : i32
    %scan3A_35 = arith.constant 0 : i32
    %scan3A_36 = arith.constant 124 : i32
    %scan3A_37 = arith.addi %scan3A_35, %scan3A_36 : i32
    %scan3A_38 = arith.constant 1 : i32
    scf.for %scan3A_96 = %scan3A_35 to %scan3A_37 step %scan3A_38  : i32 {
      %mul3A_97 = arith.constant 2 : i32
      %mul3A_98 = arith.muli %mul3A_97, %scan3A_96 : i32
      %add3A_99 = arith.constant 1 : i32
      %add3A_100 = arith.addi %add3A_99, %mul3A_98 : i32
      %mul3A_101 = arith.constant 40 : i32
      %mul3A_102 = arith.muli %add3A_100, %mul3A_101 : i32
      %add3A_103 = arith.addi %mul3A_2, %mul3A_102 : i32
      "tpu.region"() ({
        %run_scoped3A = tpu.sem_alloc : memref<!tpu.dma_semaphore, #tpu.memory_space<semaphore_mem>>
        %dma_start3A_164 = tpu.memref_slice %arg4[%add3A_103] : memref<320000xi32, #tpu.memory_space<hbm>> -> memref<40xi32, #tpu.memory_space<hbm>>
        %dma_start3A_165 = tpu.memref_slice %arg4[%add3A_103] : memref<320000xi32, #tpu.memory_space<hbm>> -> memref<40xi32, #tpu.memory_space<hbm>>
        tpu.enqueue_dma source(%dma_start3A_165 : memref<40xi32, #tpu.memory_space<hbm>>) target(%arg10 : memref<40xi32, #tpu.memory_space<vmem>>) target_semaphore(%run_scoped3A : memref<!tpu.dma_semaphore, #tpu.memory_space<semaphore_mem>>)
        %dma_wait3A_166 = tpu.memref_slice %arg4[%add3A_103] : memref<320000xi32, #tpu.memory_space<hbm>> -> memref<40xi32, #tpu.memory_space<hbm>>
        %dma_wait3A_167 = tpu.memref_slice %arg4[%add3A_103] : memref<320000xi32, #tpu.memory_space<hbm>> -> memref<40xi32, #tpu.memory_space<hbm>>
        tpu.wait_dma2 semaphore(%run_scoped3A : memref<!tpu.dma_semaphore, #tpu.memory_space<semaphore_mem>>) src(%dma_wait3A_167 : memref<40xi32, #tpu.memory_space<hbm>>) dst(%arg10 : memref<40xi32, #tpu.memory_space<vmem>>)
        tpu.yield
      }) : () -> ()
      "tpu.region"() ({
        %run_scoped3A = tpu.sem_alloc : memref<!tpu.dma_semaphore, #tpu.memory_space<semaphore_mem>>
        %dma_start3A_164 = tpu.memref_slice %arg5[%add3A_103] : memref<320000xi32, #tpu.memory_space<hbm>> -> memref<40xi32, #tpu.memory_space<hbm>>
        %dma_start3A_165 = tpu.memref_slice %arg5[%add3A_103] : memref<320000xi32, #tpu.memory_space<hbm>> -> memref<40xi32, #tpu.memory_space<hbm>>
        tpu.enqueue_dma source(%dma_start3A_165 : memref<40xi32, #tpu.memory_space<hbm>>) target(%arg11 : memref<40xi32, #tpu.memory_space<vmem>>) target_semaphore(%run_scoped3A : memref<!tpu.dma_semaphore, #tpu.memory_space<semaphore_mem>>)
        %dma_wait3A_166 = tpu.memref_slice %arg5[%add3A_103] : memref<320000xi32, #tpu.memory_space<hbm>> -> memref<40xi32, #tpu.memory_space<hbm>>
        %dma_wait3A_167 = tpu.memref_slice %arg5[%add3A_103] : memref<320000xi32, #tpu.memory_space<hbm>> -> memref<40xi32, #tpu.memory_space<hbm>>
        tpu.wait_dma2 semaphore(%run_scoped3A : memref<!tpu.dma_semaphore, #tpu.memory_space<semaphore_mem>>) src(%dma_wait3A_167 : memref<40xi32, #tpu.memory_space<hbm>>) dst(%arg11 : memref<40xi32, #tpu.memory_space<vmem>>)
        tpu.yield
      }) : () -> ()
      %dma_start3A_104 = arith.constant 0 : i32
      %dma_start3A_105 = arith.constant 0 : i32
      %dma_start3A_106 = tpu.memref_slice %arg2[%dma_start3A_104, %dma_start3A_105] : memref<10000x128xf32, #tpu.memory_space<hbm>> -> memref<10000x128xf32, #tpu.memory_space<hbm>>
      tpu.enqueue_indirect_dma source(%dma_start3A_106 : memref<10000x128xf32, #tpu.memory_space<hbm>>) target(%arg14 : memref<40x128xf32, #tpu.memory_space<vmem>>) offsets(%arg10 : memref<40xi32, #tpu.memory_space<vmem>>) semaphore(%arg22 : memref<!tpu.dma_semaphore, #tpu.memory_space<semaphore_mem>>)
      %dma_start3A_107 = arith.constant 0 : i32
      %dma_start3A_108 = arith.constant 0 : i32
      %dma_start3A_109 = tpu.memref_slice %arg3[%dma_start3A_107, %dma_start3A_108] : memref<10000x128xf32, #tpu.memory_space<hbm>> -> memref<10000x128xf32, #tpu.memory_space<hbm>>
      tpu.enqueue_indirect_dma source(%dma_start3A_109 : memref<10000x128xf32, #tpu.memory_space<hbm>>) target(%arg15 : memref<40x128xf32, #tpu.memory_space<vmem>>) offsets(%arg11 : memref<40xi32, #tpu.memory_space<vmem>>) semaphore(%arg23 : memref<!tpu.dma_semaphore, #tpu.memory_space<semaphore_mem>>)
      %dma_start3A_110 = arith.constant 0 : i32
      %dma_start3A_111 = arith.constant 0 : i32
      %dma_start3A_112 = tpu.memref_slice %arg18[%dma_start3A_110, %dma_start3A_111] : memref<10000x128xf32, #tpu.memory_space<vmem_shared>> -> memref<10000x128xf32, #tpu.memory_space<vmem_shared>>
      tpu.enqueue_indirect_dma source(%arg16 : memref<40x128xf32, #tpu.memory_space<vmem>>) target(%dma_start3A_112 : memref<10000x128xf32, #tpu.memory_space<vmem_shared>>) offsets(%arg10 : memref<40xi32, #tpu.memory_space<vmem>>) semaphore(%arg24 : memref<!tpu.dma_semaphore, #tpu.memory_space<semaphore_mem>>) {add = true}
      %sub3A = arith.constant 1 : i32
      %sub3A_113 = arith.subi %add3A_100, %sub3A : i32
      %mul3A_114 = arith.constant 40 : i32
      %mul3A_115 = arith.muli %sub3A_113, %mul3A_114 : i32
      %add3A_116 = arith.addi %mul3A_2, %mul3A_115 : i32
      %dma_wait3A_117 = arith.constant 0 : i32
      %dma_wait3A_118 = arith.constant 0 : i32
      %dma_wait3A_119 = tpu.memref_slice %arg2[%dma_wait3A_117, %dma_wait3A_118] : memref<10000x128xf32, #tpu.memory_space<hbm>> -> memref<10000x128xf32, #tpu.memory_space<hbm>>
      tpu.wait_indirect_dma semaphore(%arg19 : memref<!tpu.dma_semaphore, #tpu.memory_space<semaphore_mem>>) src(%dma_wait3A_119 : memref<10000x128xf32, #tpu.memory_space<hbm>>) dst(%arg12 : memref<40x128xf32, #tpu.memory_space<vmem>>)
      %dma_wait3A_120 = arith.constant 0 : i32
      %dma_wait3A_121 = arith.constant 0 : i32
      %dma_wait3A_122 = tpu.memref_slice %arg3[%dma_wait3A_120, %dma_wait3A_121] : memref<10000x128xf32, #tpu.memory_space<hbm>> -> memref<10000x128xf32, #tpu.memory_space<hbm>>
      tpu.wait_indirect_dma semaphore(%arg20 : memref<!tpu.dma_semaphore, #tpu.memory_space<semaphore_mem>>) src(%dma_wait3A_122 : memref<10000x128xf32, #tpu.memory_space<hbm>>) dst(%arg13 : memref<40x128xf32, #tpu.memory_space<vmem>>)
      %scan3A_123 = arith.constant 0 : i32
      %scan3A_124 = arith.constant 0 : i32
      %scan3A_125 = arith.constant 40 : i32
      %scan3A_126 = arith.addi %scan3A_124, %scan3A_125 : i32
      %scan3A_127 = arith.constant 1 : i32
      scf.for %scan3A_164 = %scan3A_124 to %scan3A_126 step %scan3A_127  : i32 {
        %get3A = arith.index_cast %scan3A_164 : i32 to index
        %get3A_165 = arith.constant 0 : index
        %get3A_166 = tpu.vector_load %arg12[%get3A, %get3A_165] {strides = array<i32>} : memref<40x128xf32, #tpu.memory_space<vmem>>, vector<1x16xf32>,
        %get3A_167 = vector.shape_cast %get3A_166 : vector<1x16xf32> to vector<16xf32>
        %get3A_168 = arith.index_cast %scan3A_164 : i32 to index
        %get3A_169 = arith.constant 0 : index
        %get3A_170 = tpu.vector_load %arg13[%get3A_168, %get3A_169] {strides = array<i32>} : memref<40x128xf32, #tpu.memory_space<vmem>>, vector<1x16xf32>,
        %get3A_171 = vector.shape_cast %get3A_170 : vector<1x16xf32> to vector<16xf32>
        %add3A_172 = arith.addf %get3A_167, %get3A_171 : vector<16xf32>
        %swap3A = arith.index_cast %scan3A_164 : i32 to index
        %swap3A_173 = arith.constant 0 : index
        %swap3A_174 = tpu.vector_load %arg12[%swap3A, %swap3A_173] {strides = array<i32>} : memref<40x128xf32, #tpu.memory_space<vmem>>, vector<1x16xf32>,
        %swap3A_175 = vector.shape_cast %swap3A_174 : vector<1x16xf32> to vector<16xf32>
        %swap3A_176 = vector.shape_cast %add3A_172 : vector<16xf32> to vector<1x16xf32>
        tpu.vector_store %arg12[%swap3A, %swap3A_173], %swap3A_176 {strides = array<i32>} : memref<40x128xf32, #tpu.memory_space<vmem>>, vector<1x16xf32>,
        %get3A_177 = arith.index_cast %scan3A_164 : i32 to index
        %get3A_178 = arith.constant 16 : index
        %get3A_179 = tpu.vector_load %arg12[%get3A_177, %get3A_178] {strides = array<i32>} : memref<40x128xf32, #tpu.memory_space<vmem>>, vector<1x16xf32>,
        %get3A_180 = vector.shape_cast %get3A_179 : vector<1x16xf32> to vector<16xf32>
        %get3A_181 = arith.index_cast %scan3A_164 : i32 to index
        %get3A_182 = arith.constant 16 : index
        %get3A_183 = tpu.vector_load %arg13[%get3A_181, %get3A_182] {strides = array<i32>} : memref<40x128xf32, #tpu.memory_space<vmem>>, vector<1x16xf32>,
        %get3A_184 = vector.shape_cast %get3A_183 : vector<1x16xf32> to vector<16xf32>
        %add3A_185 = arith.addf %get3A_180, %get3A_184 : vector<16xf32>
        %swap3A_186 = arith.index_cast %scan3A_164 : i32 to index
        %swap3A_187 = arith.constant 16 : index
        %swap3A_188 = tpu.vector_load %arg12[%swap3A_186, %swap3A_187] {strides = array<i32>} : memref<40x128xf32, #tpu.memory_space<vmem>>, vector<1x16xf32>,
        %swap3A_189 = vector.shape_cast %swap3A_188 : vector<1x16xf32> to vector<16xf32>
        %swap3A_190 = vector.shape_cast %add3A_185 : vector<16xf32> to vector<1x16xf32>
        tpu.vector_store %arg12[%swap3A_186, %swap3A_187], %swap3A_190 {strides = array<i32>} : memref<40x128xf32, #tpu.memory_space<vmem>>, vector<1x16xf32>,
        %get3A_191 = arith.index_cast %scan3A_164 : i32 to index
        %get3A_192 = arith.constant 32 : index
        %get3A_193 = tpu.vector_load %arg12[%get3A_191, %get3A_192] {strides = array<i32>} : memref<40x128xf32, #tpu.memory_space<vmem>>, vector<1x16xf32>,
        %get3A_194 = vector.shape_cast %get3A_193 : vector<1x16xf32> to vector<16xf32>
        %get3A_195 = arith.index_cast %scan3A_164 : i32 to index
        %get3A_196 = arith.constant 32 : index
        %get3A_197 = tpu.vector_load %arg13[%get3A_195, %get3A_196] {strides = array<i32>} : memref<40x128xf32, #tpu.memory_space<vmem>>, vector<1x16xf32>,
        %get3A_198 = vector.shape_cast %get3A_197 : vector<1x16xf32> to vector<16xf32>
        %add3A_199 = arith.addf %get3A_194, %get3A_198 : vector<16xf32>
        %swap3A_200 = arith.index_cast %scan3A_164 : i32 to index
        %swap3A_201 = arith.constant 32 : index
        %swap3A_202 = tpu.vector_load %arg12[%swap3A_200, %swap3A_201] {strides = array<i32>} : memref<40x128xf32, #tpu.memory_space<vmem>>, vector<1x16xf32>,
        %swap3A_203 = vector.shape_cast %swap3A_202 : vector<1x16xf32> to vector<16xf32>
        %swap3A_204 = vector.shape_cast %add3A_199 : vector<16xf32> to vector<1x16xf32>
        tpu.vector_store %arg12[%swap3A_200, %swap3A_201], %swap3A_204 {strides = array<i32>} : memref<40x128xf32, #tpu.memory_space<vmem>>, vector<1x16xf32>,
        %get3A_205 = arith.index_cast %scan3A_164 : i32 to index
        %get3A_206 = arith.constant 48 : index
        %get3A_207 = tpu.vector_load %arg12[%get3A_205, %get3A_206] {strides = array<i32>} : memref<40x128xf32, #tpu.memory_space<vmem>>, vector<1x16xf32>,
        %get3A_208 = vector.shape_cast %get3A_207 : vector<1x16xf32> to vector<16xf32>
        %get3A_209 = arith.index_cast %scan3A_164 : i32 to index
        %get3A_210 = arith.constant 48 : index
        %get3A_211 = tpu.vector_load %arg13[%get3A_209, %get3A_210] {strides = array<i32>} : memref<40x128xf32, #tpu.memory_space<vmem>>, vector<1x16xf32>,
        %get3A_212 = vector.shape_cast %get3A_211 : vector<1x16xf32> to vector<16xf32>
        %add3A_213 = arith.addf %get3A_208, %get3A_212 : vector<16xf32>
        %swap3A_214 = arith.index_cast %scan3A_164 : i32 to index
        %swap3A_215 = arith.constant 48 : index
        %swap3A_216 = tpu.vector_load %arg12[%swap3A_214, %swap3A_215] {strides = array<i32>} : memref<40x128xf32, #tpu.memory_space<vmem>>, vector<1x16xf32>,
        %swap3A_217 = vector.shape_cast %swap3A_216 : vector<1x16xf32> to vector<16xf32>
        %swap3A_218 = vector.shape_cast %add3A_213 : vector<16xf32> to vector<1x16xf32>
        tpu.vector_store %arg12[%swap3A_214, %swap3A_215], %swap3A_218 {strides = array<i32>} : memref<40x128xf32, #tpu.memory_space<vmem>>, vector<1x16xf32>,
        %get3A_219 = arith.index_cast %scan3A_164 : i32 to index
        %get3A_220 = arith.constant 64 : index
        %get3A_221 = tpu.vector_load %arg12[%get3A_219, %get3A_220] {strides = array<i32>} : memref<40x128xf32, #tpu.memory_space<vmem>>, vector<1x16xf32>,
        %get3A_222 = vector.shape_cast %get3A_221 : vector<1x16xf32> to vector<16xf32>
        %get3A_223 = arith.index_cast %scan3A_164 : i32 to index
        %get3A_224 = arith.constant 64 : index
        %get3A_225 = tpu.vector_load %arg13[%get3A_223, %get3A_224] {strides = array<i32>} : memref<40x128xf32, #tpu.memory_space<vmem>>, vector<1x16xf32>,
        %get3A_226 = vector.shape_cast %get3A_225 : vector<1x16xf32> to vector<16xf32>
        %add3A_227 = arith.addf %get3A_222, %get3A_226 : vector<16xf32>
        %swap3A_228 = arith.index_cast %scan3A_164 : i32 to index
        %swap3A_229 = arith.constant 64 : index
        %swap3A_230 = tpu.vector_load %arg12[%swap3A_228, %swap3A_229] {strides = array<i32>} : memref<40x128xf32, #tpu.memory_space<vmem>>, vector<1x16xf32>,
        %swap3A_231 = vector.shape_cast %swap3A_230 : vector<1x16xf32> to vector<16xf32>
        %swap3A_232 = vector.shape_cast %add3A_227 : vector<16xf32> to vector<1x16xf32>
        tpu.vector_store %arg12[%swap3A_228, %swap3A_229], %swap3A_232 {strides = array<i32>} : memref<40x128xf32, #tpu.memory_space<vmem>>, vector<1x16xf32>,
        %get3A_233 = arith.index_cast %scan3A_164 : i32 to index
        %get3A_234 = arith.constant 80 : index
        %get3A_235 = tpu.vector_load %arg12[%get3A_233, %get3A_234] {strides = array<i32>} : memref<40x128xf32, #tpu.memory_space<vmem>>, vector<1x16xf32>,
        %get3A_236 = vector.shape_cast %get3A_235 : vector<1x16xf32> to vector<16xf32>
        %get3A_237 = arith.index_cast %scan3A_164 : i32 to index
        %get3A_238 = arith.constant 80 : index
        %get3A_239 = tpu.vector_load %arg13[%get3A_237, %get3A_238] {strides = array<i32>} : memref<40x128xf32, #tpu.memory_space<vmem>>, vector<1x16xf32>,
        %get3A_240 = vector.shape_cast %get3A_239 : vector<1x16xf32> to vector<16xf32>
        %add3A_241 = arith.addf %get3A_236, %get3A_240 : vector<16xf32>
        %swap3A_242 = arith.index_cast %scan3A_164 : i32 to index
        %swap3A_243 = arith.constant 80 : index
        %swap3A_244 = tpu.vector_load %arg12[%swap3A_242, %swap3A_243] {strides = array<i32>} : memref<40x128xf32, #tpu.memory_space<vmem>>, vector<1x16xf32>,
        %swap3A_245 = vector.shape_cast %swap3A_244 : vector<1x16xf32> to vector<16xf32>
        %swap3A_246 = vector.shape_cast %add3A_241 : vector<16xf32> to vector<1x16xf32>
        tpu.vector_store %arg12[%swap3A_242, %swap3A_243], %swap3A_246 {strides = array<i32>} : memref<40x128xf32, #tpu.memory_space<vmem>>, vector<1x16xf32>,
        %get3A_247 = arith.index_cast %scan3A_164 : i32 to index
        %get3A_248 = arith.constant 96 : index
        %get3A_249 = tpu.vector_load %arg12[%get3A_247, %get3A_248] {strides = array<i32>} : memref<40x128xf32, #tpu.memory_space<vmem>>, vector<1x16xf32>,
        %get3A_250 = vector.shape_cast %get3A_249 : vector<1x16xf32> to vector<16xf32>
        %get3A_251 = arith.index_cast %scan3A_164 : i32 to index
        %get3A_252 = arith.constant 96 : index
        %get3A_253 = tpu.vector_load %arg13[%get3A_251, %get3A_252] {strides = array<i32>} : memref<40x128xf32, #tpu.memory_space<vmem>>, vector<1x16xf32>,
        %get3A_254 = vector.shape_cast %get3A_253 : vector<1x16xf32> to vector<16xf32>
        %add3A_255 = arith.addf %get3A_250, %get3A_254 : vector<16xf32>
        %swap3A_256 = arith.index_cast %scan3A_164 : i32 to index
        %swap3A_257 = arith.constant 96 : index
        %swap3A_258 = tpu.vector_load %arg12[%swap3A_256, %swap3A_257] {strides = array<i32>} : memref<40x128xf32, #tpu.memory_space<vmem>>, vector<1x16xf32>,
        %swap3A_259 = vector.shape_cast %swap3A_258 : vector<1x16xf32> to vector<16xf32>
        %swap3A_260 = vector.shape_cast %add3A_255 : vector<16xf32> to vector<1x16xf32>
        tpu.vector_store %arg12[%swap3A_256, %swap3A_257], %swap3A_260 {strides = array<i32>} : memref<40x128xf32, #tpu.memory_space<vmem>>, vector<1x16xf32>,
        %get3A_261 = arith.index_cast %scan3A_164 : i32 to index
        %get3A_262 = arith.constant 112 : index
        %get3A_263 = tpu.vector_load %arg12[%get3A_261, %get3A_262] {strides = array<i32>} : memref<40x128xf32, #tpu.memory_space<vmem>>, vector<1x16xf32>,
        %get3A_264 = vector.shape_cast %get3A_263 : vector<1x16xf32> to vector<16xf32>
        %get3A_265 = arith.index_cast %scan3A_164 : i32 to index
        %get3A_266 = arith.constant 112 : index
        %get3A_267 = tpu.vector_load %arg13[%get3A_265, %get3A_266] {strides = array<i32>} : memref<40x128xf32, #tpu.memory_space<vmem>>, vector<1x16xf32>,
        %get3A_268 = vector.shape_cast %get3A_267 : vector<1x16xf32> to vector<16xf32>
        %add3A_269 = arith.addf %get3A_264, %get3A_268 : vector<16xf32>
        %swap3A_270 = arith.index_cast %scan3A_164 : i32 to index
        %swap3A_271 = arith.constant 112 : index
        %swap3A_272 = tpu.vector_load %arg12[%swap3A_270, %swap3A_271] {strides = array<i32>} : memref<40x128xf32, #tpu.memory_space<vmem>>, vector<1x16xf32>,
        %swap3A_273 = vector.shape_cast %swap3A_272 : vector<1x16xf32> to vector<16xf32>
        %swap3A_274 = vector.shape_cast %add3A_269 : vector<16xf32> to vector<1x16xf32>
        tpu.vector_store %arg12[%swap3A_270, %swap3A_271], %swap3A_274 {strides = array<i32>} : memref<40x128xf32, #tpu.memory_space<vmem>>, vector<1x16xf32>,
      }
      %scan3A_128 = arith.constant 40 : i32
      "tpu.region"() ({
        %run_scoped3A = tpu.sem_alloc : memref<!tpu.dma_semaphore, #tpu.memory_space<semaphore_mem>>
        %dma_start3A_164 = arith.constant 0 : i32
        %dma_start3A_165 = tpu.memref_slice %arg6[%add3A_116, %dma_start3A_164] : memref<320000x128xf32, #tpu.memory_space<hbm>> -> memref<40x128xf32, #tpu.memory_space<hbm>>
        %dma_start3A_166 = arith.constant 0 : i32
        %dma_start3A_167 = tpu.memref_slice %arg6[%add3A_116, %dma_start3A_166] : memref<320000x128xf32, #tpu.memory_space<hbm>> -> memref<40x128xf32, #tpu.memory_space<hbm>>
        tpu.enqueue_dma source(%arg12 : memref<40x128xf32, #tpu.memory_space<vmem>>) target(%dma_start3A_167 : memref<40x128xf32, #tpu.memory_space<hbm>>) target_semaphore(%run_scoped3A : memref<!tpu.dma_semaphore, #tpu.memory_space<semaphore_mem>>)
        %dma_wait3A_168 = arith.constant 0 : i32
        %dma_wait3A_169 = tpu.memref_slice %arg6[%add3A_116, %dma_wait3A_168] : memref<320000x128xf32, #tpu.memory_space<hbm>> -> memref<40x128xf32, #tpu.memory_space<hbm>>
        %dma_wait3A_170 = arith.constant 0 : i32
        %dma_wait3A_171 = tpu.memref_slice %arg6[%add3A_116, %dma_wait3A_170] : memref<320000x128xf32, #tpu.memory_space<hbm>> -> memref<40x128xf32, #tpu.memory_space<hbm>>
        tpu.wait_dma2 semaphore(%run_scoped3A : memref<!tpu.dma_semaphore, #tpu.memory_space<semaphore_mem>>) src(%arg12 : memref<40x128xf32, #tpu.memory_space<vmem>>) dst(%dma_wait3A_171 : memref<40x128xf32, #tpu.memory_space<hbm>>)
        tpu.yield
      }) : () -> ()
      %dma_wait3A_129 = arith.constant 0 : i32
      %dma_wait3A_130 = arith.constant 0 : i32
      %dma_wait3A_131 = tpu.memref_slice %arg18[%dma_wait3A_129, %dma_wait3A_130] : memref<10000x128xf32, #tpu.memory_space<vmem_shared>> -> memref<10000x128xf32, #tpu.memory_space<vmem_shared>>
      tpu.wait_indirect_dma semaphore(%arg21 : memref<!tpu.dma_semaphore, #tpu.memory_space<semaphore_mem>>) src(%arg16 : memref<40x128xf32, #tpu.memory_space<vmem>>) dst(%dma_wait3A_131 : memref<10000x128xf32, #tpu.memory_space<vmem_shared>>)
      %add3A_132 = arith.constant 1 : i32
      %add3A_133 = arith.addi %add3A_100, %add3A_132 : i32
      %mul3A_134 = arith.constant 40 : i32
      %mul3A_135 = arith.muli %add3A_133, %mul3A_134 : i32
      %add3A_136 = arith.addi %mul3A_2, %mul3A_135 : i32
      "tpu.region"() ({
        %run_scoped3A = tpu.sem_alloc : memref<!tpu.dma_semaphore, #tpu.memory_space<semaphore_mem>>
        %dma_start3A_164 = tpu.memref_slice %arg4[%add3A_136] : memref<320000xi32, #tpu.memory_space<hbm>> -> memref<40xi32, #tpu.memory_space<hbm>>
        %dma_start3A_165 = tpu.memref_slice %arg4[%add3A_136] : memref<320000xi32, #tpu.memory_space<hbm>> -> memref<40xi32, #tpu.memory_space<hbm>>
        tpu.enqueue_dma source(%dma_start3A_165 : memref<40xi32, #tpu.memory_space<hbm>>) target(%arg8 : memref<40xi32, #tpu.memory_space<vmem>>) target_semaphore(%run_scoped3A : memref<!tpu.dma_semaphore, #tpu.memory_space<semaphore_mem>>)
        %dma_wait3A_166 = tpu.memref_slice %arg4[%add3A_136] : memref<320000xi32, #tpu.memory_space<hbm>> -> memref<40xi32, #tpu.memory_space<hbm>>
        %dma_wait3A_167 = tpu.memref_slice %arg4[%add3A_136] : memref<320000xi32, #tpu.memory_space<hbm>> -> memref<40xi32, #tpu.memory_space<hbm>>
        tpu.wait_dma2 semaphore(%run_scoped3A : memref<!tpu.dma_semaphore, #tpu.memory_space<semaphore_mem>>) src(%dma_wait3A_167 : memref<40xi32, #tpu.memory_space<hbm>>) dst(%arg8 : memref<40xi32, #tpu.memory_space<vmem>>)
        tpu.yield
      }) : () -> ()
      "tpu.region"() ({
        %run_scoped3A = tpu.sem_alloc : memref<!tpu.dma_semaphore, #tpu.memory_space<semaphore_mem>>
        %dma_start3A_164 = tpu.memref_slice %arg5[%add3A_136] : memref<320000xi32, #tpu.memory_space<hbm>> -> memref<40xi32, #tpu.memory_space<hbm>>
        %dma_start3A_165 = tpu.memref_slice %arg5[%add3A_136] : memref<320000xi32, #tpu.memory_space<hbm>> -> memref<40xi32, #tpu.memory_space<hbm>>
        tpu.enqueue_dma source(%dma_start3A_165 : memref<40xi32, #tpu.memory_space<hbm>>) target(%arg9 : memref<40xi32, #tpu.memory_space<vmem>>) target_semaphore(%run_scoped3A : memref<!tpu.dma_semaphore, #tpu.memory_space<semaphore_mem>>)
        %dma_wait3A_166 = tpu.memref_slice %arg5[%add3A_136] : memref<320000xi32, #tpu.memory_space<hbm>> -> memref<40xi32, #tpu.memory_space<hbm>>
        %dma_wait3A_167 = tpu.memref_slice %arg5[%add3A_136] : memref<320000xi32, #tpu.memory_space<hbm>> -> memref<40xi32, #tpu.memory_space<hbm>>
        tpu.wait_dma2 semaphore(%run_scoped3A : memref<!tpu.dma_semaphore, #tpu.memory_space<semaphore_mem>>) src(%dma_wait3A_167 : memref<40xi32, #tpu.memory_space<hbm>>) dst(%arg9 : memref<40xi32, #tpu.memory_space<vmem>>)
        tpu.yield
      }) : () -> ()
      %dma_start3A_137 = arith.constant 0 : i32
      %dma_start3A_138 = arith.constant 0 : i32
      %dma_start3A_139 = tpu.memref_slice %arg2[%dma_start3A_137, %dma_start3A_138] : memref<10000x128xf32, #tpu.memory_space<hbm>> -> memref<10000x128xf32, #tpu.memory_space<hbm>>
      tpu.enqueue_indirect_dma source(%dma_start3A_139 : memref<10000x128xf32, #tpu.memory_space<hbm>>) target(%arg12 : memref<40x128xf32, #tpu.memory_space<vmem>>) offsets(%arg8 : memref<40xi32, #tpu.memory_space<vmem>>) semaphore(%arg19 : memref<!tpu.dma_semaphore, #tpu.memory_space<semaphore_mem>>)
      %dma_start3A_140 = arith.constant 0 : i32
      %dma_start3A_141 = arith.constant 0 : i32
      %dma_start3A_142 = tpu.memref_slice %arg3[%dma_start3A_140, %dma_start3A_141] : memref<10000x128xf32, #tpu.memory_space<hbm>> -> memref<10000x128xf32, #tpu.memory_space<hbm>>
      tpu.enqueue_indirect_dma source(%dma_start3A_142 : memref<10000x128xf32, #tpu.memory_space<hbm>>) target(%arg13 : memref<40x128xf32, #tpu.memory_space<vmem>>) offsets(%arg9 : memref<40xi32, #tpu.memory_space<vmem>>) semaphore(%arg20 : memref<!tpu.dma_semaphore, #tpu.memory_space<semaphore_mem>>)
      %dma_start3A_143 = arith.constant 0 : i32
      %dma_start3A_144 = arith.constant 0 : i32
      %dma_start3A_145 = tpu.memref_slice %arg18[%dma_start3A_143, %dma_start3A_144] : memref<10000x128xf32, #tpu.memory_space<vmem_shared>> -> memref<10000x128xf32, #tpu.memory_space<vmem_shared>>
      tpu.enqueue_indirect_dma source(%arg16 : memref<40x128xf32, #tpu.memory_space<vmem>>) target(%dma_start3A_145 : memref<10000x128xf32, #tpu.memory_space<vmem_shared>>) offsets(%arg8 : memref<40xi32, #tpu.memory_space<vmem>>) semaphore(%arg21 : memref<!tpu.dma_semaphore, #tpu.memory_space<semaphore_mem>>) {add = true}
      %mul3A_146 = arith.constant 40 : i32
      %mul3A_147 = arith.muli %add3A_100, %mul3A_146 : i32
      %add3A_148 = arith.addi %mul3A_2, %mul3A_147 : i32
      %dma_wait3A_149 = arith.constant 0 : i32
      %dma_wait3A_150 = arith.constant 0 : i32
      %dma_wait3A_151 = tpu.memref_slice %arg2[%dma_wait3A_149, %dma_wait3A_150] : memref<10000x128xf32, #tpu.memory_space<hbm>> -> memref<10000x128xf32, #tpu.memory_space<hbm>>
      tpu.wait_indirect_dma semaphore(%arg22 : memref<!tpu.dma_semaphore, #tpu.memory_space<semaphore_mem>>) src(%dma_wait3A_151 : memref<10000x128xf32, #tpu.memory_space<hbm>>) dst(%arg14 : memref<40x128xf32, #tpu.memory_space<vmem>>)
      %dma_wait3A_152 = arith.constant 0 : i32
      %dma_wait3A_153 = arith.constant 0 : i32
      %dma_wait3A_154 = tpu.memref_slice %arg3[%dma_wait3A_152, %dma_wait3A_153] : memref<10000x128xf32, #tpu.memory_space<hbm>> -> memref<10000x128xf32, #tpu.memory_space<hbm>>
      tpu.wait_indirect_dma semaphore(%arg23 : memref<!tpu.dma_semaphore, #tpu.memory_space<semaphore_mem>>) src(%dma_wait3A_154 : memref<10000x128xf32, #tpu.memory_space<hbm>>) dst(%arg15 : memref<40x128xf32, #tpu.memory_space<vmem>>)
      %scan3A_155 = arith.constant 0 : i32
      %scan3A_156 = arith.constant 0 : i32
      %scan3A_157 = arith.constant 40 : i32
      %scan3A_158 = arith.addi %scan3A_156, %scan3A_157 : i32
      %scan3A_159 = arith.constant 1 : i32
      scf.for %scan3A_164 = %scan3A_156 to %scan3A_158 step %scan3A_159  : i32 {
        %get3A = arith.index_cast %scan3A_164 : i32 to index
        %get3A_165 = arith.constant 0 : index
        %get3A_166 = tpu.vector_load %arg14[%get3A, %get3A_165] {strides = array<i32>} : memref<40x128xf32, #tpu.memory_space<vmem>>, vector<1x16xf32>,
        %get3A_167 = vector.shape_cast %get3A_166 : vector<1x16xf32> to vector<16xf32>
        %get3A_168 = arith.index_cast %scan3A_164 : i32 to index
        %get3A_169 = arith.constant 0 : index
        %get3A_170 = tpu.vector_load %arg15[%get3A_168, %get3A_169] {strides = array<i32>} : memref<40x128xf32, #tpu.memory_space<vmem>>, vector<1x16xf32>,
        %get3A_171 = vector.shape_cast %get3A_170 : vector<1x16xf32> to vector<16xf32>
        %add3A_172 = arith.addf %get3A_167, %get3A_171 : vector<16xf32>
        %swap3A = arith.index_cast %scan3A_164 : i32 to index
        %swap3A_173 = arith.constant 0 : index
        %swap3A_174 = tpu.vector_load %arg14[%swap3A, %swap3A_173] {strides = array<i32>} : memref<40x128xf32, #tpu.memory_space<vmem>>, vector<1x16xf32>,
        %swap3A_175 = vector.shape_cast %swap3A_174 : vector<1x16xf32> to vector<16xf32>
        %swap3A_176 = vector.shape_cast %add3A_172 : vector<16xf32> to vector<1x16xf32>
        tpu.vector_store %arg14[%swap3A, %swap3A_173], %swap3A_176 {strides = array<i32>} : memref<40x128xf32, #tpu.memory_space<vmem>>, vector<1x16xf32>,
        %get3A_177 = arith.index_cast %scan3A_164 : i32 to index
        %get3A_178 = arith.constant 16 : index
        %get3A_179 = tpu.vector_load %arg14[%get3A_177, %get3A_178] {strides = array<i32>} : memref<40x128xf32, #tpu.memory_space<vmem>>, vector<1x16xf32>,
        %get3A_180 = vector.shape_cast %get3A_179 : vector<1x16xf32> to vector<16xf32>
        %get3A_181 = arith.index_cast %scan3A_164 : i32 to index
        %get3A_182 = arith.constant 16 : index
        %get3A_183 = tpu.vector_load %arg15[%get3A_181, %get3A_182] {strides = array<i32>} : memref<40x128xf32, #tpu.memory_space<vmem>>, vector<1x16xf32>,
        %get3A_184 = vector.shape_cast %get3A_183 : vector<1x16xf32> to vector<16xf32>
        %add3A_185 = arith.addf %get3A_180, %get3A_184 : vector<16xf32>
        %swap3A_186 = arith.index_cast %scan3A_164 : i32 to index
        %swap3A_187 = arith.constant 16 : index
        %swap3A_188 = tpu.vector_load %arg14[%swap3A_186, %swap3A_187] {strides = array<i32>} : memref<40x128xf32, #tpu.memory_space<vmem>>, vector<1x16xf32>,
        %swap3A_189 = vector.shape_cast %swap3A_188 : vector<1x16xf32> to vector<16xf32>
        %swap3A_190 = vector.shape_cast %add3A_185 : vector<16xf32> to vector<1x16xf32>
        tpu.vector_store %arg14[%swap3A_186, %swap3A_187], %swap3A_190 {strides = array<i32>} : memref<40x128xf32, #tpu.memory_space<vmem>>, vector<1x16xf32>,
        %get3A_191 = arith.index_cast %scan3A_164 : i32 to index
        %get3A_192 = arith.constant 32 : index
        %get3A_193 = tpu.vector_load %arg14[%get3A_191, %get3A_192] {strides = array<i32>} : memref<40x128xf32, #tpu.memory_space<vmem>>, vector<1x16xf32>,
        %get3A_194 = vector.shape_cast %get3A_193 : vector<1x16xf32> to vector<16xf32>
        %get3A_195 = arith.index_cast %scan3A_164 : i32 to index
        %get3A_196 = arith.constant 32 : index
        %get3A_197 = tpu.vector_load %arg15[%get3A_195, %get3A_196] {strides = array<i32>} : memref<40x128xf32, #tpu.memory_space<vmem>>, vector<1x16xf32>,
        %get3A_198 = vector.shape_cast %get3A_197 : vector<1x16xf32> to vector<16xf32>
        %add3A_199 = arith.addf %get3A_194, %get3A_198 : vector<16xf32>
        %swap3A_200 = arith.index_cast %scan3A_164 : i32 to index
        %swap3A_201 = arith.constant 32 : index
        %swap3A_202 = tpu.vector_load %arg14[%swap3A_200, %swap3A_201] {strides = array<i32>} : memref<40x128xf32, #tpu.memory_space<vmem>>, vector<1x16xf32>,
        %swap3A_203 = vector.shape_cast %swap3A_202 : vector<1x16xf32> to vector<16xf32>
        %swap3A_204 = vector.shape_cast %add3A_199 : vector<16xf32> to vector<1x16xf32>
        tpu.vector_store %arg14[%swap3A_200, %swap3A_201], %swap3A_204 {strides = array<i32>} : memref<40x128xf32, #tpu.memory_space<vmem>>, vector<1x16xf32>,
        %get3A_205 = arith.index_cast %scan3A_164 : i32 to index
        %get3A_206 = arith.constant 48 : index
        %get3A_207 = tpu.vector_load %arg14[%get3A_205, %get3A_206] {strides = array<i32>} : memref<40x128xf32, #tpu.memory_space<vmem>>, vector<1x16xf32>,
        %get3A_208 = vector.shape_cast %get3A_207 : vector<1x16xf32> to vector<16xf32>
        %get3A_209 = arith.index_cast %scan3A_164 : i32 to index
        %get3A_210 = arith.constant 48 : index
        %get3A_211 = tpu.vector_load %arg15[%get3A_209, %get3A_210] {strides = array<i32>} : memref<40x128xf32, #tpu.memory_space<vmem>>, vector<1x16xf32>,
        %get3A_212 = vector.shape_cast %get3A_211 : vector<1x16xf32> to vector<16xf32>
        %add3A_213 = arith.addf %get3A_208, %get3A_212 : vector<16xf32>
        %swap3A_214 = arith.index_cast %scan3A_164 : i32 to index
        %swap3A_215 = arith.constant 48 : index
        %swap3A_216 = tpu.vector_load %arg14[%swap3A_214, %swap3A_215] {strides = array<i32>} : memref<40x128xf32, #tpu.memory_space<vmem>>, vector<1x16xf32>,
        %swap3A_217 = vector.shape_cast %swap3A_216 : vector<1x16xf32> to vector<16xf32>
        %swap3A_218 = vector.shape_cast %add3A_213 : vector<16xf32> to vector<1x16xf32>
        tpu.vector_store %arg14[%swap3A_214, %swap3A_215], %swap3A_218 {strides = array<i32>} : memref<40x128xf32, #tpu.memory_space<vmem>>, vector<1x16xf32>,
        %get3A_219 = arith.index_cast %scan3A_164 : i32 to index
        %get3A_220 = arith.constant 64 : index
        %get3A_221 = tpu.vector_load %arg14[%get3A_219, %get3A_220] {strides = array<i32>} : memref<40x128xf32, #tpu.memory_space<vmem>>, vector<1x16xf32>,
        %get3A_222 = vector.shape_cast %get3A_221 : vector<1x16xf32> to vector<16xf32>
        %get3A_223 = arith.index_cast %scan3A_164 : i32 to index
        %get3A_224 = arith.constant 64 : index
        %get3A_225 = tpu.vector_load %arg15[%get3A_223, %get3A_224] {strides = array<i32>} : memref<40x128xf32, #tpu.memory_space<vmem>>, vector<1x16xf32>,
        %get3A_226 = vector.shape_cast %get3A_225 : vector<1x16xf32> to vector<16xf32>
        %add3A_227 = arith.addf %get3A_222, %get3A_226 : vector<16xf32>
        %swap3A_228 = arith.index_cast %scan3A_164 : i32 to index
        %swap3A_229 = arith.constant 64 : index
        %swap3A_230 = tpu.vector_load %arg14[%swap3A_228, %swap3A_229] {strides = array<i32>} : memref<40x128xf32, #tpu.memory_space<vmem>>, vector<1x16xf32>,
        %swap3A_231 = vector.shape_cast %swap3A_230 : vector<1x16xf32> to vector<16xf32>
        %swap3A_232 = vector.shape_cast %add3A_227 : vector<16xf32> to vector<1x16xf32>
        tpu.vector_store %arg14[%swap3A_228, %swap3A_229], %swap3A_232 {strides = array<i32>} : memref<40x128xf32, #tpu.memory_space<vmem>>, vector<1x16xf32>,
        %get3A_233 = arith.index_cast %scan3A_164 : i32 to index
        %get3A_234 = arith.constant 80 : index
        %get3A_235 = tpu.vector_load %arg14[%get3A_233, %get3A_234] {strides = array<i32>} : memref<40x128xf32, #tpu.memory_space<vmem>>, vector<1x16xf32>,
        %get3A_236 = vector.shape_cast %get3A_235 : vector<1x16xf32> to vector<16xf32>
        %get3A_237 = arith.index_cast %scan3A_164 : i32 to index
        %get3A_238 = arith.constant 80 : index
        %get3A_239 = tpu.vector_load %arg15[%get3A_237, %get3A_238] {strides = array<i32>} : memref<40x128xf32, #tpu.memory_space<vmem>>, vector<1x16xf32>,
        %get3A_240 = vector.shape_cast %get3A_239 : vector<1x16xf32> to vector<16xf32>
        %add3A_241 = arith.addf %get3A_236, %get3A_240 : vector<16xf32>
        %swap3A_242 = arith.index_cast %scan3A_164 : i32 to index
        %swap3A_243 = arith.constant 80 : index
        %swap3A_244 = tpu.vector_load %arg14[%swap3A_242, %swap3A_243] {strides = array<i32>} : memref<40x128xf32, #tpu.memory_space<vmem>>, vector<1x16xf32>,
        %swap3A_245 = vector.shape_cast %swap3A_244 : vector<1x16xf32> to vector<16xf32>
        %swap3A_246 = vector.shape_cast %add3A_241 : vector<16xf32> to vector<1x16xf32>
        tpu.vector_store %arg14[%swap3A_242, %swap3A_243], %swap3A_246 {strides = array<i32>} : memref<40x128xf32, #tpu.memory_space<vmem>>, vector<1x16xf32>,
        %get3A_247 = arith.index_cast %scan3A_164 : i32 to index
        %get3A_248 = arith.constant 96 : index
        %get3A_249 = tpu.vector_load %arg14[%get3A_247, %get3A_248] {strides = array<i32>} : memref<40x128xf32, #tpu.memory_space<vmem>>, vector<1x16xf32>,
        %get3A_250 = vector.shape_cast %get3A_249 : vector<1x16xf32> to vector<16xf32>
        %get3A_251 = arith.index_cast %scan3A_164 : i32 to index
        %get3A_252 = arith.constant 96 : index
        %get3A_253 = tpu.vector_load %arg15[%get3A_251, %get3A_252] {strides = array<i32>} : memref<40x128xf32, #tpu.memory_space<vmem>>, vector<1x16xf32>,
        %get3A_254 = vector.shape_cast %get3A_253 : vector<1x16xf32> to vector<16xf32>
        %add3A_255 = arith.addf %get3A_250, %get3A_254 : vector<16xf32>
        %swap3A_256 = arith.index_cast %scan3A_164 : i32 to index
        %swap3A_257 = arith.constant 96 : index
        %swap3A_258 = tpu.vector_load %arg14[%swap3A_256, %swap3A_257] {strides = array<i32>} : memref<40x128xf32, #tpu.memory_space<vmem>>, vector<1x16xf32>,
        %swap3A_259 = vector.shape_cast %swap3A_258 : vector<1x16xf32> to vector<16xf32>
        %swap3A_260 = vector.shape_cast %add3A_255 : vector<16xf32> to vector<1x16xf32>
        tpu.vector_store %arg14[%swap3A_256, %swap3A_257], %swap3A_260 {strides = array<i32>} : memref<40x128xf32, #tpu.memory_space<vmem>>, vector<1x16xf32>,
        %get3A_261 = arith.index_cast %scan3A_164 : i32 to index
        %get3A_262 = arith.constant 112 : index
        %get3A_263 = tpu.vector_load %arg14[%get3A_261, %get3A_262] {strides = array<i32>} : memref<40x128xf32, #tpu.memory_space<vmem>>, vector<1x16xf32>,
        %get3A_264 = vector.shape_cast %get3A_263 : vector<1x16xf32> to vector<16xf32>
        %get3A_265 = arith.index_cast %scan3A_164 : i32 to index
        %get3A_266 = arith.constant 112 : index
        %get3A_267 = tpu.vector_load %arg15[%get3A_265, %get3A_266] {strides = array<i32>} : memref<40x128xf32, #tpu.memory_space<vmem>>, vector<1x16xf32>,
        %get3A_268 = vector.shape_cast %get3A_267 : vector<1x16xf32> to vector<16xf32>
        %add3A_269 = arith.addf %get3A_264, %get3A_268 : vector<16xf32>
        %swap3A_270 = arith.index_cast %scan3A_164 : i32 to index
        %swap3A_271 = arith.constant 112 : index
        %swap3A_272 = tpu.vector_load %arg14[%swap3A_270, %swap3A_271] {strides = array<i32>} : memref<40x128xf32, #tpu.memory_space<vmem>>, vector<1x16xf32>,
        %swap3A_273 = vector.shape_cast %swap3A_272 : vector<1x16xf32> to vector<16xf32>
        %swap3A_274 = vector.shape_cast %add3A_269 : vector<16xf32> to vector<1x16xf32>
        tpu.vector_store %arg14[%swap3A_270, %swap3A_271], %swap3A_274 {strides = array<i32>} : memref<40x128xf32, #tpu.memory_space<vmem>>, vector<1x16xf32>,
      }
      %scan3A_160 = arith.constant 40 : i32
      "tpu.region"() ({
        %run_scoped3A = tpu.sem_alloc : memref<!tpu.dma_semaphore, #tpu.memory_space<semaphore_mem>>
        %dma_start3A_164 = arith.constant 0 : i32
        %dma_start3A_165 = tpu.memref_slice %arg6[%add3A_148, %dma_start3A_164] : memref<320000x128xf32, #tpu.memory_space<hbm>> -> memref<40x128xf32, #tpu.memory_space<hbm>>
        %dma_start3A_166 = arith.constant 0 : i32
        %dma_start3A_167 = tpu.memref_slice %arg6[%add3A_148, %dma_start3A_166] : memref<320000x128xf32, #tpu.memory_space<hbm>> -> memref<40x128xf32, #tpu.memory_space<hbm>>
        tpu.enqueue_dma source(%arg14 : memref<40x128xf32, #tpu.memory_space<vmem>>) target(%dma_start3A_167 : memref<40x128xf32, #tpu.memory_space<hbm>>) target_semaphore(%run_scoped3A : memref<!tpu.dma_semaphore, #tpu.memory_space<semaphore_mem>>)
        %dma_wait3A_168 = arith.constant 0 : i32
        %dma_wait3A_169 = tpu.memref_slice %arg6[%add3A_148, %dma_wait3A_168] : memref<320000x128xf32, #tpu.memory_space<hbm>> -> memref<40x128xf32, #tpu.memory_space<hbm>>
        %dma_wait3A_170 = arith.constant 0 : i32
        %dma_wait3A_171 = tpu.memref_slice %arg6[%add3A_148, %dma_wait3A_170] : memref<320000x128xf32, #tpu.memory_space<hbm>> -> memref<40x128xf32, #tpu.memory_space<hbm>>
        tpu.wait_dma2 semaphore(%run_scoped3A : memref<!tpu.dma_semaphore, #tpu.memory_space<semaphore_mem>>) src(%arg14 : memref<40x128xf32, #tpu.memory_space<vmem>>) dst(%dma_wait3A_171 : memref<40x128xf32, #tpu.memory_space<hbm>>)
        tpu.yield
      }) : () -> ()
      %dma_wait3A_161 = arith.constant 0 : i32
      %dma_wait3A_162 = arith.constant 0 : i32
      %dma_wait3A_163 = tpu.memref_slice %arg18[%dma_wait3A_161, %dma_wait3A_162] : memref<10000x128xf32, #tpu.memory_space<vmem_shared>> -> memref<10000x128xf32, #tpu.memory_space<vmem_shared>>
      tpu.wait_indirect_dma semaphore(%arg24 : memref<!tpu.dma_semaphore, #tpu.memory_space<semaphore_mem>>) src(%arg16 : memref<40x128xf32, #tpu.memory_space<vmem>>) dst(%dma_wait3A_163 : memref<10000x128xf32, #tpu.memory_space<vmem_shared>>)
    }
    %scan3A_39 = arith.constant 124 : i32
    %add3A_40 = arith.constant 9960 : i32
    %add3A_41 = arith.addi %mul3A_2, %add3A_40 : i32
    "tpu.region"() ({
      %run_scoped3A = tpu.sem_alloc : memref<!tpu.dma_semaphore, #tpu.memory_space<semaphore_mem>>
      %dma_start3A_96 = tpu.memref_slice %arg4[%add3A_41] : memref<320000xi32, #tpu.memory_space<hbm>> -> memref<40xi32, #tpu.memory_space<hbm>>
      %dma_start3A_97 = tpu.memref_slice %arg4[%add3A_41] : memref<320000xi32, #tpu.memory_space<hbm>> -> memref<40xi32, #tpu.memory_space<hbm>>
      tpu.enqueue_dma source(%dma_start3A_97 : memref<40xi32, #tpu.memory_space<hbm>>) target(%arg10 : memref<40xi32, #tpu.memory_space<vmem>>) target_semaphore(%run_scoped3A : memref<!tpu.dma_semaphore, #tpu.memory_space<semaphore_mem>>)
      %dma_wait3A_98 = tpu.memref_slice %arg4[%add3A_41] : memref<320000xi32, #tpu.memory_space<hbm>> -> memref<40xi32, #tpu.memory_space<hbm>>
      %dma_wait3A_99 = tpu.memref_slice %arg4[%add3A_41] : memref<320000xi32, #tpu.memory_space<hbm>> -> memref<40xi32, #tpu.memory_space<hbm>>
      tpu.wait_dma2 semaphore(%run_scoped3A : memref<!tpu.dma_semaphore, #tpu.memory_space<semaphore_mem>>) src(%dma_wait3A_99 : memref<40xi32, #tpu.memory_space<hbm>>) dst(%arg10 : memref<40xi32, #tpu.memory_space<vmem>>)
      tpu.yield
    }) : () -> ()
    "tpu.region"() ({
      %run_scoped3A = tpu.sem_alloc : memref<!tpu.dma_semaphore, #tpu.memory_space<semaphore_mem>>
      %dma_start3A_96 = tpu.memref_slice %arg5[%add3A_41] : memref<320000xi32, #tpu.memory_space<hbm>> -> memref<40xi32, #tpu.memory_space<hbm>>
      %dma_start3A_97 = tpu.memref_slice %arg5[%add3A_41] : memref<320000xi32, #tpu.memory_space<hbm>> -> memref<40xi32, #tpu.memory_space<hbm>>
      tpu.enqueue_dma source(%dma_start3A_97 : memref<40xi32, #tpu.memory_space<hbm>>) target(%arg11 : memref<40xi32, #tpu.memory_space<vmem>>) target_semaphore(%run_scoped3A : memref<!tpu.dma_semaphore, #tpu.memory_space<semaphore_mem>>)
      %dma_wait3A_98 = tpu.memref_slice %arg5[%add3A_41] : memref<320000xi32, #tpu.memory_space<hbm>> -> memref<40xi32, #tpu.memory_space<hbm>>
      %dma_wait3A_99 = tpu.memref_slice %arg5[%add3A_41] : memref<320000xi32, #tpu.memory_space<hbm>> -> memref<40xi32, #tpu.memory_space<hbm>>
      tpu.wait_dma2 semaphore(%run_scoped3A : memref<!tpu.dma_semaphore, #tpu.memory_space<semaphore_mem>>) src(%dma_wait3A_99 : memref<40xi32, #tpu.memory_space<hbm>>) dst(%arg11 : memref<40xi32, #tpu.memory_space<vmem>>)
      tpu.yield
    }) : () -> ()
    %dma_start3A_42 = arith.constant 0 : i32
    %dma_start3A_43 = arith.constant 0 : i32
    %dma_start3A_44 = tpu.memref_slice %arg2[%dma_start3A_42, %dma_start3A_43] : memref<10000x128xf32, #tpu.memory_space<hbm>> -> memref<10000x128xf32, #tpu.memory_space<hbm>>
    tpu.enqueue_indirect_dma source(%dma_start3A_44 : memref<10000x128xf32, #tpu.memory_space<hbm>>) target(%arg14 : memref<40x128xf32, #tpu.memory_space<vmem>>) offsets(%arg10 : memref<40xi32, #tpu.memory_space<vmem>>) semaphore(%arg22 : memref<!tpu.dma_semaphore, #tpu.memory_space<semaphore_mem>>)
    %dma_start3A_45 = arith.constant 0 : i32
    %dma_start3A_46 = arith.constant 0 : i32
    %dma_start3A_47 = tpu.memref_slice %arg3[%dma_start3A_45, %dma_start3A_46] : memref<10000x128xf32, #tpu.memory_space<hbm>> -> memref<10000x128xf32, #tpu.memory_space<hbm>>
    tpu.enqueue_indirect_dma source(%dma_start3A_47 : memref<10000x128xf32, #tpu.memory_space<hbm>>) target(%arg15 : memref<40x128xf32, #tpu.memory_space<vmem>>) offsets(%arg11 : memref<40xi32, #tpu.memory_space<vmem>>) semaphore(%arg23 : memref<!tpu.dma_semaphore, #tpu.memory_space<semaphore_mem>>)
    %dma_start3A_48 = arith.constant 0 : i32
    %dma_start3A_49 = arith.constant 0 : i32
    %dma_start3A_50 = tpu.memref_slice %arg18[%dma_start3A_48, %dma_start3A_49] : memref<10000x128xf32, #tpu.memory_space<vmem_shared>> -> memref<10000x128xf32, #tpu.memory_space<vmem_shared>>
    tpu.enqueue_indirect_dma source(%arg16 : memref<40x128xf32, #tpu.memory_space<vmem>>) target(%dma_start3A_50 : memref<10000x128xf32, #tpu.memory_space<vmem_shared>>) offsets(%arg10 : memref<40xi32, #tpu.memory_space<vmem>>) semaphore(%arg24 : memref<!tpu.dma_semaphore, #tpu.memory_space<semaphore_mem>>) {add = true}
    %add3A_51 = arith.constant 9920 : i32
    %add3A_52 = arith.addi %mul3A_2, %add3A_51 : i32
    %dma_wait3A = arith.constant 0 : i32
    %dma_wait3A_53 = arith.constant 0 : i32
    %dma_wait3A_54 = tpu.memref_slice %arg2[%dma_wait3A, %dma_wait3A_53] : memref<10000x128xf32, #tpu.memory_space<hbm>> -> memref<10000x128xf32, #tpu.memory_space<hbm>>
    tpu.wait_indirect_dma semaphore(%arg19 : memref<!tpu.dma_semaphore, #tpu.memory_space<semaphore_mem>>) src(%dma_wait3A_54 : memref<10000x128xf32, #tpu.memory_space<hbm>>) dst(%arg12 : memref<40x128xf32, #tpu.memory_space<vmem>>)
    %dma_wait3A_55 = arith.constant 0 : i32
    %dma_wait3A_56 = arith.constant 0 : i32
    %dma_wait3A_57 = tpu.memref_slice %arg3[%dma_wait3A_55, %dma_wait3A_56] : memref<10000x128xf32, #tpu.memory_space<hbm>> -> memref<10000x128xf32, #tpu.memory_space<hbm>>
    tpu.wait_indirect_dma semaphore(%arg20 : memref<!tpu.dma_semaphore, #tpu.memory_space<semaphore_mem>>) src(%dma_wait3A_57 : memref<10000x128xf32, #tpu.memory_space<hbm>>) dst(%arg13 : memref<40x128xf32, #tpu.memory_space<vmem>>)
    %scan3A_58 = arith.constant 0 : i32
    %scan3A_59 = arith.constant 0 : i32
    %scan3A_60 = arith.constant 40 : i32
    %scan3A_61 = arith.addi %scan3A_59, %scan3A_60 : i32
    %scan3A_62 = arith.constant 1 : i32
    scf.for %scan3A_96 = %scan3A_59 to %scan3A_61 step %scan3A_62  : i32 {
      %get3A = arith.index_cast %scan3A_96 : i32 to index
      %get3A_97 = arith.constant 0 : index
      %get3A_98 = tpu.vector_load %arg12[%get3A, %get3A_97] {strides = array<i32>} : memref<40x128xf32, #tpu.memory_space<vmem>>, vector<1x16xf32>,
      %get3A_99 = vector.shape_cast %get3A_98 : vector<1x16xf32> to vector<16xf32>
      %get3A_100 = arith.index_cast %scan3A_96 : i32 to index
      %get3A_101 = arith.constant 0 : index
      %get3A_102 = tpu.vector_load %arg13[%get3A_100, %get3A_101] {strides = array<i32>} : memref<40x128xf32, #tpu.memory_space<vmem>>, vector<1x16xf32>,
      %get3A_103 = vector.shape_cast %get3A_102 : vector<1x16xf32> to vector<16xf32>
      %add3A_104 = arith.addf %get3A_99, %get3A_103 : vector<16xf32>
      %swap3A = arith.index_cast %scan3A_96 : i32 to index
      %swap3A_105 = arith.constant 0 : index
      %swap3A_106 = tpu.vector_load %arg12[%swap3A, %swap3A_105] {strides = array<i32>} : memref<40x128xf32, #tpu.memory_space<vmem>>, vector<1x16xf32>,
      %swap3A_107 = vector.shape_cast %swap3A_106 : vector<1x16xf32> to vector<16xf32>
      %swap3A_108 = vector.shape_cast %add3A_104 : vector<16xf32> to vector<1x16xf32>
      tpu.vector_store %arg12[%swap3A, %swap3A_105], %swap3A_108 {strides = array<i32>} : memref<40x128xf32, #tpu.memory_space<vmem>>, vector<1x16xf32>,
      %get3A_109 = arith.index_cast %scan3A_96 : i32 to index
      %get3A_110 = arith.constant 16 : index
      %get3A_111 = tpu.vector_load %arg12[%get3A_109, %get3A_110] {strides = array<i32>} : memref<40x128xf32, #tpu.memory_space<vmem>>, vector<1x16xf32>,
      %get3A_112 = vector.shape_cast %get3A_111 : vector<1x16xf32> to vector<16xf32>
      %get3A_113 = arith.index_cast %scan3A_96 : i32 to index
      %get3A_114 = arith.constant 16 : index
      %get3A_115 = tpu.vector_load %arg13[%get3A_113, %get3A_114] {strides = array<i32>} : memref<40x128xf32, #tpu.memory_space<vmem>>, vector<1x16xf32>,
      %get3A_116 = vector.shape_cast %get3A_115 : vector<1x16xf32> to vector<16xf32>
      %add3A_117 = arith.addf %get3A_112, %get3A_116 : vector<16xf32>
      %swap3A_118 = arith.index_cast %scan3A_96 : i32 to index
      %swap3A_119 = arith.constant 16 : index
      %swap3A_120 = tpu.vector_load %arg12[%swap3A_118, %swap3A_119] {strides = array<i32>} : memref<40x128xf32, #tpu.memory_space<vmem>>, vector<1x16xf32>,
      %swap3A_121 = vector.shape_cast %swap3A_120 : vector<1x16xf32> to vector<16xf32>
      %swap3A_122 = vector.shape_cast %add3A_117 : vector<16xf32> to vector<1x16xf32>
      tpu.vector_store %arg12[%swap3A_118, %swap3A_119], %swap3A_122 {strides = array<i32>} : memref<40x128xf32, #tpu.memory_space<vmem>>, vector<1x16xf32>,
      %get3A_123 = arith.index_cast %scan3A_96 : i32 to index
      %get3A_124 = arith.constant 32 : index
      %get3A_125 = tpu.vector_load %arg12[%get3A_123, %get3A_124] {strides = array<i32>} : memref<40x128xf32, #tpu.memory_space<vmem>>, vector<1x16xf32>,
      %get3A_126 = vector.shape_cast %get3A_125 : vector<1x16xf32> to vector<16xf32>
      %get3A_127 = arith.index_cast %scan3A_96 : i32 to index
      %get3A_128 = arith.constant 32 : index
      %get3A_129 = tpu.vector_load %arg13[%get3A_127, %get3A_128] {strides = array<i32>} : memref<40x128xf32, #tpu.memory_space<vmem>>, vector<1x16xf32>,
      %get3A_130 = vector.shape_cast %get3A_129 : vector<1x16xf32> to vector<16xf32>
      %add3A_131 = arith.addf %get3A_126, %get3A_130 : vector<16xf32>
      %swap3A_132 = arith.index_cast %scan3A_96 : i32 to index
      %swap3A_133 = arith.constant 32 : index
      %swap3A_134 = tpu.vector_load %arg12[%swap3A_132, %swap3A_133] {strides = array<i32>} : memref<40x128xf32, #tpu.memory_space<vmem>>, vector<1x16xf32>,
      %swap3A_135 = vector.shape_cast %swap3A_134 : vector<1x16xf32> to vector<16xf32>
      %swap3A_136 = vector.shape_cast %add3A_131 : vector<16xf32> to vector<1x16xf32>
      tpu.vector_store %arg12[%swap3A_132, %swap3A_133], %swap3A_136 {strides = array<i32>} : memref<40x128xf32, #tpu.memory_space<vmem>>, vector<1x16xf32>,
      %get3A_137 = arith.index_cast %scan3A_96 : i32 to index
      %get3A_138 = arith.constant 48 : index
      %get3A_139 = tpu.vector_load %arg12[%get3A_137, %get3A_138] {strides = array<i32>} : memref<40x128xf32, #tpu.memory_space<vmem>>, vector<1x16xf32>,
      %get3A_140 = vector.shape_cast %get3A_139 : vector<1x16xf32> to vector<16xf32>
      %get3A_141 = arith.index_cast %scan3A_96 : i32 to index
      %get3A_142 = arith.constant 48 : index
      %get3A_143 = tpu.vector_load %arg13[%get3A_141, %get3A_142] {strides = array<i32>} : memref<40x128xf32, #tpu.memory_space<vmem>>, vector<1x16xf32>,
      %get3A_144 = vector.shape_cast %get3A_143 : vector<1x16xf32> to vector<16xf32>
      %add3A_145 = arith.addf %get3A_140, %get3A_144 : vector<16xf32>
      %swap3A_146 = arith.index_cast %scan3A_96 : i32 to index
      %swap3A_147 = arith.constant 48 : index
      %swap3A_148 = tpu.vector_load %arg12[%swap3A_146, %swap3A_147] {strides = array<i32>} : memref<40x128xf32, #tpu.memory_space<vmem>>, vector<1x16xf32>,
      %swap3A_149 = vector.shape_cast %swap3A_148 : vector<1x16xf32> to vector<16xf32>
      %swap3A_150 = vector.shape_cast %add3A_145 : vector<16xf32> to vector<1x16xf32>
      tpu.vector_store %arg12[%swap3A_146, %swap3A_147], %swap3A_150 {strides = array<i32>} : memref<40x128xf32, #tpu.memory_space<vmem>>, vector<1x16xf32>,
      %get3A_151 = arith.index_cast %scan3A_96 : i32 to index
      %get3A_152 = arith.constant 64 : index
      %get3A_153 = tpu.vector_load %arg12[%get3A_151, %get3A_152] {strides = array<i32>} : memref<40x128xf32, #tpu.memory_space<vmem>>, vector<1x16xf32>,
      %get3A_154 = vector.shape_cast %get3A_153 : vector<1x16xf32> to vector<16xf32>
      %get3A_155 = arith.index_cast %scan3A_96 : i32 to index
      %get3A_156 = arith.constant 64 : index
      %get3A_157 = tpu.vector_load %arg13[%get3A_155, %get3A_156] {strides = array<i32>} : memref<40x128xf32, #tpu.memory_space<vmem>>, vector<1x16xf32>,
      %get3A_158 = vector.shape_cast %get3A_157 : vector<1x16xf32> to vector<16xf32>
      %add3A_159 = arith.addf %get3A_154, %get3A_158 : vector<16xf32>
      %swap3A_160 = arith.index_cast %scan3A_96 : i32 to index
      %swap3A_161 = arith.constant 64 : index
      %swap3A_162 = tpu.vector_load %arg12[%swap3A_160, %swap3A_161] {strides = array<i32>} : memref<40x128xf32, #tpu.memory_space<vmem>>, vector<1x16xf32>,
      %swap3A_163 = vector.shape_cast %swap3A_162 : vector<1x16xf32> to vector<16xf32>
      %swap3A_164 = vector.shape_cast %add3A_159 : vector<16xf32> to vector<1x16xf32>
      tpu.vector_store %arg12[%swap3A_160, %swap3A_161], %swap3A_164 {strides = array<i32>} : memref<40x128xf32, #tpu.memory_space<vmem>>, vector<1x16xf32>,
      %get3A_165 = arith.index_cast %scan3A_96 : i32 to index
      %get3A_166 = arith.constant 80 : index
      %get3A_167 = tpu.vector_load %arg12[%get3A_165, %get3A_166] {strides = array<i32>} : memref<40x128xf32, #tpu.memory_space<vmem>>, vector<1x16xf32>,
      %get3A_168 = vector.shape_cast %get3A_167 : vector<1x16xf32> to vector<16xf32>
      %get3A_169 = arith.index_cast %scan3A_96 : i32 to index
      %get3A_170 = arith.constant 80 : index
      %get3A_171 = tpu.vector_load %arg13[%get3A_169, %get3A_170] {strides = array<i32>} : memref<40x128xf32, #tpu.memory_space<vmem>>, vector<1x16xf32>,
      %get3A_172 = vector.shape_cast %get3A_171 : vector<1x16xf32> to vector<16xf32>
      %add3A_173 = arith.addf %get3A_168, %get3A_172 : vector<16xf32>
      %swap3A_174 = arith.index_cast %scan3A_96 : i32 to index
      %swap3A_175 = arith.constant 80 : index
      %swap3A_176 = tpu.vector_load %arg12[%swap3A_174, %swap3A_175] {strides = array<i32>} : memref<40x128xf32, #tpu.memory_space<vmem>>, vector<1x16xf32>,
      %swap3A_177 = vector.shape_cast %swap3A_176 : vector<1x16xf32> to vector<16xf32>
      %swap3A_178 = vector.shape_cast %add3A_173 : vector<16xf32> to vector<1x16xf32>
      tpu.vector_store %arg12[%swap3A_174, %swap3A_175], %swap3A_178 {strides = array<i32>} : memref<40x128xf32, #tpu.memory_space<vmem>>, vector<1x16xf32>,
      %get3A_179 = arith.index_cast %scan3A_96 : i32 to index
      %get3A_180 = arith.constant 96 : index
      %get3A_181 = tpu.vector_load %arg12[%get3A_179, %get3A_180] {strides = array<i32>} : memref<40x128xf32, #tpu.memory_space<vmem>>, vector<1x16xf32>,
      %get3A_182 = vector.shape_cast %get3A_181 : vector<1x16xf32> to vector<16xf32>
      %get3A_183 = arith.index_cast %scan3A_96 : i32 to index
      %get3A_184 = arith.constant 96 : index
      %get3A_185 = tpu.vector_load %arg13[%get3A_183, %get3A_184] {strides = array<i32>} : memref<40x128xf32, #tpu.memory_space<vmem>>, vector<1x16xf32>,
      %get3A_186 = vector.shape_cast %get3A_185 : vector<1x16xf32> to vector<16xf32>
      %add3A_187 = arith.addf %get3A_182, %get3A_186 : vector<16xf32>
      %swap3A_188 = arith.index_cast %scan3A_96 : i32 to index
      %swap3A_189 = arith.constant 96 : index
      %swap3A_190 = tpu.vector_load %arg12[%swap3A_188, %swap3A_189] {strides = array<i32>} : memref<40x128xf32, #tpu.memory_space<vmem>>, vector<1x16xf32>,
      %swap3A_191 = vector.shape_cast %swap3A_190 : vector<1x16xf32> to vector<16xf32>
      %swap3A_192 = vector.shape_cast %add3A_187 : vector<16xf32> to vector<1x16xf32>
      tpu.vector_store %arg12[%swap3A_188, %swap3A_189], %swap3A_192 {strides = array<i32>} : memref<40x128xf32, #tpu.memory_space<vmem>>, vector<1x16xf32>,
      %get3A_193 = arith.index_cast %scan3A_96 : i32 to index
      %get3A_194 = arith.constant 112 : index
      %get3A_195 = tpu.vector_load %arg12[%get3A_193, %get3A_194] {strides = array<i32>} : memref<40x128xf32, #tpu.memory_space<vmem>>, vector<1x16xf32>,
      %get3A_196 = vector.shape_cast %get3A_195 : vector<1x16xf32> to vector<16xf32>
      %get3A_197 = arith.index_cast %scan3A_96 : i32 to index
      %get3A_198 = arith.constant 112 : index
      %get3A_199 = tpu.vector_load %arg13[%get3A_197, %get3A_198] {strides = array<i32>} : memref<40x128xf32, #tpu.memory_space<vmem>>, vector<1x16xf32>,
      %get3A_200 = vector.shape_cast %get3A_199 : vector<1x16xf32> to vector<16xf32>
      %add3A_201 = arith.addf %get3A_196, %get3A_200 : vector<16xf32>
      %swap3A_202 = arith.index_cast %scan3A_96 : i32 to index
      %swap3A_203 = arith.constant 112 : index
      %swap3A_204 = tpu.vector_load %arg12[%swap3A_202, %swap3A_203] {strides = array<i32>} : memref<40x128xf32, #tpu.memory_space<vmem>>, vector<1x16xf32>,
      %swap3A_205 = vector.shape_cast %swap3A_204 : vector<1x16xf32> to vector<16xf32>
      %swap3A_206 = vector.shape_cast %add3A_201 : vector<16xf32> to vector<1x16xf32>
      tpu.vector_store %arg12[%swap3A_202, %swap3A_203], %swap3A_206 {strides = array<i32>} : memref<40x128xf32, #tpu.memory_space<vmem>>, vector<1x16xf32>,
    }
    %scan3A_63 = arith.constant 40 : i32
    "tpu.region"() ({
      %run_scoped3A = tpu.sem_alloc : memref<!tpu.dma_semaphore, #tpu.memory_space<semaphore_mem>>
      %dma_start3A_96 = arith.constant 0 : i32
      %dma_start3A_97 = tpu.memref_slice %arg6[%add3A_52, %dma_start3A_96] : memref<320000x128xf32, #tpu.memory_space<hbm>> -> memref<40x128xf32, #tpu.memory_space<hbm>>
      %dma_start3A_98 = arith.constant 0 : i32
      %dma_start3A_99 = tpu.memref_slice %arg6[%add3A_52, %dma_start3A_98] : memref<320000x128xf32, #tpu.memory_space<hbm>> -> memref<40x128xf32, #tpu.memory_space<hbm>>
      tpu.enqueue_dma source(%arg12 : memref<40x128xf32, #tpu.memory_space<vmem>>) target(%dma_start3A_99 : memref<40x128xf32, #tpu.memory_space<hbm>>) target_semaphore(%run_scoped3A : memref<!tpu.dma_semaphore, #tpu.memory_space<semaphore_mem>>)
      %dma_wait3A_100 = arith.constant 0 : i32
      %dma_wait3A_101 = tpu.memref_slice %arg6[%add3A_52, %dma_wait3A_100] : memref<320000x128xf32, #tpu.memory_space<hbm>> -> memref<40x128xf32, #tpu.memory_space<hbm>>
      %dma_wait3A_102 = arith.constant 0 : i32
      %dma_wait3A_103 = tpu.memref_slice %arg6[%add3A_52, %dma_wait3A_102] : memref<320000x128xf32, #tpu.memory_space<hbm>> -> memref<40x128xf32, #tpu.memory_space<hbm>>
      tpu.wait_dma2 semaphore(%run_scoped3A : memref<!tpu.dma_semaphore, #tpu.memory_space<semaphore_mem>>) src(%arg12 : memref<40x128xf32, #tpu.memory_space<vmem>>) dst(%dma_wait3A_103 : memref<40x128xf32, #tpu.memory_space<hbm>>)
      tpu.yield
    }) : () -> ()
    %dma_wait3A_64 = arith.constant 0 : i32
    %dma_wait3A_65 = arith.constant 0 : i32
    %dma_wait3A_66 = tpu.memref_slice %arg18[%dma_wait3A_64, %dma_wait3A_65] : memref<10000x128xf32, #tpu.memory_space<vmem_shared>> -> memref<10000x128xf32, #tpu.memory_space<vmem_shared>>
    tpu.wait_indirect_dma semaphore(%arg21 : memref<!tpu.dma_semaphore, #tpu.memory_space<semaphore_mem>>) src(%arg16 : memref<40x128xf32, #tpu.memory_space<vmem>>) dst(%dma_wait3A_66 : memref<10000x128xf32, #tpu.memory_space<vmem_shared>>)
    %add3A_67 = arith.constant 9960 : i32
    %add3A_68 = arith.addi %mul3A_2, %add3A_67 : i32
    %dma_wait3A_69 = arith.constant 0 : i32
    %dma_wait3A_70 = arith.constant 0 : i32
    %dma_wait3A_71 = tpu.memref_slice %arg2[%dma_wait3A_69, %dma_wait3A_70] : memref<10000x128xf32, #tpu.memory_space<hbm>> -> memref<10000x128xf32, #tpu.memory_space<hbm>>
    tpu.wait_indirect_dma semaphore(%arg22 : memref<!tpu.dma_semaphore, #tpu.memory_space<semaphore_mem>>) src(%dma_wait3A_71 : memref<10000x128xf32, #tpu.memory_space<hbm>>) dst(%arg14 : memref<40x128xf32, #tpu.memory_space<vmem>>)
    %dma_wait3A_72 = arith.constant 0 : i32
    %dma_wait3A_73 = arith.constant 0 : i32
    %dma_wait3A_74 = tpu.memref_slice %arg3[%dma_wait3A_72, %dma_wait3A_73] : memref<10000x128xf32, #tpu.memory_space<hbm>> -> memref<10000x128xf32, #tpu.memory_space<hbm>>
    tpu.wait_indirect_dma semaphore(%arg23 : memref<!tpu.dma_semaphore, #tpu.memory_space<semaphore_mem>>) src(%dma_wait3A_74 : memref<10000x128xf32, #tpu.memory_space<hbm>>) dst(%arg15 : memref<40x128xf32, #tpu.memory_space<vmem>>)
    %scan3A_75 = arith.constant 0 : i32
    %scan3A_76 = arith.constant 0 : i32
    %scan3A_77 = arith.constant 40 : i32
    %scan3A_78 = arith.addi %scan3A_76, %scan3A_77 : i32
    %scan3A_79 = arith.constant 1 : i32
    scf.for %scan3A_96 = %scan3A_76 to %scan3A_78 step %scan3A_79  : i32 {
      %get3A = arith.index_cast %scan3A_96 : i32 to index
      %get3A_97 = arith.constant 0 : index
      %get3A_98 = tpu.vector_load %arg14[%get3A, %get3A_97] {strides = array<i32>} : memref<40x128xf32, #tpu.memory_space<vmem>>, vector<1x16xf32>,
      %get3A_99 = vector.shape_cast %get3A_98 : vector<1x16xf32> to vector<16xf32>
      %get3A_100 = arith.index_cast %scan3A_96 : i32 to index
      %get3A_101 = arith.constant 0 : index
      %get3A_102 = tpu.vector_load %arg15[%get3A_100, %get3A_101] {strides = array<i32>} : memref<40x128xf32, #tpu.memory_space<vmem>>, vector<1x16xf32>,
      %get3A_103 = vector.shape_cast %get3A_102 : vector<1x16xf32> to vector<16xf32>
      %add3A_104 = arith.addf %get3A_99, %get3A_103 : vector<16xf32>
      %swap3A = arith.index_cast %scan3A_96 : i32 to index
      %swap3A_105 = arith.constant 0 : index
      %swap3A_106 = tpu.vector_load %arg14[%swap3A, %swap3A_105] {strides = array<i32>} : memref<40x128xf32, #tpu.memory_space<vmem>>, vector<1x16xf32>,
      %swap3A_107 = vector.shape_cast %swap3A_106 : vector<1x16xf32> to vector<16xf32>
      %swap3A_108 = vector.shape_cast %add3A_104 : vector<16xf32> to vector<1x16xf32>
      tpu.vector_store %arg14[%swap3A, %swap3A_105], %swap3A_108 {strides = array<i32>} : memref<40x128xf32, #tpu.memory_space<vmem>>, vector<1x16xf32>,
      %get3A_109 = arith.index_cast %scan3A_96 : i32 to index
      %get3A_110 = arith.constant 16 : index
      %get3A_111 = tpu.vector_load %arg14[%get3A_109, %get3A_110] {strides = array<i32>} : memref<40x128xf32, #tpu.memory_space<vmem>>, vector<1x16xf32>,
      %get3A_112 = vector.shape_cast %get3A_111 : vector<1x16xf32> to vector<16xf32>
      %get3A_113 = arith.index_cast %scan3A_96 : i32 to index
      %get3A_114 = arith.constant 16 : index
      %get3A_115 = tpu.vector_load %arg15[%get3A_113, %get3A_114] {strides = array<i32>} : memref<40x128xf32, #tpu.memory_space<vmem>>, vector<1x16xf32>,
      %get3A_116 = vector.shape_cast %get3A_115 : vector<1x16xf32> to vector<16xf32>
      %add3A_117 = arith.addf %get3A_112, %get3A_116 : vector<16xf32>
      %swap3A_118 = arith.index_cast %scan3A_96 : i32 to index
      %swap3A_119 = arith.constant 16 : index
      %swap3A_120 = tpu.vector_load %arg14[%swap3A_118, %swap3A_119] {strides = array<i32>} : memref<40x128xf32, #tpu.memory_space<vmem>>, vector<1x16xf32>,
      %swap3A_121 = vector.shape_cast %swap3A_120 : vector<1x16xf32> to vector<16xf32>
      %swap3A_122 = vector.shape_cast %add3A_117 : vector<16xf32> to vector<1x16xf32>
      tpu.vector_store %arg14[%swap3A_118, %swap3A_119], %swap3A_122 {strides = array<i32>} : memref<40x128xf32, #tpu.memory_space<vmem>>, vector<1x16xf32>,
      %get3A_123 = arith.index_cast %scan3A_96 : i32 to index
      %get3A_124 = arith.constant 32 : index
      %get3A_125 = tpu.vector_load %arg14[%get3A_123, %get3A_124] {strides = array<i32>} : memref<40x128xf32, #tpu.memory_space<vmem>>, vector<1x16xf32>,
      %get3A_126 = vector.shape_cast %get3A_125 : vector<1x16xf32> to vector<16xf32>
      %get3A_127 = arith.index_cast %scan3A_96 : i32 to index
      %get3A_128 = arith.constant 32 : index
      %get3A_129 = tpu.vector_load %arg15[%get3A_127, %get3A_128] {strides = array<i32>} : memref<40x128xf32, #tpu.memory_space<vmem>>, vector<1x16xf32>,
      %get3A_130 = vector.shape_cast %get3A_129 : vector<1x16xf32> to vector<16xf32>
      %add3A_131 = arith.addf %get3A_126, %get3A_130 : vector<16xf32>
      %swap3A_132 = arith.index_cast %scan3A_96 : i32 to index
      %swap3A_133 = arith.constant 32 : index
      %swap3A_134 = tpu.vector_load %arg14[%swap3A_132, %swap3A_133] {strides = array<i32>} : memref<40x128xf32, #tpu.memory_space<vmem>>, vector<1x16xf32>,
      %swap3A_135 = vector.shape_cast %swap3A_134 : vector<1x16xf32> to vector<16xf32>
      %swap3A_136 = vector.shape_cast %add3A_131 : vector<16xf32> to vector<1x16xf32>
      tpu.vector_store %arg14[%swap3A_132, %swap3A_133], %swap3A_136 {strides = array<i32>} : memref<40x128xf32, #tpu.memory_space<vmem>>, vector<1x16xf32>,
      %get3A_137 = arith.index_cast %scan3A_96 : i32 to index
      %get3A_138 = arith.constant 48 : index
      %get3A_139 = tpu.vector_load %arg14[%get3A_137, %get3A_138] {strides = array<i32>} : memref<40x128xf32, #tpu.memory_space<vmem>>, vector<1x16xf32>,
      %get3A_140 = vector.shape_cast %get3A_139 : vector<1x16xf32> to vector<16xf32>
      %get3A_141 = arith.index_cast %scan3A_96 : i32 to index
      %get3A_142 = arith.constant 48 : index
      %get3A_143 = tpu.vector_load %arg15[%get3A_141, %get3A_142] {strides = array<i32>} : memref<40x128xf32, #tpu.memory_space<vmem>>, vector<1x16xf32>,
      %get3A_144 = vector.shape_cast %get3A_143 : vector<1x16xf32> to vector<16xf32>
      %add3A_145 = arith.addf %get3A_140, %get3A_144 : vector<16xf32>
      %swap3A_146 = arith.index_cast %scan3A_96 : i32 to index
      %swap3A_147 = arith.constant 48 : index
      %swap3A_148 = tpu.vector_load %arg14[%swap3A_146, %swap3A_147] {strides = array<i32>} : memref<40x128xf32, #tpu.memory_space<vmem>>, vector<1x16xf32>,
      %swap3A_149 = vector.shape_cast %swap3A_148 : vector<1x16xf32> to vector<16xf32>
      %swap3A_150 = vector.shape_cast %add3A_145 : vector<16xf32> to vector<1x16xf32>
      tpu.vector_store %arg14[%swap3A_146, %swap3A_147], %swap3A_150 {strides = array<i32>} : memref<40x128xf32, #tpu.memory_space<vmem>>, vector<1x16xf32>,
      %get3A_151 = arith.index_cast %scan3A_96 : i32 to index
      %get3A_152 = arith.constant 64 : index
      %get3A_153 = tpu.vector_load %arg14[%get3A_151, %get3A_152] {strides = array<i32>} : memref<40x128xf32, #tpu.memory_space<vmem>>, vector<1x16xf32>,
      %get3A_154 = vector.shape_cast %get3A_153 : vector<1x16xf32> to vector<16xf32>
      %get3A_155 = arith.index_cast %scan3A_96 : i32 to index
      %get3A_156 = arith.constant 64 : index
      %get3A_157 = tpu.vector_load %arg15[%get3A_155, %get3A_156] {strides = array<i32>} : memref<40x128xf32, #tpu.memory_space<vmem>>, vector<1x16xf32>,
      %get3A_158 = vector.shape_cast %get3A_157 : vector<1x16xf32> to vector<16xf32>
      %add3A_159 = arith.addf %get3A_154, %get3A_158 : vector<16xf32>
      %swap3A_160 = arith.index_cast %scan3A_96 : i32 to index
      %swap3A_161 = arith.constant 64 : index
      %swap3A_162 = tpu.vector_load %arg14[%swap3A_160, %swap3A_161] {strides = array<i32>} : memref<40x128xf32, #tpu.memory_space<vmem>>, vector<1x16xf32>,
      %swap3A_163 = vector.shape_cast %swap3A_162 : vector<1x16xf32> to vector<16xf32>
      %swap3A_164 = vector.shape_cast %add3A_159 : vector<16xf32> to vector<1x16xf32>
      tpu.vector_store %arg14[%swap3A_160, %swap3A_161], %swap3A_164 {strides = array<i32>} : memref<40x128xf32, #tpu.memory_space<vmem>>, vector<1x16xf32>,
      %get3A_165 = arith.index_cast %scan3A_96 : i32 to index
      %get3A_166 = arith.constant 80 : index
      %get3A_167 = tpu.vector_load %arg14[%get3A_165, %get3A_166] {strides = array<i32>} : memref<40x128xf32, #tpu.memory_space<vmem>>, vector<1x16xf32>,
      %get3A_168 = vector.shape_cast %get3A_167 : vector<1x16xf32> to vector<16xf32>
      %get3A_169 = arith.index_cast %scan3A_96 : i32 to index
      %get3A_170 = arith.constant 80 : index
      %get3A_171 = tpu.vector_load %arg15[%get3A_169, %get3A_170] {strides = array<i32>} : memref<40x128xf32, #tpu.memory_space<vmem>>, vector<1x16xf32>,
      %get3A_172 = vector.shape_cast %get3A_171 : vector<1x16xf32> to vector<16xf32>
      %add3A_173 = arith.addf %get3A_168, %get3A_172 : vector<16xf32>
      %swap3A_174 = arith.index_cast %scan3A_96 : i32 to index
      %swap3A_175 = arith.constant 80 : index
      %swap3A_176 = tpu.vector_load %arg14[%swap3A_174, %swap3A_175] {strides = array<i32>} : memref<40x128xf32, #tpu.memory_space<vmem>>, vector<1x16xf32>,
      %swap3A_177 = vector.shape_cast %swap3A_176 : vector<1x16xf32> to vector<16xf32>
      %swap3A_178 = vector.shape_cast %add3A_173 : vector<16xf32> to vector<1x16xf32>
      tpu.vector_store %arg14[%swap3A_174, %swap3A_175], %swap3A_178 {strides = array<i32>} : memref<40x128xf32, #tpu.memory_space<vmem>>, vector<1x16xf32>,
      %get3A_179 = arith.index_cast %scan3A_96 : i32 to index
      %get3A_180 = arith.constant 96 : index
      %get3A_181 = tpu.vector_load %arg14[%get3A_179, %get3A_180] {strides = array<i32>} : memref<40x128xf32, #tpu.memory_space<vmem>>, vector<1x16xf32>,
      %get3A_182 = vector.shape_cast %get3A_181 : vector<1x16xf32> to vector<16xf32>
      %get3A_183 = arith.index_cast %scan3A_96 : i32 to index
      %get3A_184 = arith.constant 96 : index
      %get3A_185 = tpu.vector_load %arg15[%get3A_183, %get3A_184] {strides = array<i32>} : memref<40x128xf32, #tpu.memory_space<vmem>>, vector<1x16xf32>,
      %get3A_186 = vector.shape_cast %get3A_185 : vector<1x16xf32> to vector<16xf32>
      %add3A_187 = arith.addf %get3A_182, %get3A_186 : vector<16xf32>
      %swap3A_188 = arith.index_cast %scan3A_96 : i32 to index
      %swap3A_189 = arith.constant 96 : index
      %swap3A_190 = tpu.vector_load %arg14[%swap3A_188, %swap3A_189] {strides = array<i32>} : memref<40x128xf32, #tpu.memory_space<vmem>>, vector<1x16xf32>,
      %swap3A_191 = vector.shape_cast %swap3A_190 : vector<1x16xf32> to vector<16xf32>
      %swap3A_192 = vector.shape_cast %add3A_187 : vector<16xf32> to vector<1x16xf32>
      tpu.vector_store %arg14[%swap3A_188, %swap3A_189], %swap3A_192 {strides = array<i32>} : memref<40x128xf32, #tpu.memory_space<vmem>>, vector<1x16xf32>,
      %get3A_193 = arith.index_cast %scan3A_96 : i32 to index
      %get3A_194 = arith.constant 112 : index
      %get3A_195 = tpu.vector_load %arg14[%get3A_193, %get3A_194] {strides = array<i32>} : memref<40x128xf32, #tpu.memory_space<vmem>>, vector<1x16xf32>,
      %get3A_196 = vector.shape_cast %get3A_195 : vector<1x16xf32> to vector<16xf32>
      %get3A_197 = arith.index_cast %scan3A_96 : i32 to index
      %get3A_198 = arith.constant 112 : index
      %get3A_199 = tpu.vector_load %arg15[%get3A_197, %get3A_198] {strides = array<i32>} : memref<40x128xf32, #tpu.memory_space<vmem>>, vector<1x16xf32>,
      %get3A_200 = vector.shape_cast %get3A_199 : vector<1x16xf32> to vector<16xf32>
      %add3A_201 = arith.addf %get3A_196, %get3A_200 : vector<16xf32>
      %swap3A_202 = arith.index_cast %scan3A_96 : i32 to index
      %swap3A_203 = arith.constant 112 : index
      %swap3A_204 = tpu.vector_load %arg14[%swap3A_202, %swap3A_203] {strides = array<i32>} : memref<40x128xf32, #tpu.memory_space<vmem>>, vector<1x16xf32>,
      %swap3A_205 = vector.shape_cast %swap3A_204 : vector<1x16xf32> to vector<16xf32>
      %swap3A_206 = vector.shape_cast %add3A_201 : vector<16xf32> to vector<1x16xf32>
      tpu.vector_store %arg14[%swap3A_202, %swap3A_203], %swap3A_206 {strides = array<i32>} : memref<40x128xf32, #tpu.memory_space<vmem>>, vector<1x16xf32>,
    }
    %scan3A_80 = arith.constant 40 : i32
    "tpu.region"() ({
      %run_scoped3A = tpu.sem_alloc : memref<!tpu.dma_semaphore, #tpu.memory_space<semaphore_mem>>
      %dma_start3A_96 = arith.constant 0 : i32
      %dma_start3A_97 = tpu.memref_slice %arg6[%add3A_68, %dma_start3A_96] : memref<320000x128xf32, #tpu.memory_space<hbm>> -> memref<40x128xf32, #tpu.memory_space<hbm>>
      %dma_start3A_98 = arith.constant 0 : i32
      %dma_start3A_99 = tpu.memref_slice %arg6[%add3A_68, %dma_start3A_98] : memref<320000x128xf32, #tpu.memory_space<hbm>> -> memref<40x128xf32, #tpu.memory_space<hbm>>
      tpu.enqueue_dma source(%arg14 : memref<40x128xf32, #tpu.memory_space<vmem>>) target(%dma_start3A_99 : memref<40x128xf32, #tpu.memory_space<hbm>>) target_semaphore(%run_scoped3A : memref<!tpu.dma_semaphore, #tpu.memory_space<semaphore_mem>>)
      %dma_wait3A_100 = arith.constant 0 : i32
      %dma_wait3A_101 = tpu.memref_slice %arg6[%add3A_68, %dma_wait3A_100] : memref<320000x128xf32, #tpu.memory_space<hbm>> -> memref<40x128xf32, #tpu.memory_space<hbm>>
      %dma_wait3A_102 = arith.constant 0 : i32
      %dma_wait3A_103 = tpu.memref_slice %arg6[%add3A_68, %dma_wait3A_102] : memref<320000x128xf32, #tpu.memory_space<hbm>> -> memref<40x128xf32, #tpu.memory_space<hbm>>
      tpu.wait_dma2 semaphore(%run_scoped3A : memref<!tpu.dma_semaphore, #tpu.memory_space<semaphore_mem>>) src(%arg14 : memref<40x128xf32, #tpu.memory_space<vmem>>) dst(%dma_wait3A_103 : memref<40x128xf32, #tpu.memory_space<hbm>>)
      tpu.yield
    }) : () -> ()
    %dma_wait3A_81 = arith.constant 0 : i32
    %dma_wait3A_82 = arith.constant 0 : i32
    %dma_wait3A_83 = tpu.memref_slice %arg18[%dma_wait3A_81, %dma_wait3A_82] : memref<10000x128xf32, #tpu.memory_space<vmem_shared>> -> memref<10000x128xf32, #tpu.memory_space<vmem_shared>>
    tpu.wait_indirect_dma semaphore(%arg24 : memref<!tpu.dma_semaphore, #tpu.memory_space<semaphore_mem>>) src(%arg16 : memref<40x128xf32, #tpu.memory_space<vmem>>) dst(%dma_wait3A_83 : memref<10000x128xf32, #tpu.memory_space<vmem_shared>>)
    %barrier3A_84 = arith.constant 0 : index
    tpu.barrier barrier_id(%barrier3A_84)
    %scan3A_85 = arith.constant 0 : i32
    %scan3A_86 = arith.constant 0 : i32
    %scan3A_87 = arith.constant 39 : i32
    %scan3A_88 = arith.addi %scan3A_86, %scan3A_87 : i32
    %scan3A_89 = arith.constant 1 : i32
    scf.for %scan3A_96 = %scan3A_86 to %scan3A_88 step %scan3A_89  : i32 {
      %mul3A_97 = arith.constant 16 : i32
      %mul3A_98 = arith.muli %scan3A_96, %mul3A_97 : i32
      %add3A_99 = arith.addi %mul3A_4, %mul3A_98 : i32
      "tpu.region"() ({
        %run_scoped3A = tpu.sem_alloc : memref<!tpu.dma_semaphore, #tpu.memory_space<semaphore_mem>>
        %dma_start3A_100 = arith.constant 0 : i32
        %dma_start3A_101 = tpu.memref_slice %arg18[%add3A_99, %dma_start3A_100] : memref<10000x128xf32, #tpu.memory_space<vmem_shared>> -> memref<16x128xf32, #tpu.memory_space<vmem_shared>>
        %dma_start3A_102 = arith.constant 0 : i32
        %dma_start3A_103 = tpu.memref_slice %arg18[%add3A_99, %dma_start3A_102] : memref<10000x128xf32, #tpu.memory_space<vmem_shared>> -> memref<16x128xf32, #tpu.memory_space<vmem_shared>>
        tpu.enqueue_dma source(%dma_start3A_103 : memref<16x128xf32, #tpu.memory_space<vmem_shared>>) target(%arg17 : memref<16x128xf32, #tpu.memory_space<vmem>>) target_semaphore(%run_scoped3A : memref<!tpu.dma_semaphore, #tpu.memory_space<semaphore_mem>>)
        %dma_wait3A_104 = arith.constant 0 : i32
        %dma_wait3A_105 = tpu.memref_slice %arg18[%add3A_99, %dma_wait3A_104] : memref<10000x128xf32, #tpu.memory_space<vmem_shared>> -> memref<16x128xf32, #tpu.memory_space<vmem_shared>>
        %dma_wait3A_106 = arith.constant 0 : i32
        %dma_wait3A_107 = tpu.memref_slice %arg18[%add3A_99, %dma_wait3A_106] : memref<10000x128xf32, #tpu.memory_space<vmem_shared>> -> memref<16x128xf32, #tpu.memory_space<vmem_shared>>
        tpu.wait_dma2 semaphore(%run_scoped3A : memref<!tpu.dma_semaphore, #tpu.memory_space<semaphore_mem>>) src(%dma_wait3A_107 : memref<16x128xf32, #tpu.memory_space<vmem_shared>>) dst(%arg17 : memref<16x128xf32, #tpu.memory_space<vmem>>)
        tpu.yield
      }) : () -> ()
      "tpu.region"() ({
        %run_scoped3A = tpu.sem_alloc : memref<!tpu.dma_semaphore, #tpu.memory_space<semaphore_mem>>
        %dma_start3A_100 = arith.constant 0 : i32
        %dma_start3A_101 = tpu.memref_slice %arg7[%arg0, %add3A_99, %dma_start3A_100] : memref<2x10000x128xf32, #tpu.memory_space<hbm>> -> memref<1x16x128xf32, #tpu.memory_space<hbm>>
        %dma_start3A_102 = tpu.memref_squeeze %dma_start3A_101 : memref<1x16x128xf32, #tpu.memory_space<hbm>> -> memref<16x128xf32, #tpu.memory_space<hbm>>
        %dma_start3A_103 = arith.constant 0 : i32
        %dma_start3A_104 = tpu.memref_slice %arg7[%arg0, %add3A_99, %dma_start3A_103] : memref<2x10000x128xf32, #tpu.memory_space<hbm>> -> memref<1x16x128xf32, #tpu.memory_space<hbm>>
        %dma_start3A_105 = tpu.memref_squeeze %dma_start3A_104 : memref<1x16x128xf32, #tpu.memory_space<hbm>> -> memref<16x128xf32, #tpu.memory_space<hbm>>
        tpu.enqueue_dma source(%arg17 : memref<16x128xf32, #tpu.memory_space<vmem>>) target(%dma_start3A_105 : memref<16x128xf32, #tpu.memory_space<hbm>>) target_semaphore(%run_scoped3A : memref<!tpu.dma_semaphore, #tpu.memory_space<semaphore_mem>>)
        %dma_wait3A_106 = arith.constant 0 : i32
        %dma_wait3A_107 = tpu.memref_slice %arg7[%arg0, %add3A_99, %dma_wait3A_106] : memref<2x10000x128xf32, #tpu.memory_space<hbm>> -> memref<1x16x128xf32, #tpu.memory_space<hbm>>
        %dma_wait3A_108 = tpu.memref_squeeze %dma_wait3A_107 : memref<1x16x128xf32, #tpu.memory_space<hbm>> -> memref<16x128xf32, #tpu.memory_space<hbm>>
        %dma_wait3A_109 = arith.constant 0 : i32
        %dma_wait3A_110 = tpu.memref_slice %arg7[%arg0, %add3A_99, %dma_wait3A_109] : memref<2x10000x128xf32, #tpu.memory_space<hbm>> -> memref<1x16x128xf32, #tpu.memory_space<hbm>>
        %dma_wait3A_111 = tpu.memref_squeeze %dma_wait3A_110 : memref<1x16x128xf32, #tpu.memory_space<hbm>> -> memref<16x128xf32, #tpu.memory_space<hbm>>
        tpu.wait_dma2 semaphore(%run_scoped3A : memref<!tpu.dma_semaphore, #tpu.memory_space<semaphore_mem>>) src(%arg17 : memref<16x128xf32, #tpu.memory_space<vmem>>) dst(%dma_wait3A_111 : memref<16x128xf32, #tpu.memory_space<hbm>>)
        tpu.yield
      }) : () -> ()
    }
    %scan3A_90 = arith.constant 39 : i32
    %eq3A_91 = arith.constant 0 : i32
    %eq3A_92 = arith.cmpi eq, %arg1, %eq3A_91 : i32
    %convert_element_type3A_93 = arith.extui %eq3A_92 : i1 to i32
    %cond3A_94 = arith.constant 0 : i32
    %cond3A_95 = arith.cmpi ne, %convert_element_type3A_93, %cond3A_94 : i32
    scf.if %cond3A_95 {
      %scan3A_96 = arith.constant 0 : i32
      %scan3A_97 = arith.constant 0 : i32
      %mul3A_98 = arith.constant 16 : i32
      %mul3A_99 = arith.muli %scan3A_97, %mul3A_98 : i32
      %add3A_100 = arith.constant 9984 : i32
      %add3A_101 = arith.addi %add3A_100, %mul3A_99 : i32
      "tpu.region"() ({
        %run_scoped3A = tpu.sem_alloc : memref<!tpu.dma_semaphore, #tpu.memory_space<semaphore_mem>>
        %dma_start3A_103 = arith.constant 0 : i32
        %dma_start3A_104 = tpu.memref_slice %arg18[%add3A_101, %dma_start3A_103] : memref<10000x128xf32, #tpu.memory_space<vmem_shared>> -> memref<16x128xf32, #tpu.memory_space<vmem_shared>>
        %dma_start3A_105 = arith.constant 0 : i32
        %dma_start3A_106 = tpu.memref_slice %arg18[%add3A_101, %dma_start3A_105] : memref<10000x128xf32, #tpu.memory_space<vmem_shared>> -> memref<16x128xf32, #tpu.memory_space<vmem_shared>>
        tpu.enqueue_dma source(%dma_start3A_106 : memref<16x128xf32, #tpu.memory_space<vmem_shared>>) target(%arg17 : memref<16x128xf32, #tpu.memory_space<vmem>>) target_semaphore(%run_scoped3A : memref<!tpu.dma_semaphore, #tpu.memory_space<semaphore_mem>>)
        %dma_wait3A_107 = arith.constant 0 : i32
        %dma_wait3A_108 = tpu.memref_slice %arg18[%add3A_101, %dma_wait3A_107] : memref<10000x128xf32, #tpu.memory_space<vmem_shared>> -> memref<16x128xf32, #tpu.memory_space<vmem_shared>>
        %dma_wait3A_109 = arith.constant 0 : i32
        %dma_wait3A_110 = tpu.memref_slice %arg18[%add3A_101, %dma_wait3A_109] : memref<10000x128xf32, #tpu.memory_space<vmem_shared>> -> memref<16x128xf32, #tpu.memory_space<vmem_shared>>
        tpu.wait_dma2 semaphore(%run_scoped3A : memref<!tpu.dma_semaphore, #tpu.memory_space<semaphore_mem>>) src(%dma_wait3A_110 : memref<16x128xf32, #tpu.memory_space<vmem_shared>>) dst(%arg17 : memref<16x128xf32, #tpu.memory_space<vmem>>)
        tpu.yield
      }) : () -> ()
      "tpu.region"() ({
        %run_scoped3A = tpu.sem_alloc : memref<!tpu.dma_semaphore, #tpu.memory_space<semaphore_mem>>
        %dma_start3A_103 = arith.constant 0 : i32
        %dma_start3A_104 = tpu.memref_slice %arg7[%arg0, %add3A_101, %dma_start3A_103] : memref<2x10000x128xf32, #tpu.memory_space<hbm>> -> memref<1x16x128xf32, #tpu.memory_space<hbm>>
        %dma_start3A_105 = tpu.memref_squeeze %dma_start3A_104 : memref<1x16x128xf32, #tpu.memory_space<hbm>> -> memref<16x128xf32, #tpu.memory_space<hbm>>
        %dma_start3A_106 = arith.constant 0 : i32
        %dma_start3A_107 = tpu.memref_slice %arg7[%arg0, %add3A_101, %dma_start3A_106] : memref<2x10000x128xf32, #tpu.memory_space<hbm>> -> memref<1x16x128xf32, #tpu.memory_space<hbm>>
        %dma_start3A_108 = tpu.memref_squeeze %dma_start3A_107 : memref<1x16x128xf32, #tpu.memory_space<hbm>> -> memref<16x128xf32, #tpu.memory_space<hbm>>
        tpu.enqueue_dma source(%arg17 : memref<16x128xf32, #tpu.memory_space<vmem>>) target(%dma_start3A_108 : memref<16x128xf32, #tpu.memory_space<hbm>>) target_semaphore(%run_scoped3A : memref<!tpu.dma_semaphore, #tpu.memory_space<semaphore_mem>>)
        %dma_wait3A_109 = arith.constant 0 : i32
        %dma_wait3A_110 = tpu.memref_slice %arg7[%arg0, %add3A_101, %dma_wait3A_109] : memref<2x10000x128xf32, #tpu.memory_space<hbm>> -> memref<1x16x128xf32, #tpu.memory_space<hbm>>
        %dma_wait3A_111 = tpu.memref_squeeze %dma_wait3A_110 : memref<1x16x128xf32, #tpu.memory_space<hbm>> -> memref<16x128xf32, #tpu.memory_space<hbm>>
        %dma_wait3A_112 = arith.constant 0 : i32
        %dma_wait3A_113 = tpu.memref_slice %arg7[%arg0, %add3A_101, %dma_wait3A_112] : memref<2x10000x128xf32, #tpu.memory_space<hbm>> -> memref<1x16x128xf32, #tpu.memory_space<hbm>>
        %dma_wait3A_114 = tpu.memref_squeeze %dma_wait3A_113 : memref<1x16x128xf32, #tpu.memory_space<hbm>> -> memref<16x128xf32, #tpu.memory_space<hbm>>
        tpu.wait_dma2 semaphore(%run_scoped3A : memref<!tpu.dma_semaphore, #tpu.memory_space<semaphore_mem>>) src(%arg17 : memref<16x128xf32, #tpu.memory_space<vmem>>) dst(%dma_wait3A_114 : memref<16x128xf32, #tpu.memory_space<hbm>>)
        tpu.yield
      }) : () -> ()
      %scan3A_102 = arith.constant 1 : i32
    } else {
    }
    return
  }
}

#map = affine_map<(d0, d1) -> (0, 0)>
#map1 = affine_map<(d0, d1) -> (0)>
#map2 = affine_map<(d0, d1) -> (0, 0, 0)>
module attributes {stable_mosaic.version = 14 : i64} {
  func.func @scatter_kernel(%arg0: i32, %arg1: i32, %arg2: memref<320000x128xf32, #tpu.memory_space<hbm>>, %arg3: memref<320000xi32, #tpu.memory_space<hbm>>, %arg4: memref<2x10000x128xf32, #tpu.memory_space<hbm>>, %arg5: memref<80xi32, #tpu.memory_space<vmem>>, %arg6: memref<80xi32, #tpu.memory_space<vmem>>, %arg7: memref<80x128xf32, #tpu.memory_space<vmem>>, %arg8: memref<80x128xf32, #tpu.memory_space<vmem>>, %arg9: memref<16x128xf32, #tpu.memory_space<vmem>>, %arg10: memref<10000x128xf32, #tpu.memory_space<vmem_shared>>, %arg11: memref<!tpu.dma_semaphore, #tpu.memory_space<semaphore_mem>>, %arg12: memref<!tpu.dma_semaphore, #tpu.memory_space<semaphore_mem>>, %arg13: memref<!tpu.dma_semaphore, #tpu.memory_space<semaphore_mem>>, %arg14: memref<!tpu.dma_semaphore, #tpu.memory_space<semaphore_mem>>) attributes {dimension_semantics = [#tpu.dimension_semantics<core_parallel>, #tpu.dimension_semantics<subcore_parallel>], iteration_bounds = array<i64: 2, 16>, scalar_prefetch = 0 : i64, scratch_operands = 10 : i64, tpu.core_type = #tpu.core_type<sc_vector_subcore>, window_params = [{transform_indices = #map}, {transform_indices = #map1}, {transform_indices = #map2}]} {
    %mul3A = arith.constant 2 : i32
    %mul3A_0 = arith.muli %arg1, %mul3A : i32
    %add3A = arith.addi %mul3A_0, %arg0 : i32
    %mul3A_1 = arith.constant 10000 : i32
    %mul3A_2 = arith.muli %add3A, %mul3A_1 : i32
    %mul3A_3 = arith.constant 624 : i32
    %mul3A_4 = arith.muli %arg1, %mul3A_3 : i32
    %scan3A = arith.constant 0 : i32
    %scan3A_5 = arith.constant 0 : i32
    %scan3A_6 = arith.constant 16 : i32
    %scan3A_7 = arith.addi %scan3A_5, %scan3A_6 : i32
    %scan3A_8 = arith.constant 1 : i32
    scf.for %scan3A_50 = %scan3A_5 to %scan3A_7 step %scan3A_8  : i32 {
      %broadcast_in_dim3A = arith.constant 0.000000e+00 : f32
      %broadcast_in_dim3A_51 = vector.broadcast %broadcast_in_dim3A : f32 to vector<16xf32>
      %swap3A = arith.index_cast %scan3A_50 : i32 to index
      %swap3A_52 = arith.constant 0 : index
      %swap3A_53 = tpu.vector_load %arg9[%swap3A, %swap3A_52] {strides = array<i32>} : memref<16x128xf32, #tpu.memory_space<vmem>>, vector<1x16xf32>,
      %swap3A_54 = vector.shape_cast %swap3A_53 : vector<1x16xf32> to vector<16xf32>
      %swap3A_55 = vector.shape_cast %broadcast_in_dim3A_51 : vector<16xf32> to vector<1x16xf32>
      tpu.vector_store %arg9[%swap3A, %swap3A_52], %swap3A_55 {strides = array<i32>} : memref<16x128xf32, #tpu.memory_space<vmem>>, vector<1x16xf32>,
      %broadcast_in_dim3A_56 = arith.constant 0.000000e+00 : f32
      %broadcast_in_dim3A_57 = vector.broadcast %broadcast_in_dim3A_56 : f32 to vector<16xf32>
      %swap3A_58 = arith.index_cast %scan3A_50 : i32 to index
      %swap3A_59 = arith.constant 16 : index
      %swap3A_60 = tpu.vector_load %arg9[%swap3A_58, %swap3A_59] {strides = array<i32>} : memref<16x128xf32, #tpu.memory_space<vmem>>, vector<1x16xf32>,
      %swap3A_61 = vector.shape_cast %swap3A_60 : vector<1x16xf32> to vector<16xf32>
      %swap3A_62 = vector.shape_cast %broadcast_in_dim3A_57 : vector<16xf32> to vector<1x16xf32>
      tpu.vector_store %arg9[%swap3A_58, %swap3A_59], %swap3A_62 {strides = array<i32>} : memref<16x128xf32, #tpu.memory_space<vmem>>, vector<1x16xf32>,
      %broadcast_in_dim3A_63 = arith.constant 0.000000e+00 : f32
      %broadcast_in_dim3A_64 = vector.broadcast %broadcast_in_dim3A_63 : f32 to vector<16xf32>
      %swap3A_65 = arith.index_cast %scan3A_50 : i32 to index
      %swap3A_66 = arith.constant 32 : index
      %swap3A_67 = tpu.vector_load %arg9[%swap3A_65, %swap3A_66] {strides = array<i32>} : memref<16x128xf32, #tpu.memory_space<vmem>>, vector<1x16xf32>,
      %swap3A_68 = vector.shape_cast %swap3A_67 : vector<1x16xf32> to vector<16xf32>
      %swap3A_69 = vector.shape_cast %broadcast_in_dim3A_64 : vector<16xf32> to vector<1x16xf32>
      tpu.vector_store %arg9[%swap3A_65, %swap3A_66], %swap3A_69 {strides = array<i32>} : memref<16x128xf32, #tpu.memory_space<vmem>>, vector<1x16xf32>,
      %broadcast_in_dim3A_70 = arith.constant 0.000000e+00 : f32
      %broadcast_in_dim3A_71 = vector.broadcast %broadcast_in_dim3A_70 : f32 to vector<16xf32>
      %swap3A_72 = arith.index_cast %scan3A_50 : i32 to index
      %swap3A_73 = arith.constant 48 : index
      %swap3A_74 = tpu.vector_load %arg9[%swap3A_72, %swap3A_73] {strides = array<i32>} : memref<16x128xf32, #tpu.memory_space<vmem>>, vector<1x16xf32>,
      %swap3A_75 = vector.shape_cast %swap3A_74 : vector<1x16xf32> to vector<16xf32>
      %swap3A_76 = vector.shape_cast %broadcast_in_dim3A_71 : vector<16xf32> to vector<1x16xf32>
      tpu.vector_store %arg9[%swap3A_72, %swap3A_73], %swap3A_76 {strides = array<i32>} : memref<16x128xf32, #tpu.memory_space<vmem>>, vector<1x16xf32>,
      %broadcast_in_dim3A_77 = arith.constant 0.000000e+00 : f32
      %broadcast_in_dim3A_78 = vector.broadcast %broadcast_in_dim3A_77 : f32 to vector<16xf32>
      %swap3A_79 = arith.index_cast %scan3A_50 : i32 to index
      %swap3A_80 = arith.constant 64 : index
      %swap3A_81 = tpu.vector_load %arg9[%swap3A_79, %swap3A_80] {strides = array<i32>} : memref<16x128xf32, #tpu.memory_space<vmem>>, vector<1x16xf32>,
      %swap3A_82 = vector.shape_cast %swap3A_81 : vector<1x16xf32> to vector<16xf32>
      %swap3A_83 = vector.shape_cast %broadcast_in_dim3A_78 : vector<16xf32> to vector<1x16xf32>
      tpu.vector_store %arg9[%swap3A_79, %swap3A_80], %swap3A_83 {strides = array<i32>} : memref<16x128xf32, #tpu.memory_space<vmem>>, vector<1x16xf32>,
      %broadcast_in_dim3A_84 = arith.constant 0.000000e+00 : f32
      %broadcast_in_dim3A_85 = vector.broadcast %broadcast_in_dim3A_84 : f32 to vector<16xf32>
      %swap3A_86 = arith.index_cast %scan3A_50 : i32 to index
      %swap3A_87 = arith.constant 80 : index
      %swap3A_88 = tpu.vector_load %arg9[%swap3A_86, %swap3A_87] {strides = array<i32>} : memref<16x128xf32, #tpu.memory_space<vmem>>, vector<1x16xf32>,
      %swap3A_89 = vector.shape_cast %swap3A_88 : vector<1x16xf32> to vector<16xf32>
      %swap3A_90 = vector.shape_cast %broadcast_in_dim3A_85 : vector<16xf32> to vector<1x16xf32>
      tpu.vector_store %arg9[%swap3A_86, %swap3A_87], %swap3A_90 {strides = array<i32>} : memref<16x128xf32, #tpu.memory_space<vmem>>, vector<1x16xf32>,
      %broadcast_in_dim3A_91 = arith.constant 0.000000e+00 : f32
      %broadcast_in_dim3A_92 = vector.broadcast %broadcast_in_dim3A_91 : f32 to vector<16xf32>
      %swap3A_93 = arith.index_cast %scan3A_50 : i32 to index
      %swap3A_94 = arith.constant 96 : index
      %swap3A_95 = tpu.vector_load %arg9[%swap3A_93, %swap3A_94] {strides = array<i32>} : memref<16x128xf32, #tpu.memory_space<vmem>>, vector<1x16xf32>,
      %swap3A_96 = vector.shape_cast %swap3A_95 : vector<1x16xf32> to vector<16xf32>
      %swap3A_97 = vector.shape_cast %broadcast_in_dim3A_92 : vector<16xf32> to vector<1x16xf32>
      tpu.vector_store %arg9[%swap3A_93, %swap3A_94], %swap3A_97 {strides = array<i32>} : memref<16x128xf32, #tpu.memory_space<vmem>>, vector<1x16xf32>,
      %broadcast_in_dim3A_98 = arith.constant 0.000000e+00 : f32
      %broadcast_in_dim3A_99 = vector.broadcast %broadcast_in_dim3A_98 : f32 to vector<16xf32>
      %swap3A_100 = arith.index_cast %scan3A_50 : i32 to index
      %swap3A_101 = arith.constant 112 : index
      %swap3A_102 = tpu.vector_load %arg9[%swap3A_100, %swap3A_101] {strides = array<i32>} : memref<16x128xf32, #tpu.memory_space<vmem>>, vector<1x16xf32>,
      %swap3A_103 = vector.shape_cast %swap3A_102 : vector<1x16xf32> to vector<16xf32>
      %swap3A_104 = vector.shape_cast %broadcast_in_dim3A_99 : vector<16xf32> to vector<1x16xf32>
      tpu.vector_store %arg9[%swap3A_100, %swap3A_101], %swap3A_104 {strides = array<i32>} : memref<16x128xf32, #tpu.memory_space<vmem>>, vector<1x16xf32>,
    }
    %scan3A_9 = arith.constant 16 : i32
    %scan3A_10 = arith.constant 0 : i32
    %scan3A_11 = arith.constant 0 : i32
    %scan3A_12 = arith.constant 39 : i32
    %scan3A_13 = arith.addi %scan3A_11, %scan3A_12 : i32
    %scan3A_14 = arith.constant 1 : i32
    scf.for %scan3A_50 = %scan3A_11 to %scan3A_13 step %scan3A_14  : i32 {
      %mul3A_51 = arith.constant 16 : i32
      %mul3A_52 = arith.muli %scan3A_50, %mul3A_51 : i32
      %add3A_53 = arith.addi %mul3A_4, %mul3A_52 : i32
      "tpu.region"() ({
        %run_scoped3A = tpu.sem_alloc : memref<!tpu.dma_semaphore, #tpu.memory_space<semaphore_mem>>
        %dma_start3A_54 = arith.constant 0 : i32
        %dma_start3A_55 = tpu.memref_slice %arg10[%add3A_53, %dma_start3A_54] : memref<10000x128xf32, #tpu.memory_space<vmem_shared>> -> memref<16x128xf32, #tpu.memory_space<vmem_shared>>
        %dma_start3A_56 = arith.constant 0 : i32
        %dma_start3A_57 = tpu.memref_slice %arg10[%add3A_53, %dma_start3A_56] : memref<10000x128xf32, #tpu.memory_space<vmem_shared>> -> memref<16x128xf32, #tpu.memory_space<vmem_shared>>
        tpu.enqueue_dma source(%arg9 : memref<16x128xf32, #tpu.memory_space<vmem>>) target(%dma_start3A_57 : memref<16x128xf32, #tpu.memory_space<vmem_shared>>) target_semaphore(%run_scoped3A : memref<!tpu.dma_semaphore, #tpu.memory_space<semaphore_mem>>)
        %dma_wait3A_58 = arith.constant 0 : i32
        %dma_wait3A_59 = tpu.memref_slice %arg10[%add3A_53, %dma_wait3A_58] : memref<10000x128xf32, #tpu.memory_space<vmem_shared>> -> memref<16x128xf32, #tpu.memory_space<vmem_shared>>
        %dma_wait3A_60 = arith.constant 0 : i32
        %dma_wait3A_61 = tpu.memref_slice %arg10[%add3A_53, %dma_wait3A_60] : memref<10000x128xf32, #tpu.memory_space<vmem_shared>> -> memref<16x128xf32, #tpu.memory_space<vmem_shared>>
        tpu.wait_dma2 semaphore(%run_scoped3A : memref<!tpu.dma_semaphore, #tpu.memory_space<semaphore_mem>>) src(%arg9 : memref<16x128xf32, #tpu.memory_space<vmem>>) dst(%dma_wait3A_61 : memref<16x128xf32, #tpu.memory_space<vmem_shared>>)
        tpu.yield
      }) : () -> ()
    }
    %scan3A_15 = arith.constant 39 : i32
    %eq3A = arith.constant 0 : i32
    %eq3A_16 = arith.cmpi eq, %arg1, %eq3A : i32
    %convert_element_type3A = arith.extui %eq3A_16 : i1 to i32
    %cond3A = arith.constant 0 : i32
    %cond3A_17 = arith.cmpi ne, %convert_element_type3A, %cond3A : i32
    scf.if %cond3A_17 {
      %scan3A_50 = arith.constant 0 : i32
      %scan3A_51 = arith.constant 0 : i32
      %mul3A_52 = arith.constant 16 : i32
      %mul3A_53 = arith.muli %scan3A_51, %mul3A_52 : i32
      %add3A_54 = arith.constant 9984 : i32
      %add3A_55 = arith.addi %add3A_54, %mul3A_53 : i32
      "tpu.region"() ({
        %run_scoped3A = tpu.sem_alloc : memref<!tpu.dma_semaphore, #tpu.memory_space<semaphore_mem>>
        %dma_start3A_57 = arith.constant 0 : i32
        %dma_start3A_58 = tpu.memref_slice %arg10[%add3A_55, %dma_start3A_57] : memref<10000x128xf32, #tpu.memory_space<vmem_shared>> -> memref<16x128xf32, #tpu.memory_space<vmem_shared>>
        %dma_start3A_59 = arith.constant 0 : i32
        %dma_start3A_60 = tpu.memref_slice %arg10[%add3A_55, %dma_start3A_59] : memref<10000x128xf32, #tpu.memory_space<vmem_shared>> -> memref<16x128xf32, #tpu.memory_space<vmem_shared>>
        tpu.enqueue_dma source(%arg9 : memref<16x128xf32, #tpu.memory_space<vmem>>) target(%dma_start3A_60 : memref<16x128xf32, #tpu.memory_space<vmem_shared>>) target_semaphore(%run_scoped3A : memref<!tpu.dma_semaphore, #tpu.memory_space<semaphore_mem>>)
        %dma_wait3A_61 = arith.constant 0 : i32
        %dma_wait3A_62 = tpu.memref_slice %arg10[%add3A_55, %dma_wait3A_61] : memref<10000x128xf32, #tpu.memory_space<vmem_shared>> -> memref<16x128xf32, #tpu.memory_space<vmem_shared>>
        %dma_wait3A_63 = arith.constant 0 : i32
        %dma_wait3A_64 = tpu.memref_slice %arg10[%add3A_55, %dma_wait3A_63] : memref<10000x128xf32, #tpu.memory_space<vmem_shared>> -> memref<16x128xf32, #tpu.memory_space<vmem_shared>>
        tpu.wait_dma2 semaphore(%run_scoped3A : memref<!tpu.dma_semaphore, #tpu.memory_space<semaphore_mem>>) src(%arg9 : memref<16x128xf32, #tpu.memory_space<vmem>>) dst(%dma_wait3A_64 : memref<16x128xf32, #tpu.memory_space<vmem_shared>>)
        tpu.yield
      }) : () -> ()
      %scan3A_56 = arith.constant 1 : i32
    } else {
    }
    %barrier3A = arith.constant 0 : index
    tpu.barrier barrier_id(%barrier3A)
    %add3A_18 = arith.constant 0 : i32
    %add3A_19 = arith.addi %mul3A_2, %add3A_18 : i32
    %dma_start3A = tpu.memref_slice %arg3[%add3A_19] : memref<320000xi32, #tpu.memory_space<hbm>> -> memref<80xi32, #tpu.memory_space<hbm>>
    %dma_start3A_20 = tpu.memref_slice %arg3[%add3A_19] : memref<320000xi32, #tpu.memory_space<hbm>> -> memref<80xi32, #tpu.memory_space<hbm>>
    tpu.enqueue_dma source(%dma_start3A_20 : memref<80xi32, #tpu.memory_space<hbm>>) target(%arg5 : memref<80xi32, #tpu.memory_space<vmem>>) target_semaphore(%arg12 : memref<!tpu.dma_semaphore, #tpu.memory_space<semaphore_mem>>)
    %dma_start3A_21 = arith.constant 0 : i32
    %dma_start3A_22 = tpu.memref_slice %arg2[%add3A_19, %dma_start3A_21] : memref<320000x128xf32, #tpu.memory_space<hbm>> -> memref<80x128xf32, #tpu.memory_space<hbm>>
    %dma_start3A_23 = arith.constant 0 : i32
    %dma_start3A_24 = tpu.memref_slice %arg2[%add3A_19, %dma_start3A_23] : memref<320000x128xf32, #tpu.memory_space<hbm>> -> memref<80x128xf32, #tpu.memory_space<hbm>>
    tpu.enqueue_dma source(%dma_start3A_24 : memref<80x128xf32, #tpu.memory_space<hbm>>) target(%arg7 : memref<80x128xf32, #tpu.memory_space<vmem>>) target_semaphore(%arg11 : memref<!tpu.dma_semaphore, #tpu.memory_space<semaphore_mem>>)
    %scan3A_25 = arith.constant 0 : i32
    %scan3A_26 = arith.constant 0 : i32
    %scan3A_27 = arith.constant 62 : i32
    %scan3A_28 = arith.addi %scan3A_26, %scan3A_27 : i32
    %scan3A_29 = arith.constant 1 : i32
    scf.for %scan3A_50 = %scan3A_26 to %scan3A_28 step %scan3A_29  : i32 {
      %mul3A_51 = arith.constant 2 : i32
      %mul3A_52 = arith.muli %mul3A_51, %scan3A_50 : i32
      %add3A_53 = arith.constant 1 : i32
      %add3A_54 = arith.addi %add3A_53, %mul3A_52 : i32
      %mul3A_55 = arith.constant 80 : i32
      %mul3A_56 = arith.muli %add3A_54, %mul3A_55 : i32
      %add3A_57 = arith.addi %mul3A_2, %mul3A_56 : i32
      %dma_start3A_58 = tpu.memref_slice %arg3[%add3A_57] : memref<320000xi32, #tpu.memory_space<hbm>> -> memref<80xi32, #tpu.memory_space<hbm>>
      %dma_start3A_59 = tpu.memref_slice %arg3[%add3A_57] : memref<320000xi32, #tpu.memory_space<hbm>> -> memref<80xi32, #tpu.memory_space<hbm>>
      tpu.enqueue_dma source(%dma_start3A_59 : memref<80xi32, #tpu.memory_space<hbm>>) target(%arg6 : memref<80xi32, #tpu.memory_space<vmem>>) target_semaphore(%arg14 : memref<!tpu.dma_semaphore, #tpu.memory_space<semaphore_mem>>)
      %dma_start3A_60 = arith.constant 0 : i32
      %dma_start3A_61 = tpu.memref_slice %arg2[%add3A_57, %dma_start3A_60] : memref<320000x128xf32, #tpu.memory_space<hbm>> -> memref<80x128xf32, #tpu.memory_space<hbm>>
      %dma_start3A_62 = arith.constant 0 : i32
      %dma_start3A_63 = tpu.memref_slice %arg2[%add3A_57, %dma_start3A_62] : memref<320000x128xf32, #tpu.memory_space<hbm>> -> memref<80x128xf32, #tpu.memory_space<hbm>>
      tpu.enqueue_dma source(%dma_start3A_63 : memref<80x128xf32, #tpu.memory_space<hbm>>) target(%arg8 : memref<80x128xf32, #tpu.memory_space<vmem>>) target_semaphore(%arg13 : memref<!tpu.dma_semaphore, #tpu.memory_space<semaphore_mem>>)
      %sub3A = arith.constant 1 : i32
      %sub3A_64 = arith.subi %add3A_54, %sub3A : i32
      %mul3A_65 = arith.constant 80 : i32
      %mul3A_66 = arith.muli %sub3A_64, %mul3A_65 : i32
      %add3A_67 = arith.addi %mul3A_2, %mul3A_66 : i32
      %dma_wait3A_68 = tpu.memref_slice %arg3[%add3A_67] : memref<320000xi32, #tpu.memory_space<hbm>> -> memref<80xi32, #tpu.memory_space<hbm>>
      %dma_wait3A_69 = tpu.memref_slice %arg3[%add3A_67] : memref<320000xi32, #tpu.memory_space<hbm>> -> memref<80xi32, #tpu.memory_space<hbm>>
      tpu.wait_dma2 semaphore(%arg12 : memref<!tpu.dma_semaphore, #tpu.memory_space<semaphore_mem>>) src(%dma_wait3A_69 : memref<80xi32, #tpu.memory_space<hbm>>) dst(%arg5 : memref<80xi32, #tpu.memory_space<vmem>>)
      %dma_wait3A_70 = arith.constant 0 : i32
      %dma_wait3A_71 = tpu.memref_slice %arg2[%add3A_67, %dma_wait3A_70] : memref<320000x128xf32, #tpu.memory_space<hbm>> -> memref<80x128xf32, #tpu.memory_space<hbm>>
      %dma_wait3A_72 = arith.constant 0 : i32
      %dma_wait3A_73 = tpu.memref_slice %arg2[%add3A_67, %dma_wait3A_72] : memref<320000x128xf32, #tpu.memory_space<hbm>> -> memref<80x128xf32, #tpu.memory_space<hbm>>
      tpu.wait_dma2 semaphore(%arg11 : memref<!tpu.dma_semaphore, #tpu.memory_space<semaphore_mem>>) src(%dma_wait3A_73 : memref<80x128xf32, #tpu.memory_space<hbm>>) dst(%arg7 : memref<80x128xf32, #tpu.memory_space<vmem>>)
      "tpu.region"() ({
        %run_scoped3A = tpu.sem_alloc : memref<!tpu.dma_semaphore, #tpu.memory_space<semaphore_mem>>
        %dma_start3A_94 = arith.constant 0 : i32
        %dma_start3A_95 = arith.constant 0 : i32
        %dma_start3A_96 = tpu.memref_slice %arg10[%dma_start3A_94, %dma_start3A_95] : memref<10000x128xf32, #tpu.memory_space<vmem_shared>> -> memref<10000x128xf32, #tpu.memory_space<vmem_shared>>
        tpu.enqueue_indirect_dma source(%arg7 : memref<80x128xf32, #tpu.memory_space<vmem>>) target(%dma_start3A_96 : memref<10000x128xf32, #tpu.memory_space<vmem_shared>>) offsets(%arg5 : memref<80xi32, #tpu.memory_space<vmem>>) semaphore(%run_scoped3A : memref<!tpu.dma_semaphore, #tpu.memory_space<semaphore_mem>>) {add = true}
        %dma_wait3A_97 = arith.constant 0 : i32
        %dma_wait3A_98 = arith.constant 0 : i32
        %dma_wait3A_99 = tpu.memref_slice %arg10[%dma_wait3A_97, %dma_wait3A_98] : memref<10000x128xf32, #tpu.memory_space<vmem_shared>> -> memref<10000x128xf32, #tpu.memory_space<vmem_shared>>
        tpu.wait_indirect_dma semaphore(%run_scoped3A : memref<!tpu.dma_semaphore, #tpu.memory_space<semaphore_mem>>) src(%arg7 : memref<80x128xf32, #tpu.memory_space<vmem>>) dst(%dma_wait3A_99 : memref<10000x128xf32, #tpu.memory_space<vmem_shared>>)
        tpu.yield
      }) : () -> ()
      %add3A_74 = arith.constant 1 : i32
      %add3A_75 = arith.addi %add3A_54, %add3A_74 : i32
      %mul3A_76 = arith.constant 80 : i32
      %mul3A_77 = arith.muli %add3A_75, %mul3A_76 : i32
      %add3A_78 = arith.addi %mul3A_2, %mul3A_77 : i32
      %dma_start3A_79 = tpu.memref_slice %arg3[%add3A_78] : memref<320000xi32, #tpu.memory_space<hbm>> -> memref<80xi32, #tpu.memory_space<hbm>>
      %dma_start3A_80 = tpu.memref_slice %arg3[%add3A_78] : memref<320000xi32, #tpu.memory_space<hbm>> -> memref<80xi32, #tpu.memory_space<hbm>>
      tpu.enqueue_dma source(%dma_start3A_80 : memref<80xi32, #tpu.memory_space<hbm>>) target(%arg5 : memref<80xi32, #tpu.memory_space<vmem>>) target_semaphore(%arg12 : memref<!tpu.dma_semaphore, #tpu.memory_space<semaphore_mem>>)
      %dma_start3A_81 = arith.constant 0 : i32
      %dma_start3A_82 = tpu.memref_slice %arg2[%add3A_78, %dma_start3A_81] : memref<320000x128xf32, #tpu.memory_space<hbm>> -> memref<80x128xf32, #tpu.memory_space<hbm>>
      %dma_start3A_83 = arith.constant 0 : i32
      %dma_start3A_84 = tpu.memref_slice %arg2[%add3A_78, %dma_start3A_83] : memref<320000x128xf32, #tpu.memory_space<hbm>> -> memref<80x128xf32, #tpu.memory_space<hbm>>
      tpu.enqueue_dma source(%dma_start3A_84 : memref<80x128xf32, #tpu.memory_space<hbm>>) target(%arg7 : memref<80x128xf32, #tpu.memory_space<vmem>>) target_semaphore(%arg11 : memref<!tpu.dma_semaphore, #tpu.memory_space<semaphore_mem>>)
      %mul3A_85 = arith.constant 80 : i32
      %mul3A_86 = arith.muli %add3A_54, %mul3A_85 : i32
      %add3A_87 = arith.addi %mul3A_2, %mul3A_86 : i32
      %dma_wait3A_88 = tpu.memref_slice %arg3[%add3A_87] : memref<320000xi32, #tpu.memory_space<hbm>> -> memref<80xi32, #tpu.memory_space<hbm>>
      %dma_wait3A_89 = tpu.memref_slice %arg3[%add3A_87] : memref<320000xi32, #tpu.memory_space<hbm>> -> memref<80xi32, #tpu.memory_space<hbm>>
      tpu.wait_dma2 semaphore(%arg14 : memref<!tpu.dma_semaphore, #tpu.memory_space<semaphore_mem>>) src(%dma_wait3A_89 : memref<80xi32, #tpu.memory_space<hbm>>) dst(%arg6 : memref<80xi32, #tpu.memory_space<vmem>>)
      %dma_wait3A_90 = arith.constant 0 : i32
      %dma_wait3A_91 = tpu.memref_slice %arg2[%add3A_87, %dma_wait3A_90] : memref<320000x128xf32, #tpu.memory_space<hbm>> -> memref<80x128xf32, #tpu.memory_space<hbm>>
      %dma_wait3A_92 = arith.constant 0 : i32
      %dma_wait3A_93 = tpu.memref_slice %arg2[%add3A_87, %dma_wait3A_92] : memref<320000x128xf32, #tpu.memory_space<hbm>> -> memref<80x128xf32, #tpu.memory_space<hbm>>
      tpu.wait_dma2 semaphore(%arg13 : memref<!tpu.dma_semaphore, #tpu.memory_space<semaphore_mem>>) src(%dma_wait3A_93 : memref<80x128xf32, #tpu.memory_space<hbm>>) dst(%arg8 : memref<80x128xf32, #tpu.memory_space<vmem>>)
      "tpu.region"() ({
        %run_scoped3A = tpu.sem_alloc : memref<!tpu.dma_semaphore, #tpu.memory_space<semaphore_mem>>
        %dma_start3A_94 = arith.constant 0 : i32
        %dma_start3A_95 = arith.constant 0 : i32
        %dma_start3A_96 = tpu.memref_slice %arg10[%dma_start3A_94, %dma_start3A_95] : memref<10000x128xf32, #tpu.memory_space<vmem_shared>> -> memref<10000x128xf32, #tpu.memory_space<vmem_shared>>
        tpu.enqueue_indirect_dma source(%arg8 : memref<80x128xf32, #tpu.memory_space<vmem>>) target(%dma_start3A_96 : memref<10000x128xf32, #tpu.memory_space<vmem_shared>>) offsets(%arg6 : memref<80xi32, #tpu.memory_space<vmem>>) semaphore(%run_scoped3A : memref<!tpu.dma_semaphore, #tpu.memory_space<semaphore_mem>>) {add = true}
        %dma_wait3A_97 = arith.constant 0 : i32
        %dma_wait3A_98 = arith.constant 0 : i32
        %dma_wait3A_99 = tpu.memref_slice %arg10[%dma_wait3A_97, %dma_wait3A_98] : memref<10000x128xf32, #tpu.memory_space<vmem_shared>> -> memref<10000x128xf32, #tpu.memory_space<vmem_shared>>
        tpu.wait_indirect_dma semaphore(%run_scoped3A : memref<!tpu.dma_semaphore, #tpu.memory_space<semaphore_mem>>) src(%arg8 : memref<80x128xf32, #tpu.memory_space<vmem>>) dst(%dma_wait3A_99 : memref<10000x128xf32, #tpu.memory_space<vmem_shared>>)
        tpu.yield
      }) : () -> ()
    }
    %scan3A_30 = arith.constant 62 : i32
    %add3A_31 = arith.constant 9920 : i32
    %add3A_32 = arith.addi %mul3A_2, %add3A_31 : i32
    %dma_wait3A = tpu.memref_slice %arg3[%add3A_32] : memref<320000xi32, #tpu.memory_space<hbm>> -> memref<80xi32, #tpu.memory_space<hbm>>
    %dma_wait3A_33 = tpu.memref_slice %arg3[%add3A_32] : memref<320000xi32, #tpu.memory_space<hbm>> -> memref<80xi32, #tpu.memory_space<hbm>>
    tpu.wait_dma2 semaphore(%arg12 : memref<!tpu.dma_semaphore, #tpu.memory_space<semaphore_mem>>) src(%dma_wait3A_33 : memref<80xi32, #tpu.memory_space<hbm>>) dst(%arg5 : memref<80xi32, #tpu.memory_space<vmem>>)
    %dma_wait3A_34 = arith.constant 0 : i32
    %dma_wait3A_35 = tpu.memref_slice %arg2[%add3A_32, %dma_wait3A_34] : memref<320000x128xf32, #tpu.memory_space<hbm>> -> memref<80x128xf32, #tpu.memory_space<hbm>>
    %dma_wait3A_36 = arith.constant 0 : i32
    %dma_wait3A_37 = tpu.memref_slice %arg2[%add3A_32, %dma_wait3A_36] : memref<320000x128xf32, #tpu.memory_space<hbm>> -> memref<80x128xf32, #tpu.memory_space<hbm>>
    tpu.wait_dma2 semaphore(%arg11 : memref<!tpu.dma_semaphore, #tpu.memory_space<semaphore_mem>>) src(%dma_wait3A_37 : memref<80x128xf32, #tpu.memory_space<hbm>>) dst(%arg7 : memref<80x128xf32, #tpu.memory_space<vmem>>)
    "tpu.region"() ({
      %run_scoped3A = tpu.sem_alloc : memref<!tpu.dma_semaphore, #tpu.memory_space<semaphore_mem>>
      %dma_start3A_50 = arith.constant 0 : i32
      %dma_start3A_51 = arith.constant 0 : i32
      %dma_start3A_52 = tpu.memref_slice %arg10[%dma_start3A_50, %dma_start3A_51] : memref<10000x128xf32, #tpu.memory_space<vmem_shared>> -> memref<10000x128xf32, #tpu.memory_space<vmem_shared>>
      tpu.enqueue_indirect_dma source(%arg7 : memref<80x128xf32, #tpu.memory_space<vmem>>) target(%dma_start3A_52 : memref<10000x128xf32, #tpu.memory_space<vmem_shared>>) offsets(%arg5 : memref<80xi32, #tpu.memory_space<vmem>>) semaphore(%run_scoped3A : memref<!tpu.dma_semaphore, #tpu.memory_space<semaphore_mem>>) {add = true}
      %dma_wait3A_53 = arith.constant 0 : i32
      %dma_wait3A_54 = arith.constant 0 : i32
      %dma_wait3A_55 = tpu.memref_slice %arg10[%dma_wait3A_53, %dma_wait3A_54] : memref<10000x128xf32, #tpu.memory_space<vmem_shared>> -> memref<10000x128xf32, #tpu.memory_space<vmem_shared>>
      tpu.wait_indirect_dma semaphore(%run_scoped3A : memref<!tpu.dma_semaphore, #tpu.memory_space<semaphore_mem>>) src(%arg7 : memref<80x128xf32, #tpu.memory_space<vmem>>) dst(%dma_wait3A_55 : memref<10000x128xf32, #tpu.memory_space<vmem_shared>>)
      tpu.yield
    }) : () -> ()
    %barrier3A_38 = arith.constant 0 : index
    tpu.barrier barrier_id(%barrier3A_38)
    %scan3A_39 = arith.constant 0 : i32
    %scan3A_40 = arith.constant 0 : i32
    %scan3A_41 = arith.constant 39 : i32
    %scan3A_42 = arith.addi %scan3A_40, %scan3A_41 : i32
    %scan3A_43 = arith.constant 1 : i32
    scf.for %scan3A_50 = %scan3A_40 to %scan3A_42 step %scan3A_43  : i32 {
      %mul3A_51 = arith.constant 16 : i32
      %mul3A_52 = arith.muli %scan3A_50, %mul3A_51 : i32
      %add3A_53 = arith.addi %mul3A_4, %mul3A_52 : i32
      "tpu.region"() ({
        %run_scoped3A = tpu.sem_alloc : memref<!tpu.dma_semaphore, #tpu.memory_space<semaphore_mem>>
        %dma_start3A_54 = arith.constant 0 : i32
        %dma_start3A_55 = tpu.memref_slice %arg10[%add3A_53, %dma_start3A_54] : memref<10000x128xf32, #tpu.memory_space<vmem_shared>> -> memref<16x128xf32, #tpu.memory_space<vmem_shared>>
        %dma_start3A_56 = arith.constant 0 : i32
        %dma_start3A_57 = tpu.memref_slice %arg10[%add3A_53, %dma_start3A_56] : memref<10000x128xf32, #tpu.memory_space<vmem_shared>> -> memref<16x128xf32, #tpu.memory_space<vmem_shared>>
        tpu.enqueue_dma source(%dma_start3A_57 : memref<16x128xf32, #tpu.memory_space<vmem_shared>>) target(%arg9 : memref<16x128xf32, #tpu.memory_space<vmem>>) target_semaphore(%run_scoped3A : memref<!tpu.dma_semaphore, #tpu.memory_space<semaphore_mem>>)
        %dma_wait3A_58 = arith.constant 0 : i32
        %dma_wait3A_59 = tpu.memref_slice %arg10[%add3A_53, %dma_wait3A_58] : memref<10000x128xf32, #tpu.memory_space<vmem_shared>> -> memref<16x128xf32, #tpu.memory_space<vmem_shared>>
        %dma_wait3A_60 = arith.constant 0 : i32
        %dma_wait3A_61 = tpu.memref_slice %arg10[%add3A_53, %dma_wait3A_60] : memref<10000x128xf32, #tpu.memory_space<vmem_shared>> -> memref<16x128xf32, #tpu.memory_space<vmem_shared>>
        tpu.wait_dma2 semaphore(%run_scoped3A : memref<!tpu.dma_semaphore, #tpu.memory_space<semaphore_mem>>) src(%dma_wait3A_61 : memref<16x128xf32, #tpu.memory_space<vmem_shared>>) dst(%arg9 : memref<16x128xf32, #tpu.memory_space<vmem>>)
        tpu.yield
      }) : () -> ()
      "tpu.region"() ({
        %run_scoped3A = tpu.sem_alloc : memref<!tpu.dma_semaphore, #tpu.memory_space<semaphore_mem>>
        %dma_start3A_54 = arith.constant 0 : i32
        %dma_start3A_55 = tpu.memref_slice %arg4[%arg0, %add3A_53, %dma_start3A_54] : memref<2x10000x128xf32, #tpu.memory_space<hbm>> -> memref<1x16x128xf32, #tpu.memory_space<hbm>>
        %dma_start3A_56 = tpu.memref_squeeze %dma_start3A_55 : memref<1x16x128xf32, #tpu.memory_space<hbm>> -> memref<16x128xf32, #tpu.memory_space<hbm>>
        %dma_start3A_57 = arith.constant 0 : i32
        %dma_start3A_58 = tpu.memref_slice %arg4[%arg0, %add3A_53, %dma_start3A_57] : memref<2x10000x128xf32, #tpu.memory_space<hbm>> -> memref<1x16x128xf32, #tpu.memory_space<hbm>>
        %dma_start3A_59 = tpu.memref_squeeze %dma_start3A_58 : memref<1x16x128xf32, #tpu.memory_space<hbm>> -> memref<16x128xf32, #tpu.memory_space<hbm>>
        tpu.enqueue_dma source(%arg9 : memref<16x128xf32, #tpu.memory_space<vmem>>) target(%dma_start3A_59 : memref<16x128xf32, #tpu.memory_space<hbm>>) target_semaphore(%run_scoped3A : memref<!tpu.dma_semaphore, #tpu.memory_space<semaphore_mem>>)
        %dma_wait3A_60 = arith.constant 0 : i32
        %dma_wait3A_61 = tpu.memref_slice %arg4[%arg0, %add3A_53, %dma_wait3A_60] : memref<2x10000x128xf32, #tpu.memory_space<hbm>> -> memref<1x16x128xf32, #tpu.memory_space<hbm>>
        %dma_wait3A_62 = tpu.memref_squeeze %dma_wait3A_61 : memref<1x16x128xf32, #tpu.memory_space<hbm>> -> memref<16x128xf32, #tpu.memory_space<hbm>>
        %dma_wait3A_63 = arith.constant 0 : i32
        %dma_wait3A_64 = tpu.memref_slice %arg4[%arg0, %add3A_53, %dma_wait3A_63] : memref<2x10000x128xf32, #tpu.memory_space<hbm>> -> memref<1x16x128xf32, #tpu.memory_space<hbm>>
        %dma_wait3A_65 = tpu.memref_squeeze %dma_wait3A_64 : memref<1x16x128xf32, #tpu.memory_space<hbm>> -> memref<16x128xf32, #tpu.memory_space<hbm>>
        tpu.wait_dma2 semaphore(%run_scoped3A : memref<!tpu.dma_semaphore, #tpu.memory_space<semaphore_mem>>) src(%arg9 : memref<16x128xf32, #tpu.memory_space<vmem>>) dst(%dma_wait3A_65 : memref<16x128xf32, #tpu.memory_space<hbm>>)
        tpu.yield
      }) : () -> ()
    }
    %scan3A_44 = arith.constant 39 : i32
    %eq3A_45 = arith.constant 0 : i32
    %eq3A_46 = arith.cmpi eq, %arg1, %eq3A_45 : i32
    %convert_element_type3A_47 = arith.extui %eq3A_46 : i1 to i32
    %cond3A_48 = arith.constant 0 : i32
    %cond3A_49 = arith.cmpi ne, %convert_element_type3A_47, %cond3A_48 : i32
    scf.if %cond3A_49 {
      %scan3A_50 = arith.constant 0 : i32
      %scan3A_51 = arith.constant 0 : i32
      %mul3A_52 = arith.constant 16 : i32
      %mul3A_53 = arith.muli %scan3A_51, %mul3A_52 : i32
      %add3A_54 = arith.constant 9984 : i32
      %add3A_55 = arith.addi %add3A_54, %mul3A_53 : i32
      "tpu.region"() ({
        %run_scoped3A = tpu.sem_alloc : memref<!tpu.dma_semaphore, #tpu.memory_space<semaphore_mem>>
        %dma_start3A_57 = arith.constant 0 : i32
        %dma_start3A_58 = tpu.memref_slice %arg10[%add3A_55, %dma_start3A_57] : memref<10000x128xf32, #tpu.memory_space<vmem_shared>> -> memref<16x128xf32, #tpu.memory_space<vmem_shared>>
        %dma_start3A_59 = arith.constant 0 : i32
        %dma_start3A_60 = tpu.memref_slice %arg10[%add3A_55, %dma_start3A_59] : memref<10000x128xf32, #tpu.memory_space<vmem_shared>> -> memref<16x128xf32, #tpu.memory_space<vmem_shared>>
        tpu.enqueue_dma source(%dma_start3A_60 : memref<16x128xf32, #tpu.memory_space<vmem_shared>>) target(%arg9 : memref<16x128xf32, #tpu.memory_space<vmem>>) target_semaphore(%run_scoped3A : memref<!tpu.dma_semaphore, #tpu.memory_space<semaphore_mem>>)
        %dma_wait3A_61 = arith.constant 0 : i32
        %dma_wait3A_62 = tpu.memref_slice %arg10[%add3A_55, %dma_wait3A_61] : memref<10000x128xf32, #tpu.memory_space<vmem_shared>> -> memref<16x128xf32, #tpu.memory_space<vmem_shared>>
        %dma_wait3A_63 = arith.constant 0 : i32
        %dma_wait3A_64 = tpu.memref_slice %arg10[%add3A_55, %dma_wait3A_63] : memref<10000x128xf32, #tpu.memory_space<vmem_shared>> -> memref<16x128xf32, #tpu.memory_space<vmem_shared>>
        tpu.wait_dma2 semaphore(%run_scoped3A : memref<!tpu.dma_semaphore, #tpu.memory_space<semaphore_mem>>) src(%dma_wait3A_64 : memref<16x128xf32, #tpu.memory_space<vmem_shared>>) dst(%arg9 : memref<16x128xf32, #tpu.memory_space<vmem>>)
        tpu.yield
      }) : () -> ()
      "tpu.region"() ({
        %run_scoped3A = tpu.sem_alloc : memref<!tpu.dma_semaphore, #tpu.memory_space<semaphore_mem>>
        %dma_start3A_57 = arith.constant 0 : i32
        %dma_start3A_58 = tpu.memref_slice %arg4[%arg0, %add3A_55, %dma_start3A_57] : memref<2x10000x128xf32, #tpu.memory_space<hbm>> -> memref<1x16x128xf32, #tpu.memory_space<hbm>>
        %dma_start3A_59 = tpu.memref_squeeze %dma_start3A_58 : memref<1x16x128xf32, #tpu.memory_space<hbm>> -> memref<16x128xf32, #tpu.memory_space<hbm>>
        %dma_start3A_60 = arith.constant 0 : i32
        %dma_start3A_61 = tpu.memref_slice %arg4[%arg0, %add3A_55, %dma_start3A_60] : memref<2x10000x128xf32, #tpu.memory_space<hbm>> -> memref<1x16x128xf32, #tpu.memory_space<hbm>>
        %dma_start3A_62 = tpu.memref_squeeze %dma_start3A_61 : memref<1x16x128xf32, #tpu.memory_space<hbm>> -> memref<16x128xf32, #tpu.memory_space<hbm>>
        tpu.enqueue_dma source(%arg9 : memref<16x128xf32, #tpu.memory_space<vmem>>) target(%dma_start3A_62 : memref<16x128xf32, #tpu.memory_space<hbm>>) target_semaphore(%run_scoped3A : memref<!tpu.dma_semaphore, #tpu.memory_space<semaphore_mem>>)
        %dma_wait3A_63 = arith.constant 0 : i32
        %dma_wait3A_64 = tpu.memref_slice %arg4[%arg0, %add3A_55, %dma_wait3A_63] : memref<2x10000x128xf32, #tpu.memory_space<hbm>> -> memref<1x16x128xf32, #tpu.memory_space<hbm>>
        %dma_wait3A_65 = tpu.memref_squeeze %dma_wait3A_64 : memref<1x16x128xf32, #tpu.memory_space<hbm>> -> memref<16x128xf32, #tpu.memory_space<hbm>>
        %dma_wait3A_66 = arith.constant 0 : i32
        %dma_wait3A_67 = tpu.memref_slice %arg4[%arg0, %add3A_55, %dma_wait3A_66] : memref<2x10000x128xf32, #tpu.memory_space<hbm>> -> memref<1x16x128xf32, #tpu.memory_space<hbm>>
        %dma_wait3A_68 = tpu.memref_squeeze %dma_wait3A_67 : memref<1x16x128xf32, #tpu.memory_space<hbm>> -> memref<16x128xf32, #tpu.memory_space<hbm>>
        tpu.wait_dma2 semaphore(%run_scoped3A : memref<!tpu.dma_semaphore, #tpu.memory_space<semaphore_mem>>) src(%arg9 : memref<16x128xf32, #tpu.memory_space<vmem>>) dst(%dma_wait3A_68 : memref<16x128xf32, #tpu.memory_space<hbm>>)
        tpu.yield
      }) : () -> ()
      %scan3A_56 = arith.constant 1 : i32
    } else {
    }
    return
  }
}

module attributes {stable_mosaic.version = 14 : i64} {
  func.func @_pre_body(%arg0: i32, %arg1: memref<1000x128xf32, #tpu.memory_space<vmem>>, %arg2: memref<1x128xf32, #tpu.memory_space<vmem>>, %arg3: memref<1x128xf32, #tpu.memory_space<vmem>>, %arg4: memref<128x128xf32, #tpu.memory_space<vmem>>, %arg5: memref<128x128xf32, #tpu.memory_space<vmem>>, %arg6: memref<1000x128xf32, #tpu.memory_space<vmem>>, %arg7: memref<1000x128xf32, #tpu.memory_space<vmem>>) attributes {dimension_semantics = [#tpu.dimension_semantics<arbitrary>], iteration_bounds = array<i64: 10>, scalar_prefetch = 0 : i64, scratch_operands = 0 : i64, tpu.core_type = #tpu.core_type<tc>, window_params = [{transform_indices = @transform_0, window_bounds = array<i64: 1000, 128>}, {pipeline_mode = #tpu.pipeline_mode<synchronous>, transform_indices = @transform_1, window_bounds = array<i64: 1, 128>}, {pipeline_mode = #tpu.pipeline_mode<synchronous>, transform_indices = @transform_2, window_bounds = array<i64: 1, 128>}, {pipeline_mode = #tpu.pipeline_mode<synchronous>, transform_indices = @transform_3, window_bounds = array<i64: 128, 128>}, {pipeline_mode = #tpu.pipeline_mode<synchronous>, transform_indices = @transform_4, window_bounds = array<i64: 128, 128>}, {transform_indices = @transform_5, window_bounds = array<i64: 1000, 128>}, {transform_indices = @transform_6, window_bounds = array<i64: 1000, 128>}]} {
    %get3A = arith.constant 0 : index
    %get3A_0 = arith.constant 0 : index
    %get3A_1 = vector.load %arg1[%get3A, %get3A_0] : memref<1000x128xf32, #tpu.memory_space<vmem>>, vector<1000x128xf32>
    %reduce_sum3A = arith.constant dense<0.000000e+00> : vector<1000xf32>
    %reduce_sum3A_2 = vector.multi_reduction <add>, %get3A_1, %reduce_sum3A [1] : vector<1000x128xf32> to vector<1000xf32>
    %broadcast_in_dim3A = vector.shape_cast %reduce_sum3A_2 : vector<1000xf32> to vector<1000x1xf32>
    %div3A = arith.constant 1.280000e+02 : f32
    %div3A_3 = vector.broadcast %div3A : f32 to vector<1000x1xf32>
    %div3A_4 = arith.divf %broadcast_in_dim3A, %div3A_3 : vector<1000x1xf32>
    %sub3A = vector.broadcast %div3A_4 : vector<1000x1xf32> to vector<1000x128xf32>
    %sub3A_5 = arith.subf %get3A_1, %sub3A : vector<1000x128xf32>
    %mul3A = arith.mulf %sub3A_5, %sub3A_5 : vector<1000x128xf32>
    %reduce_sum3A_6 = arith.constant dense<0.000000e+00> : vector<1000xf32>
    %reduce_sum3A_7 = vector.multi_reduction <add>, %mul3A, %reduce_sum3A_6 [1] : vector<1000x128xf32> to vector<1000xf32>
    %broadcast_in_dim3A_8 = vector.shape_cast %reduce_sum3A_7 : vector<1000xf32> to vector<1000x1xf32>
    %div3A_9 = arith.constant 1.280000e+02 : f32
    %div3A_10 = vector.broadcast %div3A_9 : f32 to vector<1000x1xf32>
    %div3A_11 = arith.divf %broadcast_in_dim3A_8, %div3A_10 : vector<1000x1xf32>
    %add3A = arith.constant 9.99999974E-6 : f32
    %add3A_12 = vector.broadcast %add3A : f32 to vector<1000x1xf32>
    %add3A_13 = arith.addf %div3A_11, %add3A_12 : vector<1000x1xf32>
    %rsqrt3A = math.rsqrt %add3A_13 : vector<1000x1xf32>
    %mul3A_14 = vector.broadcast %rsqrt3A : vector<1000x1xf32> to vector<1000x128xf32>
    %mul3A_15 = arith.mulf %sub3A_5, %mul3A_14 : vector<1000x128xf32>
    %get3A_16 = arith.constant 0 : index
    %get3A_17 = arith.constant 0 : index
    %get3A_18 = vector.load %arg2[%get3A_16, %get3A_17] : memref<1x128xf32, #tpu.memory_space<vmem>>, vector<1x128xf32>
    %mul3A_19 = vector.broadcast %get3A_18 : vector<1x128xf32> to vector<1000x128xf32>
    %mul3A_20 = arith.mulf %mul3A_15, %mul3A_19 : vector<1000x128xf32>
    %get3A_21 = arith.constant 0 : index
    %get3A_22 = arith.constant 0 : index
    %get3A_23 = vector.load %arg3[%get3A_21, %get3A_22] : memref<1x128xf32, #tpu.memory_space<vmem>>, vector<1x128xf32>
    %add3A_24 = vector.broadcast %get3A_23 : vector<1x128xf32> to vector<1000x128xf32>
    %add3A_25 = arith.addf %mul3A_20, %add3A_24 : vector<1000x128xf32>
    %get3A_26 = arith.constant 0 : index
    %get3A_27 = arith.constant 0 : index
    %get3A_28 = vector.load %arg4[%get3A_26, %get3A_27] : memref<128x128xf32, #tpu.memory_space<vmem>>, vector<128x128xf32>
    %dot_general3A = arith.constant dense<0.000000e+00> : vector<1000x128xf32>
    %dot_general3A_29 = tpu.matmul %add3A_25, %get3A_28, %dot_general3A {dimension_numbers = #tpu.dot_dimension_numbers<[1], [0], [0], [1], [0, 0, 1, 1], [], []>, transpose_lhs_hint = false} : vector<1000x128xf32>, vector<128x128xf32>, vector<1000x128xf32> -> vector<1000x128xf32>
    %swap3A = arith.constant 0 : index
    %swap3A_30 = arith.constant 0 : index
    %swap3A_31 = vector.load %arg6[%swap3A, %swap3A_30] : memref<1000x128xf32, #tpu.memory_space<vmem>>, vector<1000x128xf32>
    tpu.vector_store %arg6[%swap3A, %swap3A_30], %dot_general3A_29 {strides = array<i32>} : memref<1000x128xf32, #tpu.memory_space<vmem>>, vector<1000x128xf32>,
    %get3A_32 = arith.constant 0 : index
    %get3A_33 = arith.constant 0 : index
    %get3A_34 = vector.load %arg5[%get3A_32, %get3A_33] : memref<128x128xf32, #tpu.memory_space<vmem>>, vector<128x128xf32>
    %dot_general3A_35 = arith.constant dense<0.000000e+00> : vector<1000x128xf32>
    %dot_general3A_36 = tpu.matmul %add3A_25, %get3A_34, %dot_general3A_35 {dimension_numbers = #tpu.dot_dimension_numbers<[1], [0], [0], [1], [0, 0, 1, 1], [], []>, transpose_lhs_hint = false} : vector<1000x128xf32>, vector<128x128xf32>, vector<1000x128xf32> -> vector<1000x128xf32>
    %swap3A_37 = arith.constant 0 : index
    %swap3A_38 = arith.constant 0 : index
    %swap3A_39 = vector.load %arg7[%swap3A_37, %swap3A_38] : memref<1000x128xf32, #tpu.memory_space<vmem>>, vector<1000x128xf32>
    tpu.vector_store %arg7[%swap3A_37, %swap3A_38], %dot_general3A_36 {strides = array<i32>} : memref<1000x128xf32, #tpu.memory_space<vmem>>, vector<1000x128xf32>,
    return
  }
  func.func @transform_0(%arg0: i32) -> (i32, i32) {
    %c0_i32 = arith.constant 0 : i32
    %c0_i32_0 = arith.constant 0 : i32
    return %arg0, %c0_i32 : i32, i32
  }
  func.func @transform_1(%arg0: i32) -> (i32, i32) {
    %c0_i32 = arith.constant 0 : i32
    %c0_i32_0 = arith.constant 0 : i32
    %c0_i32_1 = arith.constant 0 : i32
    return %c0_i32, %c0_i32_0 : i32, i32
  }
  func.func @transform_2(%arg0: i32) -> (i32, i32) {
    %c0_i32 = arith.constant 0 : i32
    %c0_i32_0 = arith.constant 0 : i32
    %c0_i32_1 = arith.constant 0 : i32
    return %c0_i32, %c0_i32_0 : i32, i32
  }
  func.func @transform_3(%arg0: i32) -> (i32, i32) {
    %c0_i32 = arith.constant 0 : i32
    %c0_i32_0 = arith.constant 0 : i32
    %c0_i32_1 = arith.constant 0 : i32
    return %c0_i32, %c0_i32_0 : i32, i32
  }
  func.func @transform_4(%arg0: i32) -> (i32, i32) {
    %c0_i32 = arith.constant 0 : i32
    %c0_i32_0 = arith.constant 0 : i32
    %c0_i32_1 = arith.constant 0 : i32
    return %c0_i32, %c0_i32_0 : i32, i32
  }
  func.func @transform_5(%arg0: i32) -> (i32, i32) {
    %c0_i32 = arith.constant 0 : i32
    %c0_i32_0 = arith.constant 0 : i32
    return %arg0, %c0_i32 : i32, i32
  }
  func.func @transform_6(%arg0: i32) -> (i32, i32) {
    %c0_i32 = arith.constant 0 : i32
    %c0_i32_0 = arith.constant 0 : i32
    return %arg0, %c0_i32 : i32, i32
  }
}

module attributes {stable_mosaic.version = 14 : i64} {
  func.func @_edge_body(%arg0: i32, %arg1: memref<2000x128xf32, #tpu.memory_space<vmem>>, %arg2: memref<2000x16xf32, #tpu.memory_space<vmem>>, %arg3: memref<16x128xf32, #tpu.memory_space<vmem>>, %arg4: memref<1x128xf32, #tpu.memory_space<vmem>>, %arg5: memref<128x128xf32, #tpu.memory_space<vmem>>, %arg6: memref<1x128xf32, #tpu.memory_space<vmem>>, %arg7: memref<2000x128xf32, #tpu.memory_space<vmem>>) attributes {dimension_semantics = [#tpu.dimension_semantics<arbitrary>], iteration_bounds = array<i64: 160>, scalar_prefetch = 0 : i64, scratch_operands = 0 : i64, tpu.core_type = #tpu.core_type<tc>, window_params = [{transform_indices = @transform_0, window_bounds = array<i64: 2000, 128>}, {transform_indices = @transform_1, window_bounds = array<i64: 2000, 16>}, {pipeline_mode = #tpu.pipeline_mode<synchronous>, transform_indices = @transform_2, window_bounds = array<i64: 16, 128>}, {pipeline_mode = #tpu.pipeline_mode<synchronous>, transform_indices = @transform_3, window_bounds = array<i64: 1, 128>}, {pipeline_mode = #tpu.pipeline_mode<synchronous>, transform_indices = @transform_4, window_bounds = array<i64: 128, 128>}, {pipeline_mode = #tpu.pipeline_mode<synchronous>, transform_indices = @transform_5, window_bounds = array<i64: 1, 128>}, {transform_indices = @transform_6, window_bounds = array<i64: 2000, 128>}]} {
    %get3A = arith.constant 0 : index
    %get3A_0 = arith.constant 0 : index
    %get3A_1 = vector.load %arg1[%get3A, %get3A_0] : memref<2000x128xf32, #tpu.memory_space<vmem>>, vector<2000x128xf32>
    %get3A_2 = arith.constant 0 : index
    %get3A_3 = arith.constant 0 : index
    %get3A_4 = vector.load %arg2[%get3A_2, %get3A_3] : memref<2000x16xf32, #tpu.memory_space<vmem>>, vector<2000x16xf32>
    %get3A_5 = arith.constant 0 : index
    %get3A_6 = arith.constant 0 : index
    %get3A_7 = vector.load %arg3[%get3A_5, %get3A_6] : memref<16x128xf32, #tpu.memory_space<vmem>>, vector<16x128xf32>
    %dot_general3A = arith.constant dense<0.000000e+00> : vector<2000x128xf32>
    %dot_general3A_8 = tpu.matmul %get3A_4, %get3A_7, %dot_general3A {dimension_numbers = #tpu.dot_dimension_numbers<[1], [0], [0], [1], [0, 0, 1, 1], [], []>, transpose_lhs_hint = false} : vector<2000x16xf32>, vector<16x128xf32>, vector<2000x128xf32> -> vector<2000x128xf32>
    %add3A = arith.addf %get3A_1, %dot_general3A_8 : vector<2000x128xf32>
    %get3A_9 = arith.constant 0 : index
    %get3A_10 = arith.constant 0 : index
    %get3A_11 = vector.load %arg4[%get3A_9, %get3A_10] : memref<1x128xf32, #tpu.memory_space<vmem>>, vector<1x128xf32>
    %add3A_12 = vector.broadcast %get3A_11 : vector<1x128xf32> to vector<2000x128xf32>
    %add3A_13 = arith.addf %add3A, %add3A_12 : vector<2000x128xf32>
    %neg3A = arith.constant 0.000000e+00 : f32
    %neg3A_14 = vector.broadcast %neg3A : f32 to vector<2000x128xf32>
    %neg3A_15 = arith.subf %neg3A_14, %add3A_13 : vector<2000x128xf32>
    %exp3A = math.exp %neg3A_15 : vector<2000x128xf32>
    %add3A_16 = arith.constant 1.000000e+00 : f32
    %add3A_17 = vector.broadcast %add3A_16 : f32 to vector<2000x128xf32>
    %add3A_18 = arith.addf %add3A_17, %exp3A : vector<2000x128xf32>
    %div3A = arith.divf %add3A_13, %add3A_18 : vector<2000x128xf32>
    %get3A_19 = arith.constant 0 : index
    %get3A_20 = arith.constant 0 : index
    %get3A_21 = vector.load %arg5[%get3A_19, %get3A_20] : memref<128x128xf32, #tpu.memory_space<vmem>>, vector<128x128xf32>
    %dot_general3A_22 = arith.constant dense<0.000000e+00> : vector<2000x128xf32>
    %dot_general3A_23 = tpu.matmul %div3A, %get3A_21, %dot_general3A_22 {dimension_numbers = #tpu.dot_dimension_numbers<[1], [0], [0], [1], [0, 0, 1, 1], [], []>, transpose_lhs_hint = false} : vector<2000x128xf32>, vector<128x128xf32>, vector<2000x128xf32> -> vector<2000x128xf32>
    %get3A_24 = arith.constant 0 : index
    %get3A_25 = arith.constant 0 : index
    %get3A_26 = vector.load %arg6[%get3A_24, %get3A_25] : memref<1x128xf32, #tpu.memory_space<vmem>>, vector<1x128xf32>
    %add3A_27 = vector.broadcast %get3A_26 : vector<1x128xf32> to vector<2000x128xf32>
    %add3A_28 = arith.addf %dot_general3A_23, %add3A_27 : vector<2000x128xf32>
    %neg3A_29 = arith.constant 0.000000e+00 : f32
    %neg3A_30 = vector.broadcast %neg3A_29 : f32 to vector<2000x128xf32>
    %neg3A_31 = arith.subf %neg3A_30, %add3A_28 : vector<2000x128xf32>
    %exp3A_32 = math.exp %neg3A_31 : vector<2000x128xf32>
    %add3A_33 = arith.constant 1.000000e+00 : f32
    %add3A_34 = vector.broadcast %add3A_33 : f32 to vector<2000x128xf32>
    %add3A_35 = arith.addf %add3A_34, %exp3A_32 : vector<2000x128xf32>
    %div3A_36 = arith.divf %add3A_28, %add3A_35 : vector<2000x128xf32>
    %swap3A = arith.constant 0 : index
    %swap3A_37 = arith.constant 0 : index
    %swap3A_38 = vector.load %arg7[%swap3A, %swap3A_37] : memref<2000x128xf32, #tpu.memory_space<vmem>>, vector<2000x128xf32>
    tpu.vector_store %arg7[%swap3A, %swap3A_37], %div3A_36 {strides = array<i32>} : memref<2000x128xf32, #tpu.memory_space<vmem>>, vector<2000x128xf32>,
    return
  }
  func.func @transform_0(%arg0: i32) -> (i32, i32) {
    %c0_i32 = arith.constant 0 : i32
    %c0_i32_0 = arith.constant 0 : i32
    return %arg0, %c0_i32 : i32, i32
  }
  func.func @transform_1(%arg0: i32) -> (i32, i32) {
    %c0_i32 = arith.constant 0 : i32
    %c0_i32_0 = arith.constant 0 : i32
    return %arg0, %c0_i32 : i32, i32
  }
  func.func @transform_2(%arg0: i32) -> (i32, i32) {
    %c0_i32 = arith.constant 0 : i32
    %c0_i32_0 = arith.constant 0 : i32
    %c0_i32_1 = arith.constant 0 : i32
    return %c0_i32, %c0_i32_0 : i32, i32
  }
  func.func @transform_3(%arg0: i32) -> (i32, i32) {
    %c0_i32 = arith.constant 0 : i32
    %c0_i32_0 = arith.constant 0 : i32
    %c0_i32_1 = arith.constant 0 : i32
    return %c0_i32, %c0_i32_0 : i32, i32
  }
  func.func @transform_4(%arg0: i32) -> (i32, i32) {
    %c0_i32 = arith.constant 0 : i32
    %c0_i32_0 = arith.constant 0 : i32
    %c0_i32_1 = arith.constant 0 : i32
    return %c0_i32, %c0_i32_0 : i32, i32
  }
  func.func @transform_5(%arg0: i32) -> (i32, i32) {
    %c0_i32 = arith.constant 0 : i32
    %c0_i32_0 = arith.constant 0 : i32
    %c0_i32_1 = arith.constant 0 : i32
    return %c0_i32, %c0_i32_0 : i32, i32
  }
  func.func @transform_6(%arg0: i32) -> (i32, i32) {
    %c0_i32 = arith.constant 0 : i32
    %c0_i32_0 = arith.constant 0 : i32
    return %arg0, %c0_i32 : i32, i32
  }
}

module attributes {stable_mosaic.version = 14 : i64} {
  func.func @_final_body(%arg0: i32, %arg1: memref<1000x128xf32, #tpu.memory_space<vmem>>, %arg2: memref<1000x128xf32, #tpu.memory_space<vmem>>, %arg3: memref<1000x128xf32, #tpu.memory_space<vmem>>, %arg4: memref<1000x128xf32, #tpu.memory_space<vmem>>, %arg5: memref<1000x128xf32, #tpu.memory_space<vmem>>, %arg6: memref<128x128xf32, #tpu.memory_space<vmem>>, %arg7: memref<128x128xf32, #tpu.memory_space<vmem>>, %arg8: memref<1x128xf32, #tpu.memory_space<vmem>>, %arg9: memref<128x128xf32, #tpu.memory_space<vmem>>, %arg10: memref<1x128xf32, #tpu.memory_space<vmem>>, %arg11: memref<1000x128xf32, #tpu.memory_space<vmem>>) attributes {dimension_semantics = [#tpu.dimension_semantics<arbitrary>], iteration_bounds = array<i64: 10>, scalar_prefetch = 0 : i64, scratch_operands = 0 : i64, tpu.core_type = #tpu.core_type<tc>, window_params = [{transform_indices = @transform_0, window_bounds = array<i64: 1000, 128>}, {transform_indices = @transform_1, window_bounds = array<i64: 1000, 128>}, {transform_indices = @transform_2, window_bounds = array<i64: 1000, 128>}, {transform_indices = @transform_3, window_bounds = array<i64: 1000, 128>}, {transform_indices = @transform_4, window_bounds = array<i64: 1000, 128>}, {pipeline_mode = #tpu.pipeline_mode<synchronous>, transform_indices = @transform_5, window_bounds = array<i64: 128, 128>}, {pipeline_mode = #tpu.pipeline_mode<synchronous>, transform_indices = @transform_6, window_bounds = array<i64: 128, 128>}, {pipeline_mode = #tpu.pipeline_mode<synchronous>, transform_indices = @transform_7, window_bounds = array<i64: 1, 128>}, {pipeline_mode = #tpu.pipeline_mode<synchronous>, transform_indices = @transform_8, window_bounds = array<i64: 128, 128>}, {pipeline_mode = #tpu.pipeline_mode<synchronous>, transform_indices = @transform_9, window_bounds = array<i64: 1, 128>}, {transform_indices = @transform_10, window_bounds = array<i64: 1000, 128>}]} {
    %get3A = arith.constant 0 : index
    %get3A_0 = arith.constant 0 : index
    %get3A_1 = vector.load %arg1[%get3A, %get3A_0] : memref<1000x128xf32, #tpu.memory_space<vmem>>, vector<1000x128xf32>
    %get3A_2 = arith.constant 0 : index
    %get3A_3 = arith.constant 0 : index
    %get3A_4 = vector.load %arg4[%get3A_2, %get3A_3] : memref<1000x128xf32, #tpu.memory_space<vmem>>, vector<1000x128xf32>
    %slice3A = vector.extract_strided_slice %get3A_4 {offsets = [0, 0], sizes = [1000, 1], strides = [1, 1]} : vector<1000x128xf32> to vector<1000x1xf32>
    %get3A_5 = arith.constant 0 : index
    %get3A_6 = arith.constant 0 : index
    %get3A_7 = vector.load %arg5[%get3A_5, %get3A_6] : memref<1000x128xf32, #tpu.memory_space<vmem>>, vector<1000x128xf32>
    %slice3A_8 = vector.extract_strided_slice %get3A_7 {offsets = [0, 0], sizes = [1000, 1], strides = [1, 1]} : vector<1000x128xf32> to vector<1000x1xf32>
    %add3A = arith.addf %slice3A, %slice3A_8 : vector<1000x1xf32>
    %get3A_9 = arith.constant 0 : index
    %get3A_10 = arith.constant 0 : index
    %get3A_11 = vector.load %arg2[%get3A_9, %get3A_10] : memref<1000x128xf32, #tpu.memory_space<vmem>>, vector<1000x128xf32>
    %get3A_12 = arith.constant 0 : index
    %get3A_13 = arith.constant 0 : index
    %get3A_14 = vector.load %arg3[%get3A_12, %get3A_13] : memref<1000x128xf32, #tpu.memory_space<vmem>>, vector<1000x128xf32>
    %add3A_15 = arith.addf %get3A_11, %get3A_14 : vector<1000x128xf32>
    %max3A = arith.constant 1.000000e+00 : f32
    %max3A_16 = vector.broadcast %max3A : f32 to vector<1000x1xf32>
    %max3A_17 = arith.maximumf %add3A, %max3A_16 : vector<1000x1xf32>
    %div3A = vector.broadcast %max3A_17 : vector<1000x1xf32> to vector<1000x128xf32>
    %div3A_18 = arith.divf %add3A_15, %div3A : vector<1000x128xf32>
    %get3A_19 = arith.constant 0 : index
    %get3A_20 = arith.constant 0 : index
    %get3A_21 = vector.load %arg6[%get3A_19, %get3A_20] : memref<128x128xf32, #tpu.memory_space<vmem>>, vector<128x128xf32>
    %dot_general3A = arith.constant dense<0.000000e+00> : vector<1000x128xf32>
    %dot_general3A_22 = tpu.matmul %get3A_1, %get3A_21, %dot_general3A {dimension_numbers = #tpu.dot_dimension_numbers<[1], [0], [0], [1], [0, 0, 1, 1], [], []>, transpose_lhs_hint = false} : vector<1000x128xf32>, vector<128x128xf32>, vector<1000x128xf32> -> vector<1000x128xf32>
    %get3A_23 = arith.constant 0 : index
    %get3A_24 = arith.constant 0 : index
    %get3A_25 = vector.load %arg7[%get3A_23, %get3A_24] : memref<128x128xf32, #tpu.memory_space<vmem>>, vector<128x128xf32>
    %dot_general3A_26 = arith.constant dense<0.000000e+00> : vector<1000x128xf32>
    %dot_general3A_27 = tpu.matmul %div3A_18, %get3A_25, %dot_general3A_26 {dimension_numbers = #tpu.dot_dimension_numbers<[1], [0], [0], [1], [0, 0, 1, 1], [], []>, transpose_lhs_hint = false} : vector<1000x128xf32>, vector<128x128xf32>, vector<1000x128xf32> -> vector<1000x128xf32>
    %add3A_28 = arith.addf %dot_general3A_22, %dot_general3A_27 : vector<1000x128xf32>
    %get3A_29 = arith.constant 0 : index
    %get3A_30 = arith.constant 0 : index
    %get3A_31 = vector.load %arg8[%get3A_29, %get3A_30] : memref<1x128xf32, #tpu.memory_space<vmem>>, vector<1x128xf32>
    %add3A_32 = vector.broadcast %get3A_31 : vector<1x128xf32> to vector<1000x128xf32>
    %add3A_33 = arith.addf %add3A_28, %add3A_32 : vector<1000x128xf32>
    %neg3A = arith.constant 0.000000e+00 : f32
    %neg3A_34 = vector.broadcast %neg3A : f32 to vector<1000x128xf32>
    %neg3A_35 = arith.subf %neg3A_34, %add3A_33 : vector<1000x128xf32>
    %exp3A = math.exp %neg3A_35 : vector<1000x128xf32>
    %add3A_36 = arith.constant 1.000000e+00 : f32
    %add3A_37 = vector.broadcast %add3A_36 : f32 to vector<1000x128xf32>
    %add3A_38 = arith.addf %add3A_37, %exp3A : vector<1000x128xf32>
    %div3A_39 = arith.divf %add3A_33, %add3A_38 : vector<1000x128xf32>
    %get3A_40 = arith.constant 0 : index
    %get3A_41 = arith.constant 0 : index
    %get3A_42 = vector.load %arg9[%get3A_40, %get3A_41] : memref<128x128xf32, #tpu.memory_space<vmem>>, vector<128x128xf32>
    %dot_general3A_43 = arith.constant dense<0.000000e+00> : vector<1000x128xf32>
    %dot_general3A_44 = tpu.matmul %div3A_39, %get3A_42, %dot_general3A_43 {dimension_numbers = #tpu.dot_dimension_numbers<[1], [0], [0], [1], [0, 0, 1, 1], [], []>, transpose_lhs_hint = false} : vector<1000x128xf32>, vector<128x128xf32>, vector<1000x128xf32> -> vector<1000x128xf32>
    %get3A_45 = arith.constant 0 : index
    %get3A_46 = arith.constant 0 : index
    %get3A_47 = vector.load %arg10[%get3A_45, %get3A_46] : memref<1x128xf32, #tpu.memory_space<vmem>>, vector<1x128xf32>
    %add3A_48 = vector.broadcast %get3A_47 : vector<1x128xf32> to vector<1000x128xf32>
    %add3A_49 = arith.addf %dot_general3A_44, %add3A_48 : vector<1000x128xf32>
    %neg3A_50 = arith.constant 0.000000e+00 : f32
    %neg3A_51 = vector.broadcast %neg3A_50 : f32 to vector<1000x128xf32>
    %neg3A_52 = arith.subf %neg3A_51, %add3A_49 : vector<1000x128xf32>
    %exp3A_53 = math.exp %neg3A_52 : vector<1000x128xf32>
    %add3A_54 = arith.constant 1.000000e+00 : f32
    %add3A_55 = vector.broadcast %add3A_54 : f32 to vector<1000x128xf32>
    %add3A_56 = arith.addf %add3A_55, %exp3A_53 : vector<1000x128xf32>
    %div3A_57 = arith.divf %add3A_49, %add3A_56 : vector<1000x128xf32>
    %add3A_58 = arith.addf %get3A_1, %div3A_57 : vector<1000x128xf32>
    %swap3A = arith.constant 0 : index
    %swap3A_59 = arith.constant 0 : index
    %swap3A_60 = vector.load %arg11[%swap3A, %swap3A_59] : memref<1000x128xf32, #tpu.memory_space<vmem>>, vector<1000x128xf32>
    tpu.vector_store %arg11[%swap3A, %swap3A_59], %add3A_58 {strides = array<i32>} : memref<1000x128xf32, #tpu.memory_space<vmem>>, vector<1000x128xf32>,
    return
  }
  func.func @transform_0(%arg0: i32) -> (i32, i32) {
    %c0_i32 = arith.constant 0 : i32
    %c0_i32_0 = arith.constant 0 : i32
    return %arg0, %c0_i32 : i32, i32
  }
  func.func @transform_1(%arg0: i32) -> (i32, i32) {
    %c0_i32 = arith.constant 0 : i32
    %c0_i32_0 = arith.constant 0 : i32
    return %arg0, %c0_i32 : i32, i32
  }
  func.func @transform_2(%arg0: i32) -> (i32, i32) {
    %c0_i32 = arith.constant 0 : i32
    %c0_i32_0 = arith.constant 0 : i32
    return %arg0, %c0_i32 : i32, i32
  }
  func.func @transform_3(%arg0: i32) -> (i32, i32) {
    %c0_i32 = arith.constant 0 : i32
    %c0_i32_0 = arith.constant 0 : i32
    return %arg0, %c0_i32 : i32, i32
  }
  func.func @transform_4(%arg0: i32) -> (i32, i32) {
    %c0_i32 = arith.constant 0 : i32
    %c0_i32_0 = arith.constant 0 : i32
    return %arg0, %c0_i32 : i32, i32
  }
  func.func @transform_5(%arg0: i32) -> (i32, i32) {
    %c0_i32 = arith.constant 0 : i32
    %c0_i32_0 = arith.constant 0 : i32
    %c0_i32_1 = arith.constant 0 : i32
    return %c0_i32, %c0_i32_0 : i32, i32
  }
  func.func @transform_6(%arg0: i32) -> (i32, i32) {
    %c0_i32 = arith.constant 0 : i32
    %c0_i32_0 = arith.constant 0 : i32
    %c0_i32_1 = arith.constant 0 : i32
    return %c0_i32, %c0_i32_0 : i32, i32
  }
  func.func @transform_7(%arg0: i32) -> (i32, i32) {
    %c0_i32 = arith.constant 0 : i32
    %c0_i32_0 = arith.constant 0 : i32
    %c0_i32_1 = arith.constant 0 : i32
    return %c0_i32, %c0_i32_0 : i32, i32
  }
  func.func @transform_8(%arg0: i32) -> (i32, i32) {
    %c0_i32 = arith.constant 0 : i32
    %c0_i32_0 = arith.constant 0 : i32
    %c0_i32_1 = arith.constant 0 : i32
    return %c0_i32, %c0_i32_0 : i32, i32
  }
  func.func @transform_9(%arg0: i32) -> (i32, i32) {
    %c0_i32 = arith.constant 0 : i32
    %c0_i32_0 = arith.constant 0 : i32
    %c0_i32_1 = arith.constant 0 : i32
    return %c0_i32, %c0_i32_0 : i32, i32
  }
  func.func @transform_10(%arg0: i32) -> (i32, i32) {
    %c0_i32 = arith.constant 0 : i32
    %c0_i32_0 = arith.constant 0 : i32
    return %arg0, %c0_i32 : i32, i32
  }
}

</mosaic_0001>

<sc_bundles>
// kernel: kernel.10.cloned.1.call-start
scs
__scs_entry_jumppad:
0x0: {  	(pc) =	sbr.rel $0x88, $3  }
0x1: {  	(tag) =	ssettag $0x0;
	lr =	simm.s32 $0x1  }
0x2: {  	[smem:$0x3F94] =	sst lr;
	_ =	strace $0xD0000000  }
0x3: {  	_ = 	snop  }
0x4: {  	_ = 	snop  }
0x5: {  	_ = 	snop  }
0x6: {  	_ = 	snop  }
0x7: {  	_ = 	snop  }
__scs_overlays_trampoline_lowered:
0x8: {  	[smem:$0x3FA3] =	sst s0  }
0x9: {  	[smem:$0x3FA4] =	sst s1  }
0xa: {  	[smem:$0x3FA5] =	sst s2  }
0xb: {  	[smem:$0x3FA6] =	sst s3  }
0xc: {  	[smem:$0x3FA7] =	sst s4  }
0xd: {  	[smem:$0x3FA8] =	sst s5  }
0xe: {  	[smem:$0x3FA9] =	sst s6  }
0xf: {  	[smem:$0x3FAA] =	sst s7  }
0x10: {  	[smem:$0x3FAB] =	sst s8  }
0x11: {  	[smem:$0x3FAC] =	sst s9;
	s0 =	simm.s32 @!p0 $0x0  }
0x12: {  	s1 =	sld [smem:$0x3F92];
	s0 =	simm.s32 @p0 $0x1  }
0x13: {  	[smem:$0x3FAD] =	sst s0;
	s0 =	simm.s32 @!p1 $0x0  }
0x14: {  	s2 =	sld [smem:$0x3F91];
	s0 =	simm.s32 @p1 $0x1  }
0x15: {  	[smem:$0x3FAE] =	sst s0;
	s0 =	simm.s32 @!p2 $0x0  }
0x16: {  	s3 =	sld [smem:$0x3FDB];
	s0 =	simm.s32 @p2 $0x1  }
0x17: {  	s4 =	simm.s32 $0x1BF5;
	[smem:$0x3FB0] =	sst s0  }
0x18: {  	s0 =	sld [smem:$0x3F93];
	_ =	swait.ge [sflag:s4], $0x0  }
0x19: {  	s7 =	sld [smem:$0x3F94]  }
0x1a: {  	s8 =	sadd.s32 $0xFFFFE003, lr  }
0x1b: {  	s9 =	sadd.s32 $0xFFFFFEF7, lr;
	s5 =	simm.s32 $0xFFFFFFFF;
	p2 =	slt.u32 s8, $0xFFFFF086  }
0x1c: {  	p1 =	slt.u32 s9, $0xF7A;
	s5 =	simm.s32 @!p2 $0x0  }
0x1d: {  	s5 =	simm.s32 @p1 $0x1;
	p0 =	seq.s32 s7, s2  }
0x1e: {  	s7 =	smul.u32 @!p0 $0xF7A, s2;
	p2 =	seq.s32 @!p0 s5, $0x0  }
0x1f: {  	s9 =	smul.u32 $0xF7A, s1;
	s8 =	simm.s32 @!p0 $0x1BF5;
	p2 =	por !p2, p0  }
0x20: {  	[sflag:s8] =	ssyncset.s32 @!p0 $0xFFFFF086;
	s6 =	sadd.s32 @!p0 s3, s7;
	s7 =	simm.s32 @!p0 $0x108  }
0x21: {  	s3 =	sadd.s32 s3, s9;
	s6 =	sadd.s32 @!p0 $0x88, s6;
	s7 =	simm.s32 @p2 $0x1082  }
0x22: {  	[simem:s7], [sflag:s8] =	dma.local @!p0 [hbm:s6], $0xF7A  }
0x23: {  	s9 =	sor.u32 $0xD0000000, s2;
	s6 =	simm.s32 $0x108;
	_ =	swait.ge @!p0 [sflag:s8], $0x0  }
0x24: {  	s3 =	sadd.s32 $0x88, s3;
	s6 =	simm.s32 @!p1 $0x1082;
	[sflag:s4] =	ssyncset.s32 $0xFFFFF086  }
0x25: {  	[simem:s6], [sflag:s4] =	dma.local [hbm:s3], $0xF7A  }
0x26: {  	[smem:$0x3F94] =	sst s1;
	(tag) =	ssettag s2;
	_ =	strace s9  }
0x27: {  	s1 =	sld [smem:$0x3FA4]  }
0x28: {  	s2 =	sld [smem:$0x3FA5]  }
0x29: {  	s4 =	sld [smem:$0x3FA7]  }
0x2a: {  	p0 =	seq.s32 s5, $0x0;
	s5 =	sld [smem:$0x3FA8]  }
0x2b: {  	s6 =	sld [smem:$0x3FA9]  }
0x2c: {  	s7 =	sld [smem:$0x3FAA]  }
0x2d: {  	s3 =	simm.s32 $0x108;
	s8 =	sld [smem:$0x3FAB]  }
0x2e: {  	s3 =	simm.s32 @!p0 $0x1082;
	s9 =	sld [smem:$0x3FAC]  }
0x2f: {  	lr =	sadd.s32 s0, s3;
	s0 =	sld [smem:$0x3FA3]  }
0x30: {  	s3 =	sld [smem:$0x3FA6]  }
0x31: {  	[smem:$0x3FAF] =	sst s10  }
0x32: {  	s10 =	sld [smem:$0x3FAD];
	_ =	sdelay $0x3  }
0x33: {  	p0 =	seq.s32 s10, $0x1;
	s10 =	sld [smem:$0x3FAF];
	_ =	sdelay $0x3  }
0x34: {  	[smem:$0x3FAF] =	sst s10  }
0x35: {  	s10 =	sld [smem:$0x3FAE];
	_ =	sdelay $0x3  }
0x36: {  	p1 =	seq.s32 s10, $0x1;
	s10 =	sld [smem:$0x3FAF];
	_ =	sdelay $0x3  }
0x37: {  	[smem:$0x3FAF] =	sst s10  }
0x38: {  	s10 =	sld [smem:$0x3FB0]  }
0x39: {  	_ = 	snop;
	(pc) =	sbr.ind lr, $3  }
0x3a: {  	_ = 	snop  }
0x3b: {  	_ = 	snop  }
0x3c: {  	p2 =	seq.s32 s10, $0x1;
	s10 =	sld [smem:$0x3FAF]  }
0x3d: {  	_ =	shalt  }
0x3e: {  	_ =	shalt  }
0x3f: {  	_ =	shalt  }
0x40: {  	_ =	shalt  }
0x41: {  	_ =	shalt  }
0x42: {  	_ =	shalt  }
0x43: {  	_ =	shalt  }
0x44: {  	_ =	shalt  }
0x45: {  	_ =	shalt  }
0x46: {  	_ =	shalt  }
0x47: {  	_ =	shalt  }
0x48: {  	_ =	shalt  }
0x49: {  	_ =	shalt  }
0x4a: {  	_ =	shalt  }
0x4b: {  	_ =	shalt  }
0x4c: {  	_ =	shalt  }
0x4d: {  	_ =	shalt  }
0x4e: {  	_ =	shalt  }
0x4f: {  	_ =	shalt  }
0x50: {  	_ =	shalt  }
0x51: {  	_ =	shalt  }
0x52: {  	_ =	shalt  }
0x53: {  	_ =	shalt  }
0x54: {  	_ =	shalt  }
0x55: {  	_ =	shalt  }
0x56: {  	_ =	shalt  }
0x57: {  	_ =	shalt  }
0x58: {  	_ =	shalt  }
0x59: {  	_ =	shalt  }
0x5a: {  	_ =	shalt  }
0x5b: {  	_ =	shalt  }
0x5c: {  	_ =	shalt  }
0x5d: {  	_ =	shalt  }
0x5e: {  	_ =	shalt  }
0x5f: {  	_ =	shalt  }
0x60: {  	_ =	shalt  }
0x61: {  	_ =	shalt  }
0x62: {  	_ =	shalt  }
0x63: {  	_ =	shalt  }
0x64: {  	_ =	shalt  }
0x65: {  	_ =	shalt  }
0x66: {  	_ =	shalt  }
0x67: {  	_ =	shalt  }
0x68: {  	_ =	shalt  }
0x69: {  	_ =	shalt  }
0x6a: {  	_ =	shalt  }
0x6b: {  	_ =	shalt  }
0x6c: {  	_ =	shalt  }
0x6d: {  	_ =	shalt  }
0x6e: {  	_ =	shalt  }
0x6f: {  	_ =	shalt  }
0x70: {  	_ =	shalt  }
0x71: {  	_ =	shalt  }
0x72: {  	_ =	shalt  }
0x73: {  	_ =	shalt  }
0x74: {  	_ =	shalt  }
0x75: {  	_ =	shalt  }
0x76: {  	_ =	shalt  }
0x77: {  	_ =	shalt  }
0x78: {  	_ =	shalt  }
0x79: {  	_ =	shalt  }
0x7a: {  	_ =	shalt  }
0x7b: {  	_ =	shalt  }
0x7c: {  	_ =	shalt  }
0x7d: {  	_ =	shalt  }
0x7e: {  	_ =	shalt  }
0x7f: {  	_ =	shalt  }
0x80: {  	_ =	shalt  }
0x81: {  	_ =	shalt  }
0x82: {  	_ =	shalt  }
0x83: {  	_ =	shalt  }
0x84: {  	_ =	shalt  }
0x85: {  	_ =	shalt  }
0x86: {  	_ =	shalt  }
0x87: {  	_ =	shalt  }
.Lfunc_end0:
.L_simem_size_0:
called_computation.1_lowered:
.L_overlay_start_0:
0x88: {  	s2 =	sld [smem:$0x3FD9]  }
0x89: {  	s3 =	sld [smem:$0x3FFE];
	_ =	sdelay $0x1  }
0x8a: {  	s1 =	srdreg.scid  }
0x8b: {  	s0 =	sand.u32 $0x1, s1  }
0x8c: {  	s16 =	sshll.u32 s0, $0xA;
	s2 =	sadd.s32 s3, s2  }
0x8d: {  	s2 =	sadd.s32 s2, s16  }
0x8e: {  	[smem:$0x3FBB] =	sst s2  }
0x8f: {  	_ = 	snop  }
0x90: {  	(tm) =	ssettm $0x1  }
0x91: {  	s17 =	sld [smem:$0x3FFB];
	_ =	sdelay $0x3  }
0x92: {  	_ =	strace s17  }
0x93: {  	s2 =	sld [smem:$0x3FFC];
	_ =	sdelay $0x3  }
0x94: {  	_ =	strace s2  }
0x95: {  	s2 =	sld [smem:$0x3FFD];
	_ =	sdelay $0x3  }
0x96: {  	_ =	strace s2  }
0x97: {  	_ =	strace $0x8FFFFFFF  }
0x98: {  	s18 =	sld [smem:$0x3FDB];
	_ =	sdelay $0x1  }
0x99: {  	s19 =	simm.s32 $_scs_section_size  }
0x9a: {  	s4 =	simm.s32 $_size__tile_overlayer_lowered;
	s5 =	simm.s32 $_tile_overlayer_lowered  }
0x9b: {  	s22 =	simm.s32 $0x1BFF;
	s21 =	sshll.u32 s5, $0x1;
	s2 =	sadd.s32 s19, s18  }
0x9c: {  	s6 =	simm.s32 $0x0;
	s20 =	sshll.u32 s4, $0x1;
	s4 =	sadd.s32 s21, s2  }
0x9d: {  	[timem:s6], [sflag:s22] =	dma.local [hbm:s4], s20  }
0x9e: {  	_ =	swait.ge [sflag:s22], s20  }
0x9f: {  	s3 =	ssub.s32 $0x0, s20;
	[sflag:s22] =	ssyncset.done $0x0  }
0xa0: {  	[sflag:s22] =	ssyncadd.s32 s3;
	_ =	sdelay $0x1  }
0xa1: {  	s23 =	simm.s32 $0x1B8B  }
0xa2: {  	_ =	swait.ge [sflag:s23], $0x1  }
0xa3: {  	[sflag:s23] =	ssyncset.done $0x0  }
0xa4: {  	s25 =	simm.s32 $0x1B8E;
	s24 =	sld [smem:$0x3FFE];
	[sflag:s23] =	ssyncadd.s32 $0xFFFFFFFF  }
0xa5: {  	s26 =	simm.s32 $execute0_lowered;
	[smem:$0x3FD2] =	sst s25  }
0xa6: {  	s4 =	sshll.u32 s26, $0x1;
	_ =	strace $0x80000049;
	[dreg:$0x1] =	wrdreg $0xFFFFFFFF  }
0xa7: {  	s28 =	simm.s32 $_size_execute0_lowered;
	s2 =	sadd.s32 s2, s4;
	[dreg:$0x0] =	wrdreg $0x0  }
0xa8: {  	s4 =	sshll.u32 s28, $0x1;
	[dreg:$0x2] =	wrdreg s2  }
0xa9: {  	[dreg:$0x3] =	wrdreg s4  }
0xaa: {  	[dreg:$0x4] =	wrdreg $0xC0  }
0xab: {  	_ =	task [dreg:s6], $0x5FFFF  }
0xac: {  	[dreg:$0x1] =	wrdreg $0xFFFFFFFF  }
0xad: {  	[dreg:$0x0] =	wrdreg $0x60  }
0xae: {  	[dreg:$0x2] =	wrdreg s24  }
0xaf: {  	[dreg:$0x3] =	wrdreg $0x59000  }
0xb0: {  	[dreg:$0x4] =	wrdreg $0x9  }
0xb1: {  	_ =	task.clear_ibuf [dreg:s6], $0x5FFFF;
	_ =	strace $0x90000049  }
0xb2: {  	s29 =	simm.s32 $0x9;
	_ =	strace $0x8000004B  }
0xb3: {  	_ =	swait.ge [sflag:s29], $0x1  }
0xb4: {  	[sflag:s29] =	ssyncadd.s32 $0xFFFFFFFF  }
0xb5: {  	_ =	strace $0x9000004B  }
0xb6: {  	_ =	sfence  }
0xb7: {  	s30 =	sld [smem:$0x0];
	_ =	sdelay $0x2  }
0xb8: {  	s31 =	sshll.u32 s1, $0xD;
	s1 =	sshrl.u32 s1, $0x2  }
0xb9: {  	s3 =	sand.u32 $0x4000, s31;
	s1 =	sadd.s32 s1, s30  }
0xba: {  	s0 =	sor.u32 s3, s0;
	s1 =	sshll.u32 s1, $0x11  }
0xbb: {  	s0 =	sor.u32 s1, s0  }
0xbc: {  	s0 =	sadd.s32 $0x8F2B, s0  }
0xbd: {  	[sflag:s0] =	ssyncadd.remote.s32 $0x1  }
0xbe: {  	_ =	sfence.sel $0xFFFF  }
0xbf: {  	[dreg:$0x0] =	wrdreg $0xFFFFFFFF;
	(pc) =	sbr.abs _section_cstart, $3  }
0xc0: {  	[dreg:$0x1] =	wrdreg $0xFFFFFFFF  }
0xc1: {  	_ =	task.clear_ibuf [dreg:s6], $0x2FFFF;
	_ =	strace $0x9FFFFFFF  }
0xc2: {  	(tm) =	ssettm $0x7FFFFFFF  }
0xc3: {  	_ =	shalt  }
tec
execute0_lowered:
.L_overlay_start_1:
0x0: {  	(tag) =	ssettag $0x1  }
0x1: {  	s4 =	rddreg [dreg:$0x0]  }
0x2: {  	s1 =	rddreg [dreg:$0x1]  }
0x3: {  	s0 =	rddreg [dreg:$0x2]  }
0x4: {  	s3 =	srdreg.scid;
	s16 =	stileid.u32  }
0x5: {  	s2 =	simm.s32 $0x0;
	s19 =	simm.s32 $0x2;
	s8 =	smul.u32 $0x4E000, s16  }
0x6: {  	s20 =	simm.s32 $0x1;
	s21 =	simm.s32 $0x50;
	s14 =	smul.u32 $0x4E200, s16  }
0x7: {  	s7 =	sand.u32 $0x1, s3;
	[smem:$0x7FF] =	sst s2;
	s17 =	smul.u32 $0x4E20, s16  }
0x8: {  	s10 =	sadd.s32 $0xA50A00, s4;
	s3 =	sadd.s32 $0xD800, s4;
	s26 =	smul.u32 $0x13800, s16  }
0x9: {  	s22 =	sshll.u32 s16, $0x1;
	s13 =	sadd.s32 $0x56EA00, s4;
	s12 =	smul.u32 $0x138800, s7  }
0xa: {  	p0 =	sne.s32 s16, $0x0;
	s16 =	simm.s32 $0x100;
	s15 =	smul.u32 $0x27100, s7  }
0xb: {  	s5 =	sor.u32 s7, s22;
	_ =	strace $0x8000004A;
	s18 =	smul.u32 $0x2710, s7  }
0xc: {  	s9 =	ssub.s32 $0x2, s7;
	s22 =	simm.s32 $0x4;
	s6 =	smul.u32 $0x2710, s5  }
0xd: {  	s11 =	smul.u32 $0x27100, s5;
	s23 =	sshrl.u32 s9, $0x1;
	s24 =	sshrl.u32 s8, $0x2  }
0xe: {  	s5 =	sadd.s32 $0x138000, s1;
	s9 =	ssub.s32 s9, s23;
	s4 =	sadd.s32 s24, s1  }
0xf: {  	s25 =	sshrl.u32 s12, $0x3;
	s28 =	sadd.s32 s18, s17;
	s17 =	simm.s32 $0x80  }
0x10: {  	s18 =	simm.s32 $0x2900;
	s23 =	simm.s32 $0x3;
	s24 =	simm.s32 $0x0  }
0x11: {  	s6 =	sshrl.u32 s6, $0x3;
	s8 =	sadd.s32 s13, s25;
	s7 =	sadd.s32 s10, s11  }
0x12: {  	s9 =	smax.u32 s9, $0x1;
	s10 =	sadd.s32 s14, s10;
	s29 =	sadd.s32 $0x50, s28  }
0x13: {  	s11 =	sadd.s32 s26, s12;
	s14 =	simm.s32 $0x5100;
	s6 =	sadd.s32 s3, s6  }
0x14: {  	s8 =	sadd.s32 $0x27000, s8;
	s10 =	sadd.s32 s15, s10;
	s30 =	sshrl.u32 s29, $0x3  }
0x15: {  	s31 =	sshrl.u32 s11, $0x3;
	s11 =	sadd.s32 $0xA0, s28;
	s15 =	simm.s32 $0x5  }
0x16: {  	v0 =	vimm.f32 $0.0e+00;
	s10 =	sadd.s32 $0xA00, s10;
	s12 =	sadd.s32 s30, s3;
	s13 =	sadd.s32 s31, s13  }
.LBB2_1:
0x17: {  	s25 =	simm.s32 $0x0;
	s26 =	simm.s32 $0x200  }
.LBB2_2:
0x18: {  	p1 =	sne.s32 s26, $0x1E00;
	[tilespmem:s25+$0x5170] =	vst v0  }
0x19: {  	[tilespmem:s25+$0x5100] =	vst v0  }
0x1a: {  	[tilespmem:s25+$0x5110] =	vst v0  }
.Ltmp0:
0x1b: {  	[tilespmem:s25+$0x5120] =	vst v0;
	(pc) =	sbr.rel @p1 .LBB2_2-.Ltmp0, $4  }
0x1c: {  	[tilespmem:s25+$0x5130] =	vst v0  }
0x1d: {  	[tilespmem:s25+$0x5140] =	vst v0  }
0x1e: {  	[tilespmem:s25+$0x5150] =	vst v0  }
0x1f: {  	[tilespmem:s25+$0x5160] =	vst v0;
	s25 =	sshra.s32 s26, $0x2;
	s26 =	sadd.s32 $0x200, s26  }
0x20: {  	[tilespmem:s25+$0x5170] =	vst v0  }
0x21: {  	[tilespmem:s25+$0x5100] =	vst v0  }
0x22: {  	[tilespmem:s25+$0x5110] =	vst v0  }
0x23: {  	[tilespmem:s25+$0x5120] =	vst v0  }
0x24: {  	[tilespmem:s25+$0x5130] =	vst v0  }
0x25: {  	[tilespmem:s25+$0x5140] =	vst v0  }
0x26: {  	[tilespmem:s25+$0x5150] =	vst v0  }
0x27: {  	[tilespmem:s25+$0x5160] =	vst v0;
	s31 =	sadd.s32 $0x0, s4  }
0x28: {  	[spmem:s31] =	stream.linear.scatter [tilespmem:s14], [sflag:$0x5], $0x800, $0x38;
	[tilespmem:$0x19180] =	vst v63  }
0x29: {  	s25 =	simm.s32 $0x2000;
	_ =	swait.ge [sflag:s15], $0x800  }
.LBB2_4:
0x2a: {  	s26 =	sshra.s32 s25, $0x2;
	[sflag:s15] =	ssyncset.done $0x0;
	p1 =	sne.s32 s25, $0x4C000  }
.Ltmp1:
0x2b: {  	s26 =	sadd.s32 s26, s4;
	[sflag:s15] =	ssyncadd.s32 $0xFFFFF800;
	(pc) =	sbr.rel @p1 .LBB2_4-.Ltmp1, $3  }
0x2c: {  	[spmem:s26] =	stream.linear.scatter [tilespmem:s14], [sflag:$0x5], $0x800, $0x38;
	[tilespmem:$0x19180] =	vst v63  }
0x2d: {  	s25 =	sadd.s32 $0x2000, s25;
	_ =	sdelay $0x1  }
0x2e: {  	_ =	swait.ge [sflag:s15], $0x800  }
0x2f: {  	[sflag:s15] =	ssyncset.done $0x0  }
0x30: {  	s25 =	simm.s32 @!p0 $0x5100;
	[sflag:s15] =	ssyncadd.s32 $0xFFFFF800  }
0x31: {  	[spmem:s5] =	stream.linear.scatter @!p0 [tilespmem:s25], [sflag:$0x5], $0x800, $0x38;
	[tilespmem:$0x19180] =	vst v63  }
0x32: {  	s25 =	simm.s32 @!p0 $0x5  }
0x33: {  	_ =	swait.ge @!p0 [sflag:s25], $0x800  }
0x34: {  	[sflag:s25] =	ssyncset.done @!p0 $0x0  }
0x35: {  	[sflag:s25] =	ssyncadd.s32 @!p0 $0xFFFFF800  }
0x36: {  	s31 =	simm.s32 $0x0;
	[bflag:$0x0] =	sbarrier.arrive $0xFFFF  }
0x37: {  	[tilespmem:s31], [sflag:$0x2] =	stream.linear.gather [hbm4b:s6+s31], $0x50, $0x38;
	[tilespmem:$0x19180] =	vst v63  }
0x38: {  	_ = 	snop  }
0x39: {  	[tilespmem:s16], [sflag:$0x1] =	stream.linear.gather [hbm4b:s7+s31], $0x2800, $0x38;
	[tilespmem:$0x19180] =	vst v63  }
0x3a: {  	s26 =	sadd.s32 $0x0, s12  }
0x3b: {  	[tilespmem:s17], [sflag:$0x4] =	stream.linear.gather [hbm4b:s26+s2], $0x50, $0x38;
	[tilespmem:$0x19180] =	vst v63  }
0x3c: {  	s30 =	sadd.s32 $0xFFFFFB00, s10  }
0x3d: {  	[tilespmem:s18], [sflag:$0x3] =	stream.linear.gather [hbm4b:s30+s2], $0x2800, $0x38;
	[tilespmem:$0x19180] =	vst v63  }
0x3e: {  	_ =	swait.ge [sflag:s19], $0x50  }
0x3f: {  	[sflag:s19] =	ssyncset.done $0x0  }
0x40: {  	[sflag:s19] =	ssyncadd.s32 $0xFFFFFFB0  }
0x41: {  	_ =	swait.ge [sflag:s20], $0x2800  }
0x42: {  	[sflag:s20] =	ssyncset.done $0x0  }
0x43: {  	[sflag:s20] =	ssyncadd.s32 $0xFFFFD800  }
0x44: {  	[spmem:s1] =	stream.indirect.scatter.add.f32 [tilespmem:s16], [sflag:$0x5], $0x80, s2, s21, $0xb8;
	[tilespmem:$0x19180] =	vst v63  }
0x45: {  	_ =	swait.ge [sflag:s15], $0x2800  }
0x46: {  	s31 =	sshrl.u32 s11, $0x3;
	[sflag:s15] =	ssyncset.done $0x0  }
0x47: {  	s25 =	sadd.s32 s3, s31;
	[sflag:s15] =	ssyncadd.s32 $0xFFFFD800  }
0x48: {  	[tilespmem:s2], [sflag:$0x2] =	stream.linear.gather [hbm4b:s25+s2], $0x50, $0x38;
	[tilespmem:$0x19180] =	vst v63  }
0x49: {  	_ = 	snop  }
0x4a: {  	[tilespmem:s16], [sflag:$0x1] =	stream.linear.gather [hbm4b:s10+s2], $0x2800, $0x38;
	[tilespmem:$0x19180] =	vst v63  }
0x4b: {  	_ =	swait.ge [sflag:s22], $0x50  }
0x4c: {  	[sflag:s22] =	ssyncset.done $0x0  }
0x4d: {  	[sflag:s22] =	ssyncadd.s32 $0xFFFFFFB0  }
0x4e: {  	_ =	swait.ge [sflag:s23], $0x2800  }
0x4f: {  	[sflag:s23] =	ssyncset.done $0x0  }
0x50: {  	[sflag:s23] =	ssyncadd.s32 $0xFFFFD800  }
0x51: {  	[spmem:s1] =	stream.indirect.scatter.add.f32 [tilespmem:s18], [sflag:$0x5], $0x80, s17, s21, $0xb8;
	[tilespmem:$0x19180] =	vst v63  }
0x52: {  	s28 =	simm.s32 $0x14;
	s29 =	simm.s32 $0x28;
	_ =	swait.ge [sflag:s15], $0x2800  }
0x53: {  	s26 =	sadd.s32 $0xA0, s11;
	s25 =	sadd.s32 $0xA00, s10;
	[sflag:s15] =	ssyncset.done $0x0  }
.LBB2_6:
0x54: {  	s30 =	sadd.s32 s28, s12  }
0x55: {  	[sflag:s15] =	ssyncadd.s32 $0xFFFFD800;
	s28 =	smov.u32 s29;
	s31 =	sadd.s32 $0x14, s29  }
0x56: {  	[tilespmem:s17], [sflag:$0x4] =	stream.linear.gather [hbm4b:s30+s2], $0x50, $0x38;
	[tilespmem:$0x19180] =	vst v63  }
0x57: {  	p1 =	sne.s32 s29, $0x4C4;
	s29 =	sadd.s32 $0xFFFFFB00, s25  }
0x58: {  	[tilespmem:s18], [sflag:$0x3] =	stream.linear.gather [hbm4b:s29+s2], $0x2800, $0x38;
	[tilespmem:$0x19180] =	vst v63  }
0x59: {  	_ =	swait.ge [sflag:s19], $0x50  }
0x5a: {  	[sflag:s19] =	ssyncset.done $0x0  }
0x5b: {  	[sflag:s19] =	ssyncadd.s32 $0xFFFFFFB0  }
0x5c: {  	_ =	swait.ge [sflag:s20], $0x2800  }
0x5d: {  	[sflag:s20] =	ssyncset.done $0x0  }
0x5e: {  	[sflag:s20] =	ssyncadd.s32 $0xFFFFD800  }
0x5f: {  	[spmem:s1] =	stream.indirect.scatter.add.f32 [tilespmem:s16], [sflag:$0x5], $0x80, s2, s21, $0xb8;
	[tilespmem:$0x19180] =	vst v63  }
0x60: {  	_ =	swait.ge [sflag:s15], $0x2800  }
0x61: {  	s29 =	sshrl.u32 s26, $0x3;
	[sflag:s15] =	ssyncset.done $0x0  }
0x62: {  	s29 =	sadd.s32 s3, s29;
	[sflag:s15] =	ssyncadd.s32 $0xFFFFD800  }
0x63: {  	[tilespmem:s2], [sflag:$0x2] =	stream.linear.gather [hbm4b:s29+s2], $0x50, $0x38;
	[tilespmem:$0x19180] =	vst v63  }
0x64: {  	_ = 	snop  }
0x65: {  	[tilespmem:s16], [sflag:$0x1] =	stream.linear.gather [hbm4b:s25+s2], $0x2800, $0x38;
	[tilespmem:$0x19180] =	vst v63  }
0x66: {  	_ =	swait.ge [sflag:s22], $0x50  }
0x67: {  	[sflag:s22] =	ssyncset.done $0x0  }
0x68: {  	[sflag:s22] =	ssyncadd.s32 $0xFFFFFFB0  }
0x69: {  	_ =	swait.ge [sflag:s23], $0x2800  }
.Ltmp2:
0x6a: {  	[sflag:s23] =	ssyncset.done $0x0;
	(pc) =	sbr.rel @p1 .LBB2_6-.Ltmp2, $4  }
0x6b: {  	[sflag:s23] =	ssyncadd.s32 $0xFFFFD800  }
0x6c: {  	[spmem:s1] =	stream.indirect.scatter.add.f32 [tilespmem:s18], [sflag:$0x5], $0x80, s17, s21, $0xb8;
	[tilespmem:$0x19180] =	vst v63  }
0x6d: {  	s26 =	sadd.s32 $0xA0, s26;
	_ =	swait.ge [sflag:s15], $0x2800  }
0x6e: {  	s29 =	smov.u32 s31;
	s25 =	sadd.s32 $0xA00, s25;
	[sflag:s15] =	ssyncset.done $0x0  }
0x6f: {  	s28 =	sadd.s32 s28, s12;
	[sflag:s15] =	ssyncadd.s32 $0xFFFFD800  }
0x70: {  	[tilespmem:s17], [sflag:$0x4] =	stream.linear.gather [hbm4b:s28+s2], $0x50, $0x38;
	[tilespmem:$0x19180] =	vst v63  }
0x71: {  	s29 =	sadd.s32 $0xFFFFFB00, s25  }
0x72: {  	[tilespmem:s18], [sflag:$0x3] =	stream.linear.gather [hbm4b:s29+s2], $0x2800, $0x38;
	[tilespmem:$0x19180] =	vst v63  }
0x73: {  	_ =	swait.ge [sflag:s19], $0x50  }
0x74: {  	[sflag:s19] =	ssyncset.done $0x0  }
0x75: {  	[sflag:s19] =	ssyncadd.s32 $0xFFFFFFB0  }
0x76: {  	_ =	swait.ge [sflag:s20], $0x2800  }
0x77: {  	[sflag:s20] =	ssyncset.done $0x0  }
0x78: {  	[sflag:s20] =	ssyncadd.s32 $0xFFFFD800  }
0x79: {  	[spmem:s1] =	stream.indirect.scatter.add.f32 [tilespmem:s16], [sflag:$0x5], $0x80, s2, s21, $0xb8;
	[tilespmem:$0x19180] =	vst v63  }
0x7a: {  	_ =	swait.ge [sflag:s15], $0x2800  }
0x7b: {  	s26 =	sshrl.u32 s26, $0x3;
	[sflag:s15] =	ssyncset.done $0x0  }
0x7c: {  	s26 =	sadd.s32 s3, s26;
	[sflag:s15] =	ssyncadd.s32 $0xFFFFD800  }
0x7d: {  	[tilespmem:s2], [sflag:$0x2] =	stream.linear.gather [hbm4b:s26+s2], $0x50, $0x38;
	[tilespmem:$0x19180] =	vst v63  }
0x7e: {  	_ = 	snop  }
0x7f: {  	[tilespmem:s16], [sflag:$0x1] =	stream.linear.gather [hbm4b:s25+s2], $0x2800, $0x38;
	[tilespmem:$0x19180] =	vst v63  }
0x80: {  	_ =	swait.ge [sflag:s22], $0x50  }
0x81: {  	[sflag:s22] =	ssyncset.done $0x0  }
0x82: {  	[sflag:s22] =	ssyncadd.s32 $0xFFFFFFB0  }
0x83: {  	_ =	swait.ge [sflag:s23], $0x2800  }
0x84: {  	[sflag:s23] =	ssyncset.done $0x0  }
0x85: {  	[sflag:s23] =	ssyncadd.s32 $0xFFFFD800  }
0x86: {  	[spmem:s1] =	stream.indirect.scatter.add.f32 [tilespmem:s18], [sflag:$0x5], $0x80, s17, s21, $0xb8;
	[tilespmem:$0x19180] =	vst v63  }
0x87: {  	_ =	swait.ge [sflag:s15], $0x2800  }
0x88: {  	[sflag:s15] =	ssyncset.done $0x0  }
0x89: {  	[sflag:s15] =	ssyncadd.s32 $0xFFFFD800  }
0x8a: {  	_ =	swait.ge [sflag:s19], $0x50  }
0x8b: {  	[sflag:s19] =	ssyncset.done $0x0  }
0x8c: {  	[sflag:s19] =	ssyncadd.s32 $0xFFFFFFB0  }
0x8d: {  	_ =	swait.ge [sflag:s20], $0x2800  }
0x8e: {  	[sflag:s20] =	ssyncset.done $0x0  }
0x8f: {  	s30 =	simm.s32 $0x0;
	[sflag:s20] =	ssyncadd.s32 $0xFFFFD800  }
0x90: {  	[spmem:s1] =	stream.indirect.scatter.add.f32 [tilespmem:s16], [sflag:$0x5], $0x80, s30, s21, $0xb8;
	[tilespmem:$0x19180] =	vst v63  }
0x91: {  	_ =	swait.ge [sflag:s15], $0x2800  }
0x92: {  	[sflag:s15] =	ssyncset.done $0x0  }
0x93: {  	[sflag:s15] =	ssyncadd.s32 $0xFFFFD800  }
0x94: {  	[bflag:$0x0] =	sbarrier.arrive $0xFFFF  }
0x95: {  	[tilespmem:s14], [sflag:$0x5] =	stream.linear.gather [spmem:s4], $0x800, $0x38;
	[tilespmem:$0x19180] =	vst v63  }
0x96: {  	_ =	swait.ge [sflag:s15], $0x800  }
0x97: {  	[sflag:s15] =	ssyncset.done $0x0  }
0x98: {  	s31 =	sadd.s32 $0x0, s13;
	[sflag:s15] =	ssyncadd.s32 $0xFFFFF800  }
0x99: {  	[hbm4b:s31+s2] =	stream.linear.scatter [tilespmem:s14], [sflag:$0x5], $0x800, $0x38;
	[tilespmem:$0x19180] =	vst v63  }
0x9a: {  	_ =	swait.ge [sflag:s15], $0x800  }
0x9b: {  	s26 =	smov.u32 s4;
	s25 =	simm.s32 $0x100;
	[sflag:s15] =	ssyncset.done $0x0  }
.LBB2_8:
0x9c: {  	p1 =	sne.s32 s25, $0x2600;
	[sflag:s15] =	ssyncadd.s32 $0xFFFFF800;
	s26 =	sadd.s32 $0x800, s26  }
0x9d: {  	[tilespmem:s14], [sflag:$0x5] =	stream.linear.gather [spmem:s26], $0x800, $0x38;
	[tilespmem:$0x19180] =	vst v63  }
0x9e: {  	s28 =	smov.u32 s25;
	s25 =	sadd.s32 $0x100, s25;
	_ =	swait.ge [sflag:s15], $0x800  }
.Ltmp3:
0x9f: {  	[sflag:s15] =	ssyncset.done $0x0;
	(pc) =	sbr.rel @p1 .LBB2_8-.Ltmp3, $4  }
0xa0: {  	s28 =	sadd.s32 s28, s13;
	[sflag:s15] =	ssyncadd.s32 $0xFFFFF800  }
0xa1: {  	[hbm4b:s28+s2] =	stream.linear.scatter [tilespmem:s14], [sflag:$0x5], $0x800, $0x38;
	[tilespmem:$0x19180] =	vst v63  }
0xa2: {  	_ =	swait.ge [sflag:s15], $0x800  }
0xa3: {  	[sflag:s15] =	ssyncset.done $0x0  }
0xa4: {  	[sflag:s15] =	ssyncadd.s32 $0xFFFFF800;
	s25 =	simm.s32 @!p0 $0x5100;
	s26 =	simm.s32 @!p0 $0x5  }
0xa5: {  	[tilespmem:s25], [sflag:$0x5] =	stream.linear.gather @!p0 [spmem:s5], $0x800, $0x38;
	[tilespmem:$0x19180] =	vst v63  }
0xa6: {  	s24 =	sadd.s32 $0x1, s24;
	_ =	swait.ge @!p0 [sflag:s26], $0x800  }
0xa7: {  	p1 =	sne.s32 s24, s9;
	[sflag:s26] =	ssyncset.done @!p0 $0x0  }
.Ltmp4:
0xa8: {  	s28 =	simm.s32 @!p0 $0x0;
	[sflag:s26] =	ssyncadd.s32 @!p0 $0xFFFFF800;
	(pc) =	sbr.rel @p1 .LBB2_1-.Ltmp4, $4  }
0xa9: {  	[hbm4b:s8+s28] =	stream.linear.scatter @!p0 [tilespmem:s25], [sflag:$0x5], $0x800, $0x38;
	[tilespmem:$0x19180] =	vst v63  }
0xaa: {  	_ =	swait.ge @!p0 [sflag:s26], $0x800  }
0xab: {  	[sflag:s26] =	ssyncset.done @!p0 $0x0  }
0xac: {  	[sflag:s26] =	ssyncadd.s32 @!p0 $0xFFFFF800  }
0xad: {  	_ =	sfence.sel $0x180000  }
0xae: {  	[bflag:$0x0] =	sbarrier.arrive $0xFFFF  }
0xaf: {  	_ =	strace $0x9000004A  }
0xb0: {  	s0 =	sadd.s32 @!p0 $0x100000, s0;
	[bflag:$0x2] =	sbarrier.arrive $0xFFFF  }
0xb1: {  	[sflag:s0] =	ssyncadd.tile.s32 @!p0 $0x1;
	_ =	shalt  }
.Lfunc_end2:
_tile_overlayer_lowered:
.L_overlay_start_2:
0xb2: {  	(tag) =	ssettag $0x2  }
0xb3: {  	s0 =	rddreg [dreg:$0x0];
	s2 =	stileid.u32  }
0xb4: {  	s1 =	rddreg [dreg:$0x1];
	p0 =	sne.s32 s2, $0x0  }
0xb5: {  	s3 =	rddreg [dreg:$0x2];
	[bflag:$0x3] =	sbarrier.arrive $0xFFFF;
	s2 =	simm.s32 @!p0 $0x1C05  }
0xb6: {  	[timem:s3], [sflag:s2] =	dma.local @!p0 [hbm:s0], s1  }
0xb7: {  	s0 =	simm.s32 @!p0 $0x5  }
0xb8: {  	_ =	swait.ge @!p0 [sflag:s0], s1  }
0xb9: {  	s1 =	ssub.s32 @!p0 $0x0, s1;
	[sflag:s0] =	ssyncset.done @!p0 $0x0  }
0xba: {  	[sflag:s0] =	ssyncadd.s32 @!p0 s1  }
0xbb: {  	[bflag:$0x3] =	sbarrier.arrive $0xFFFF  }
0xbc: {  	_ =	shalt  }

// kernel: kernel.7.cloned.1.call-start
scs
__scs_entry_jumppad:
0x0: {  	(pc) =	sbr.rel $0x88, $3  }
0x1: {  	(tag) =	ssettag $0x0;
	lr =	simm.s32 $0x1  }
0x2: {  	[smem:$0x3F94] =	sst lr;
	_ =	strace $0xD0000000  }
0x3: {  	_ = 	snop  }
0x4: {  	_ = 	snop  }
0x5: {  	_ = 	snop  }
0x6: {  	_ = 	snop  }
0x7: {  	_ = 	snop  }
__scs_overlays_trampoline_lowered:
0x8: {  	[smem:$0x3FA3] =	sst s0  }
0x9: {  	[smem:$0x3FA4] =	sst s1  }
0xa: {  	[smem:$0x3FA5] =	sst s2  }
0xb: {  	[smem:$0x3FA6] =	sst s3  }
0xc: {  	[smem:$0x3FA7] =	sst s4  }
0xd: {  	[smem:$0x3FA8] =	sst s5  }
0xe: {  	[smem:$0x3FA9] =	sst s6  }
0xf: {  	[smem:$0x3FAA] =	sst s7  }
0x10: {  	[smem:$0x3FAB] =	sst s8  }
0x11: {  	[smem:$0x3FAC] =	sst s9;
	s0 =	simm.s32 @!p0 $0x0  }
0x12: {  	s1 =	sld [smem:$0x3F92];
	s0 =	simm.s32 @p0 $0x1  }
0x13: {  	[smem:$0x3FAD] =	sst s0;
	s0 =	simm.s32 @!p1 $0x0  }
0x14: {  	s2 =	sld [smem:$0x3F91];
	s0 =	simm.s32 @p1 $0x1  }
0x15: {  	[smem:$0x3FAE] =	sst s0;
	s0 =	simm.s32 @!p2 $0x0  }
0x16: {  	s3 =	sld [smem:$0x3FDB];
	s0 =	simm.s32 @p2 $0x1  }
0x17: {  	s4 =	simm.s32 $0x1BF5;
	[smem:$0x3FB0] =	sst s0  }
0x18: {  	s0 =	sld [smem:$0x3F93];
	_ =	swait.ge [sflag:s4], $0x0  }
0x19: {  	s7 =	sld [smem:$0x3F94]  }
0x1a: {  	s8 =	sadd.s32 $0xFFFFE003, lr  }
0x1b: {  	s9 =	sadd.s32 $0xFFFFFEF7, lr;
	s5 =	simm.s32 $0xFFFFFFFF;
	p2 =	slt.u32 s8, $0xFFFFF086  }
0x1c: {  	p1 =	slt.u32 s9, $0xF7A;
	s5 =	simm.s32 @!p2 $0x0  }
0x1d: {  	s5 =	simm.s32 @p1 $0x1;
	p0 =	seq.s32 s7, s2  }
0x1e: {  	s7 =	smul.u32 @!p0 $0xF7A, s2;
	p2 =	seq.s32 @!p0 s5, $0x0  }
0x1f: {  	s9 =	smul.u32 $0xF7A, s1;
	s8 =	simm.s32 @!p0 $0x1BF5;
	p2 =	por !p2, p0  }
0x20: {  	[sflag:s8] =	ssyncset.s32 @!p0 $0xFFFFF086;
	s6 =	sadd.s32 @!p0 s3, s7;
	s7 =	simm.s32 @!p0 $0x108  }
0x21: {  	s3 =	sadd.s32 s3, s9;
	s6 =	sadd.s32 @!p0 $0x88, s6;
	s7 =	simm.s32 @p2 $0x1082  }
0x22: {  	[simem:s7], [sflag:s8] =	dma.local @!p0 [hbm:s6], $0xF7A  }
0x23: {  	s9 =	sor.u32 $0xD0000000, s2;
	s6 =	simm.s32 $0x108;
	_ =	swait.ge @!p0 [sflag:s8], $0x0  }
0x24: {  	s3 =	sadd.s32 $0x88, s3;
	s6 =	simm.s32 @!p1 $0x1082;
	[sflag:s4] =	ssyncset.s32 $0xFFFFF086  }
0x25: {  	[simem:s6], [sflag:s4] =	dma.local [hbm:s3], $0xF7A  }
0x26: {  	[smem:$0x3F94] =	sst s1;
	(tag) =	ssettag s2;
	_ =	strace s9  }
0x27: {  	s1 =	sld [smem:$0x3FA4]  }
0x28: {  	s2 =	sld [smem:$0x3FA5]  }
0x29: {  	s4 =	sld [smem:$0x3FA7]  }
0x2a: {  	p0 =	seq.s32 s5, $0x0;
	s5 =	sld [smem:$0x3FA8]  }
0x2b: {  	s6 =	sld [smem:$0x3FA9]  }
0x2c: {  	s7 =	sld [smem:$0x3FAA]  }
0x2d: {  	s3 =	simm.s32 $0x108;
	s8 =	sld [smem:$0x3FAB]  }
0x2e: {  	s3 =	simm.s32 @!p0 $0x1082;
	s9 =	sld [smem:$0x3FAC]  }
0x2f: {  	lr =	sadd.s32 s0, s3;
	s0 =	sld [smem:$0x3FA3]  }
0x30: {  	s3 =	sld [smem:$0x3FA6]  }
0x31: {  	[smem:$0x3FAF] =	sst s10  }
0x32: {  	s10 =	sld [smem:$0x3FAD];
	_ =	sdelay $0x3  }
0x33: {  	p0 =	seq.s32 s10, $0x1;
	s10 =	sld [smem:$0x3FAF];
	_ =	sdelay $0x3  }
0x34: {  	[smem:$0x3FAF] =	sst s10  }
0x35: {  	s10 =	sld [smem:$0x3FAE];
	_ =	sdelay $0x3  }
0x36: {  	p1 =	seq.s32 s10, $0x1;
	s10 =	sld [smem:$0x3FAF];
	_ =	sdelay $0x3  }
0x37: {  	[smem:$0x3FAF] =	sst s10  }
0x38: {  	s10 =	sld [smem:$0x3FB0]  }
0x39: {  	_ = 	snop;
	(pc) =	sbr.ind lr, $3  }
0x3a: {  	_ = 	snop  }
0x3b: {  	_ = 	snop  }
0x3c: {  	p2 =	seq.s32 s10, $0x1;
	s10 =	sld [smem:$0x3FAF]  }
0x3d: {  	_ =	shalt  }
0x3e: {  	_ =	shalt  }
0x3f: {  	_ =	shalt  }
0x40: {  	_ =	shalt  }
0x41: {  	_ =	shalt  }
0x42: {  	_ =	shalt  }
0x43: {  	_ =	shalt  }
0x44: {  	_ =	shalt  }
0x45: {  	_ =	shalt  }
0x46: {  	_ =	shalt  }
0x47: {  	_ =	shalt  }
0x48: {  	_ =	shalt  }
0x49: {  	_ =	shalt  }
0x4a: {  	_ =	shalt  }
0x4b: {  	_ =	shalt  }
0x4c: {  	_ =	shalt  }
0x4d: {  	_ =	shalt  }
0x4e: {  	_ =	shalt  }
0x4f: {  	_ =	shalt  }
0x50: {  	_ =	shalt  }
0x51: {  	_ =	shalt  }
0x52: {  	_ =	shalt  }
0x53: {  	_ =	shalt  }
0x54: {  	_ =	shalt  }
0x55: {  	_ =	shalt  }
0x56: {  	_ =	shalt  }
0x57: {  	_ =	shalt  }
0x58: {  	_ =	shalt  }
0x59: {  	_ =	shalt  }
0x5a: {  	_ =	shalt  }
0x5b: {  	_ =	shalt  }
0x5c: {  	_ =	shalt  }
0x5d: {  	_ =	shalt  }
0x5e: {  	_ =	shalt  }
0x5f: {  	_ =	shalt  }
0x60: {  	_ =	shalt  }
0x61: {  	_ =	shalt  }
0x62: {  	_ =	shalt  }
0x63: {  	_ =	shalt  }
0x64: {  	_ =	shalt  }
0x65: {  	_ =	shalt  }
0x66: {  	_ =	shalt  }
0x67: {  	_ =	shalt  }
0x68: {  	_ =	shalt  }
0x69: {  	_ =	shalt  }
0x6a: {  	_ =	shalt  }
0x6b: {  	_ =	shalt  }
0x6c: {  	_ =	shalt  }
0x6d: {  	_ =	shalt  }
0x6e: {  	_ =	shalt  }
0x6f: {  	_ =	shalt  }
0x70: {  	_ =	shalt  }
0x71: {  	_ =	shalt  }
0x72: {  	_ =	shalt  }
0x73: {  	_ =	shalt  }
0x74: {  	_ =	shalt  }
0x75: {  	_ =	shalt  }
0x76: {  	_ =	shalt  }
0x77: {  	_ =	shalt  }
0x78: {  	_ =	shalt  }
0x79: {  	_ =	shalt  }
0x7a: {  	_ =	shalt  }
0x7b: {  	_ =	shalt  }
0x7c: {  	_ =	shalt  }
0x7d: {  	_ =	shalt  }
0x7e: {  	_ =	shalt  }
0x7f: {  	_ =	shalt  }
0x80: {  	_ =	shalt  }
0x81: {  	_ =	shalt  }
0x82: {  	_ =	shalt  }
0x83: {  	_ =	shalt  }
0x84: {  	_ =	shalt  }
0x85: {  	_ =	shalt  }
0x86: {  	_ =	shalt  }
0x87: {  	_ =	shalt  }
.Lfunc_end0:
.L_simem_size_0:
called_computation_lowered:
.L_overlay_start_0:
0x88: {  	s2 =	sld [smem:$0x3FD9]  }
0x89: {  	s3 =	sld [smem:$0x3FFE];
	_ =	sdelay $0x1  }
0x8a: {  	s1 =	srdreg.scid  }
0x8b: {  	s0 =	sand.u32 $0x1, s1  }
0x8c: {  	s17 =	sshll.u32 s0, $0xA;
	s2 =	sadd.s32 s3, s2  }
0x8d: {  	s2 =	sadd.s32 s2, s17  }
0x8e: {  	[smem:$0x3FBB] =	sst s2  }
0x8f: {  	_ = 	snop  }
0x90: {  	s2 =	sld [smem:$0x3FD0];
	(tm) =	ssettm $0x1  }
0x91: {  	s18 =	sld [smem:$0x3FFB];
	_ =	sdelay $0x3  }
0x92: {  	_ =	strace s18  }
0x93: {  	s3 =	sld [smem:$0x3FFC];
	_ =	sdelay $0x3  }
0x94: {  	_ =	strace s3  }
0x95: {  	s3 =	sld [smem:$0x3FFD];
	_ =	sdelay $0x3  }
0x96: {  	_ =	strace s3  }
0x97: {  	_ =	strace $0x8FFFFFFF  }
0x98: {  	s19 =	sld [smem:$0x3FDB];
	_ =	sdelay $0x1  }
0x99: {  	s4 =	simm.s32 $_scs_section_size  }
0x9a: {  	s5 =	simm.s32 $_size__tile_overlayer_lowered;
	s6 =	simm.s32 $_tile_overlayer_lowered  }
0x9b: {  	s22 =	simm.s32 $0x1BFF;
	s21 =	sshll.u32 s6, $0x1;
	s3 =	sadd.s32 s4, s19  }
0x9c: {  	s7 =	simm.s32 $0x0;
	s20 =	sshll.u32 s5, $0x1;
	s5 =	sadd.s32 s21, s3  }
0x9d: {  	[timem:s7], [sflag:s22] =	dma.local [hbm:s5], s20  }
0x9e: {  	_ =	swait.ge [sflag:s22], s20  }
0x9f: {  	s4 =	ssub.s32 $0x0, s20;
	[sflag:s22] =	ssyncset.done $0x0  }
0xa0: {  	[sflag:s22] =	ssyncadd.s32 s4;
	_ =	sdelay $0x1  }
0xa1: {  	s23 =	simm.s32 $0x1B8B  }
0xa2: {  	_ =	swait.ge [sflag:s23], $0x1  }
0xa3: {  	[sflag:s23] =	ssyncset.done $0x0  }
0xa4: {  	s25 =	simm.s32 $0x1B8E;
	s24 =	sld [smem:$0x3FFE];
	[sflag:s23] =	ssyncadd.s32 $0xFFFFFFFF  }
0xa5: {  	s26 =	simm.s32 $execute0_lowered;
	[smem:$0x3FD2] =	sst s25  }
0xa6: {  	s5 =	sshll.u32 s26, $0x1;
	_ =	strace $0x80000046;
	[dreg:$0x1] =	wrdreg $0xFFFFFFFF  }
0xa7: {  	s28 =	simm.s32 $_size_execute0_lowered;
	s3 =	sadd.s32 s3, s5;
	[dreg:$0x0] =	wrdreg $0x0  }
0xa8: {  	s5 =	sshll.u32 s28, $0x1;
	[dreg:$0x2] =	wrdreg s3  }
0xa9: {  	[dreg:$0x3] =	wrdreg s5  }
0xaa: {  	[dreg:$0x4] =	wrdreg $0xC0  }
0xab: {  	_ =	task [dreg:s7], $0x5FFFF  }
0xac: {  	[dreg:$0x1] =	wrdreg $0xFFFFFFFF  }
0xad: {  	[dreg:$0x0] =	wrdreg $0x60  }
0xae: {  	[dreg:$0x2] =	wrdreg s2  }
0xaf: {  	[dreg:$0x3] =	wrdreg s24  }
0xb0: {  	[dreg:$0x4] =	wrdreg $0x6E000  }
0xb1: {  	[dreg:$0x5] =	wrdreg $0x9  }
0xb2: {  	_ =	task.clear_ibuf [dreg:s7], $0x6FFFF;
	_ =	strace $0x90000046  }
0xb3: {  	s29 =	simm.s32 $0x9;
	_ =	strace $0x80000048  }
0xb4: {  	_ =	swait.ge [sflag:s29], $0x1  }
0xb5: {  	[sflag:s29] =	ssyncadd.s32 $0xFFFFFFFF  }
0xb6: {  	_ =	strace $0x90000048  }
0xb7: {  	_ =	sfence  }
0xb8: {  	s30 =	sld [smem:$0x0];
	_ =	sdelay $0x2  }
0xb9: {  	s31 =	sshll.u32 s1, $0xD;
	s1 =	sshrl.u32 s1, $0x2  }
0xba: {  	s3 =	sand.u32 $0x4000, s31;
	s1 =	sadd.s32 s1, s30  }
0xbb: {  	s0 =	sor.u32 s3, s0;
	s1 =	sshll.u32 s1, $0x11  }
0xbc: {  	s0 =	sor.u32 s1, s0  }
0xbd: {  	s0 =	sadd.s32 $0x8F2B, s0  }
0xbe: {  	[sflag:s0] =	ssyncadd.remote.s32 $0x1  }
0xbf: {  	_ =	sfence.sel $0xFFFF  }
0xc0: {  	[dreg:$0x0] =	wrdreg $0xFFFFFFFF;
	(pc) =	sbr.abs _section_cstart, $3  }
0xc1: {  	[dreg:$0x1] =	wrdreg $0xFFFFFFFF  }
0xc2: {  	_ =	task.clear_ibuf [dreg:s7], $0x2FFFF;
	_ =	strace $0x9FFFFFFF  }
0xc3: {  	(tm) =	ssettm $0x7FFFFFFF  }
tec
execute0_lowered:
.L_overlay_start_1:
0x0: {  	(tag) =	ssettag $0x1  }
0x1: {  	s0 =	rddreg [dreg:$0x1]  }
0x2: {  	s2 =	rddreg [dreg:$0x2]  }
0x3: {  	s3 =	simm.s32 $0x0;
	s1 =	srdreg.scid;
	s8 =	stileid.u32  }
0x4: {  	s29 =	simm.s32 $0x5200;
	s30 =	simm.s32 $0x100;
	s31 =	simm.s32 $0x180  }
0x5: {  	[smem:$0x7FF] =	sst s3;
	s4 =	sadd.s32 $0x17600, s0;
	s5 =	sadd.s32 $0xD800, s0  }
0x6: {  	s6 =	sadd.s32 $0x3A00, s0;
	s1 =	sand.u32 $0x1, s1;
	s7 =	sshll.u32 s8, $0x1  }
0x7: {  	s11 =	smul.u32 $0x4E000, s8;
	s13 =	smov.u32 s2;
	s20 =	sadd.s32 $0x138000, s2  }
0x8: {  	p0 =	sne.s32 s8, $0x0;
	_ =	strace $0x80000047;
	s9 =	ssub.s32 $0x2, s1  }
0x9: {  	s10 =	sor.u32 s1, s7;
	s7 =	sadd.s32 $0x3E800, s0;
	s1 =	smul.u32 $0x138800, s1  }
0xa: {  	s0 =	sadd.s32 $0x520800, s0;
	[dreg:$0x4] =	wrdreg s20;
	s15 =	smul.u32 $0x2710, s10  }
0xb: {  	s12 =	sshrl.u32 s9, $0x1;
	s26 =	sshrl.u32 s11, $0x2;
	s10 =	smul.u32 $0x138800, s10  }
0xc: {  	s12 =	ssub.s32 s9, s12;
	s9 =	sadd.s32 s26, s2;
	s24 =	sshrl.u32 s1, $0x3  }
0xd: {  	s28 =	sshrl.u32 s15, $0x3;
	s17 =	sadd.s32 $0x28, s15;
	s18 =	sadd.s32 $0x50, s15  }
0xe: {  	s19 =	sadd.s32 $0x26E8, s15;
	s10 =	sshrl.u32 s10, $0x3;
	[dreg:$0x7] =	wrdreg s17  }
0xf: {  	s14 =	sadd.s32 s5, s28;
	s16 =	sadd.s32 s6, s28;
	[dreg:$0x8] =	wrdreg s18  }
0x10: {  	s10 =	sadd.s32 s7, s10;
	s11 =	sshll.u32 s19, $0x4;
	s28 =	smax.u32 s12, $0x1  }
0x11: {  	s12 =	simm.s32 $0x1;
	s17 =	simm.s32 $0x4;
	[dreg:$0x5] =	wrdreg s14  }
0x12: {  	s18 =	simm.s32 $0x5;
	[dreg:$0x6] =	wrdreg s16;
	s14 =	smov.u32 s15  }
0x13: {  	s15 =	sshrl.u32 s19, $0x3;
	s16 =	smul.u32 $0x13800, s8;
	s23 =	sadd.s32 $0x26C00, s10  }
0x14: {  	s10 =	sadd.s32 s0, s24;
	s25 =	sadd.s32 s7, s11;
	[dreg:$0xe] =	wrdreg s28  }
0x15: {  	s24 =	simm.s32 $0x80;
	s19 =	simm.s32 $0x6;
	[dreg:$0xb] =	wrdreg s23  }
0x16: {  	s8 =	simm.s32 $0x0;
	s21 =	sadd.s32 s5, s15;
	[dreg:$0xc] =	wrdreg s25  }
0x17: {  	s22 =	sadd.s32 s6, s15;
	s26 =	sadd.s32 $0x27000, s10;
	[dreg:$0x9] =	wrdreg s21  }
0x18: {  	s23 =	simm.s32 $0x7;
	s25 =	simm.s32 $0x28;
	[dreg:$0xa] =	wrdreg s22  }
0x19: {  	s15 =	simm.s32 $0x2;
	s1 =	sadd.s32 s16, s1;
	[dreg:$0xd] =	wrdreg s26  }
0x1a: {  	s22 =	simm.s32 $0x6600;
	s26 =	simm.s32 $0x200;
	s1 =	sshrl.u32 s1, $0x3  }
0x1b: {  	v0 =	vimm.f32 $1.000000000e+00;
	v1 =	vimm.f32 $0.0e+00;
	s16 =	simm.s32 $0x3;
	s21 =	sadd.s32 s1, s0;
	s0 =	simm.s32 $0x2A00  }
.LBB2_1:
0x1c: {  	[dreg:$0xf] =	wrdreg s8;
	s1 =	simm.s32 $0x0;
	s8 =	simm.s32 $0x200  }
.LBB2_2:
0x1d: {  	p1 =	sne.s32 s8, $0x4E00;
	[tilespmem:s1+$0x5270] =	vst v0  }
0x1e: {  	[tilespmem:s1+$0x5200] =	vst v0  }
0x1f: {  	[tilespmem:s1+$0x5210] =	vst v0  }
.Ltmp0:
0x20: {  	[tilespmem:s1+$0x5220] =	vst v0;
	(pc) =	sbr.rel @p1 .LBB2_2-.Ltmp0, $4  }
0x21: {  	[tilespmem:s1+$0x5230] =	vst v0  }
0x22: {  	[tilespmem:s1+$0x5240] =	vst v0  }
0x23: {  	[tilespmem:s1+$0x5250] =	vst v0  }
0x24: {  	[tilespmem:s1+$0x5260] =	vst v0;
	s1 =	sshra.s32 s8, $0x2;
	s8 =	sadd.s32 $0x200, s8  }
0x25: {  	[tilespmem:s1+$0x5270] =	vst v0  }
0x26: {  	[tilespmem:s1+$0x5200] =	vst v0  }
0x27: {  	[tilespmem:s1+$0x5210] =	vst v0  }
0x28: {  	[tilespmem:s1+$0x5220] =	vst v0  }
0x29: {  	[tilespmem:s1+$0x5230] =	vst v0  }
0x2a: {  	[tilespmem:s1+$0x5240] =	vst v0  }
0x2b: {  	[tilespmem:s1+$0x5250] =	vst v0  }
0x2c: {  	[tilespmem:s1+$0x5260] =	vst v0;
	s1 =	simm.s32 $0x0;
	s8 =	simm.s32 $0x200  }
.LBB2_4:
0x2d: {  	p1 =	sne.s32 s8, $0x1E00;
	[tilespmem:s1+$0x6670] =	vst v1  }
0x2e: {  	[tilespmem:s1+$0x6600] =	vst v1  }
0x2f: {  	[tilespmem:s1+$0x6610] =	vst v1  }
.Ltmp1:
0x30: {  	[tilespmem:s1+$0x6620] =	vst v1;
	(pc) =	sbr.rel @p1 .LBB2_4-.Ltmp1, $4  }
0x31: {  	[tilespmem:s1+$0x6630] =	vst v1  }
0x32: {  	[tilespmem:s1+$0x6640] =	vst v1  }
0x33: {  	[tilespmem:s1+$0x6650] =	vst v1  }
0x34: {  	[tilespmem:s1+$0x6660] =	vst v1;
	s1 =	sshra.s32 s8, $0x2;
	s8 =	sadd.s32 $0x200, s8  }
0x35: {  	[tilespmem:s1+$0x6670] =	vst v1  }
0x36: {  	[tilespmem:s1+$0x6600] =	vst v1  }
0x37: {  	[tilespmem:s1+$0x6610] =	vst v1  }
0x38: {  	[tilespmem:s1+$0x6620] =	vst v1  }
0x39: {  	[tilespmem:s1+$0x6630] =	vst v1  }
0x3a: {  	[tilespmem:s1+$0x6640] =	vst v1  }
0x3b: {  	[tilespmem:s1+$0x6650] =	vst v1  }
0x3c: {  	[tilespmem:s1+$0x6660] =	vst v1;
	s28 =	sadd.s32 $0x0, s9  }
0x3d: {  	[spmem:s28] =	stream.linear.scatter [tilespmem:s22], [sflag:$0x7], $0x800, $0x38;
	[tilespmem:$0x1A680] =	vst v63  }
0x3e: {  	s1 =	simm.s32 $0x2000;
	_ =	swait.ge [sflag:s23], $0x800  }
.LBB2_6:
0x3f: {  	s8 =	sshra.s32 s1, $0x2;
	[sflag:s23] =	ssyncset.done $0x0;
	p1 =	sne.s32 s1, $0x4C000  }
.Ltmp2:
0x40: {  	s8 =	sadd.s32 s8, s9;
	[sflag:s23] =	ssyncadd.s32 $0xFFFFF800;
	(pc) =	sbr.rel @p1 .LBB2_6-.Ltmp2, $3  }
0x41: {  	[spmem:s8] =	stream.linear.scatter [tilespmem:s22], [sflag:$0x7], $0x800, $0x38;
	[tilespmem:$0x1A680] =	vst v63  }
0x42: {  	s1 =	sadd.s32 $0x2000, s1;
	_ =	sdelay $0x1  }
0x43: {  	_ =	swait.ge [sflag:s23], $0x800  }
0x44: {  	[sflag:s23] =	ssyncset.done $0x0  }
0x45: {  	s1 =	simm.s32 @!p0 $0x6600;
	[sflag:s23] =	ssyncadd.s32 $0xFFFFF800  }
0x46: {  	[spmem:s20] =	stream.linear.scatter @!p0 [tilespmem:s1], [sflag:$0x7], $0x800, $0x38;
	[tilespmem:$0x1A680] =	vst v63  }
0x47: {  	s1 =	simm.s32 @!p0 $0x7  }
0x48: {  	_ =	swait.ge @!p0 [sflag:s1], $0x800  }
0x49: {  	[sflag:s1] =	ssyncset.done @!p0 $0x0  }
0x4a: {  	[sflag:s1] =	ssyncadd.s32 @!p0 $0xFFFFF800  }
0x4b: {  	[bflag:$0x0] =	sbarrier.arrive $0xFFFF  }
0x4c: {  	s10 =	simm.s32 $0x0;
	s8 =	rddreg [dreg:$0x5]  }
0x4d: {  	[tilespmem:s10], [sflag:$0x7] =	stream.linear.gather [hbm4b:s8+s10], $0x28, $0x38;
	[tilespmem:$0x1A680] =	vst v63  }
0x4e: {  	_ =	swait.ge [sflag:s23], $0x28  }
0x4f: {  	[sflag:s23] =	ssyncset.done $0x0  }
0x50: {  	s11 =	rddreg [dreg:$0x6];
	[sflag:s23] =	ssyncadd.s32 $0xFFFFFFD8  }
0x51: {  	[tilespmem:s24], [sflag:$0x7] =	stream.linear.gather [hbm4b:s11+s10], $0x28, $0x38;
	[tilespmem:$0x1A680] =	vst v63  }
0x52: {  	_ =	swait.ge [sflag:s23], $0x28  }
0x53: {  	[sflag:s23] =	ssyncset.done $0x0  }
0x54: {  	[sflag:s23] =	ssyncadd.s32 $0xFFFFFFD8  }
0x55: {  	s20 =	rddreg [dreg:$0x0]  }
0x56: {  	[tilespmem:s26], [sflag:$0x1] =	stream.indirect.gather [hbm4b:s20+s25], $0x80, s10, s25, $0xb8;
	[tilespmem:$0x1A680] =	vst v63  }
0x57: {  	s28 =	simm.s32 $0x1600  }
0x58: {  	[tilespmem:s28], [sflag:$0x2] =	stream.indirect.gather [hbm4b:s4+s25], $0x80, s24, s25, $0xb8;
	[tilespmem:$0x1A680] =	vst v63  }
0x59: {  	s20 =	simm.s32 $0x0  }
0x5a: {  	[spmem:s13] =	stream.indirect.scatter.add.f32 [tilespmem:s29], [sflag:$0x3], $0x80, s10, s25, $0xb8;
	[tilespmem:$0x1A680] =	vst v63  }
.LBB2_8:
0x5b: {  	s11 =	smul.u32 $0x50, s20  }
0x5c: {  	s1 =	rddreg [dreg:$0x7]  }
0x5d: {  	s28 =	sadd.s32 s11, s1  }
0x5e: {  	s1 =	sshrl.u32 s28, $0x3  }
0x5f: {  	s8 =	sadd.s32 s5, s1  }
0x60: {  	[tilespmem:s30], [sflag:$0x7] =	stream.linear.gather [hbm4b:s8+s10], $0x28, $0x38;
	[tilespmem:$0x1A680] =	vst v63  }
0x61: {  	_ =	swait.ge [sflag:s23], $0x28  }
0x62: {  	[sflag:s23] =	ssyncset.done $0x0  }
0x63: {  	s1 =	sadd.s32 s6, s1;
	[sflag:s23] =	ssyncadd.s32 $0xFFFFFFD8  }
0x64: {  	[tilespmem:s31], [sflag:$0x7] =	stream.linear.gather [hbm4b:s1+s10], $0x28, $0x38;
	[tilespmem:$0x1A680] =	vst v63  }
0x65: {  	_ =	swait.ge [sflag:s23], $0x28  }
0x66: {  	[sflag:s23] =	ssyncset.done $0x0  }
0x67: {  	[sflag:s23] =	ssyncadd.s32 $0xFFFFFFD8  }
0x68: {  	s2 =	rddreg [dreg:$0x0]  }
0x69: {  	[tilespmem:s0], [sflag:$0x4] =	stream.indirect.gather [hbm4b:s2+s25], $0x80, s30, s25, $0xb8;
	[tilespmem:$0x1A680] =	vst v63  }
0x6a: {  	s8 =	simm.s32 $0x3E00  }
0x6b: {  	[tilespmem:s8], [sflag:$0x5] =	stream.indirect.gather [hbm4b:s4+s25], $0x80, s31, s25, $0xb8;
	[tilespmem:$0x1A680] =	vst v63  }
0x6c: {  	_ = 	snop  }
0x6d: {  	[spmem:s13] =	stream.indirect.scatter.add.f32 [tilespmem:s29], [sflag:$0x6], $0x80, s30, s25, $0xb8;
	[tilespmem:$0x1A680] =	vst v63  }
0x6e: {  	_ =	swait.ge [sflag:s12], $0x1400  }
0x6f: {  	[sflag:s12] =	ssyncset.done $0x0  }
0x70: {  	[sflag:s12] =	ssyncadd.s32 $0xFFFFEC00  }
0x71: {  	_ =	swait.ge [sflag:s15], $0x1400  }
0x72: {  	[sflag:s15] =	ssyncset.done $0x0  }
0x73: {  	s1 =	simm.s32 $0x0;
	[sflag:s15] =	ssyncadd.s32 $0xFFFFEC00  }
0x74: {  	v9 =	vld [tilespmem:s1+$0x1600]  }
0x75: {  	v13 =	vld [tilespmem:s1+$0x1610]  }
0x76: {  	v7 =	vld [tilespmem:s1+$0x1620]  }
0x77: {  	v6 =	vld [tilespmem:s1+$0x1630]  }
0x78: {  	v5 =	vld [tilespmem:s1+$0x1640]  }
0x79: {  	v4 =	vld [tilespmem:s1+$0x1650]  }
0x7a: {  	v3 =	vld [tilespmem:s1+$0x1660]  }
0x7b: {  	v2 =	vld [tilespmem:s1+$0x1670]  }
0x7c: {  	v14 =	vld [tilespmem:s1+$0x200]  }
0x7d: {  	v15 =	vld [tilespmem:s1+$0x210]  }
0x7e: {  	v12 =	vld [tilespmem:s1+$0x220]  }
0x7f: {  	v11 =	vld [tilespmem:s1+$0x230]  }
0x80: {  	v10 =	vld [tilespmem:s1+$0x240]  }
0x81: {  	v8 =	vld [tilespmem:s1+$0x250];
	v14 =	vadd.f32 v9, v14  }
0x82: {  	s8 =	simm.s32 $0x200;
	v13 =	vadd.f32 v13, v15;
	v9 =	vld [tilespmem:s1+$0x260]  }
.LBB2_9:
0x83: {  	s2 =	sshra.s32 s8, $0x2;
	p1 =	sne.s32 s8, $0x4E00;
	[tilespmem:s1+$0x200] =	vst v14;
	v7 =	vadd.f32 v7, v12;
	v12 =	vld [tilespmem:s1+$0x270]  }
0x84: {  	v14 =	vld [tilespmem:s2+$0x1600];
	[tilespmem:s1+$0x210] =	vst v13;
	v6 =	vadd.f32 v6, v11  }
0x85: {  	v13 =	vld [tilespmem:s2+$0x1610];
	[tilespmem:s1+$0x220] =	vst v7;
	v5 =	vadd.f32 v5, v10  }
0x86: {  	v7 =	vld [tilespmem:s2+$0x1620];
	[tilespmem:s1+$0x230] =	vst v6;
	v4 =	vadd.f32 v4, v8  }
0x87: {  	v6 =	vld [tilespmem:s2+$0x1630];
	[tilespmem:s1+$0x240] =	vst v5;
	v3 =	vadd.f32 v3, v9  }
0x88: {  	v5 =	vld [tilespmem:s2+$0x1640];
	[tilespmem:s1+$0x250] =	vst v4;
	v2 =	vadd.f32 v2, v12  }
0x89: {  	v4 =	vld [tilespmem:s2+$0x1650];
	[tilespmem:s1+$0x260] =	vst v3  }
0x8a: {  	v3 =	vld [tilespmem:s2+$0x1660];
	[tilespmem:s1+$0x270] =	vst v2;
	s1 =	smov.u32 s2  }
0x8b: {  	v2 =	vld [tilespmem:s1+$0x1670]  }
0x8c: {  	v8 =	vld [tilespmem:s1+$0x200]  }
0x8d: {  	v9 =	vld [tilespmem:s1+$0x210]  }
.Ltmp3:
0x8e: {  	v12 =	vld [tilespmem:s1+$0x220];
	(pc) =	sbr.rel @p1 .LBB2_9-.Ltmp3, $4  }
0x8f: {  	v11 =	vld [tilespmem:s1+$0x230]  }
0x90: {  	v10 =	vld [tilespmem:s1+$0x240]  }
0x91: {  	v14 =	vadd.f32 v14, v8;
	v8 =	vld [tilespmem:s1+$0x250]  }
0x92: {  	s8 =	sadd.s32 $0x200, s8;
	v13 =	vadd.f32 v13, v9;
	v9 =	vld [tilespmem:s1+$0x260]  }
0x93: {  	[tilespmem:s1+$0x200] =	vst v14;
	v7 =	vadd.f32 v7, v12;
	v12 =	vld [tilespmem:s1+$0x270]  }
0x94: {  	[tilespmem:s1+$0x210] =	vst v13;
	v6 =	vadd.f32 v6, v11  }
0x95: {  	[tilespmem:s1+$0x220] =	vst v7;
	v5 =	vadd.f32 v5, v10  }
0x96: {  	[tilespmem:s1+$0x230] =	vst v6;
	v4 =	vadd.f32 v4, v8  }
0x97: {  	[tilespmem:s1+$0x240] =	vst v5;
	v3 =	vadd.f32 v3, v9  }
0x98: {  	s2 =	sadd.s32 s14, s11;
	[tilespmem:s1+$0x250] =	vst v4;
	v2 =	vadd.f32 v2, v12  }
0x99: {  	s2 =	sshll.u32 s2, $0x4;
	[tilespmem:s1+$0x260] =	vst v3  }
0x9a: {  	s8 =	sadd.s32 s7, s2;
	s2 =	simm.s32 $0x0;
	[tilespmem:s1+$0x270] =	vst v2  }
0x9b: {  	[hbm4b:s8+s2] =	stream.linear.scatter [tilespmem:s26], [sflag:$0x7], $0x1400, $0x38;
	[tilespmem:$0x1A680] =	vst v63  }
0x9c: {  	_ =	swait.ge [sflag:s23], $0x1400  }
0x9d: {  	[sflag:s23] =	ssyncset.done $0x0  }
0x9e: {  	[sflag:s23] =	ssyncadd.s32 $0xFFFFEC00  }
0x9f: {  	_ =	swait.ge [sflag:s16], $0x1400  }
0xa0: {  	s8 =	rddreg [dreg:$0x8]  }
0xa1: {  	s1 =	sadd.s32 s11, s8  }
0xa2: {  	[sflag:s16] =	ssyncset.done $0x0;
	s1 =	sshrl.u32 s1, $0x3  }
0xa3: {  	[sflag:s16] =	ssyncadd.s32 $0xFFFFEC00;
	s8 =	sadd.s32 s5, s1  }
0xa4: {  	[tilespmem:s2], [sflag:$0x7] =	stream.linear.gather [hbm4b:s8+s2], $0x28, $0x38;
	[tilespmem:$0x1A680] =	vst v63  }
0xa5: {  	_ =	swait.ge [sflag:s23], $0x28  }
0xa6: {  	[sflag:s23] =	ssyncset.done $0x0  }
0xa7: {  	s1 =	sadd.s32 s6, s1;
	[sflag:s23] =	ssyncadd.s32 $0xFFFFFFD8  }
0xa8: {  	[tilespmem:s24], [sflag:$0x7] =	stream.linear.gather [hbm4b:s1+s2], $0x28, $0x38;
	[tilespmem:$0x1A680] =	vst v63  }
0xa9: {  	_ =	swait.ge [sflag:s23], $0x28  }
0xaa: {  	[sflag:s23] =	ssyncset.done $0x0  }
0xab: {  	[sflag:s23] =	ssyncadd.s32 $0xFFFFFFD8  }
0xac: {  	s8 =	rddreg [dreg:$0x0]  }
0xad: {  	[tilespmem:s26], [sflag:$0x1] =	stream.indirect.gather [hbm4b:s8+s25], $0x80, s2, s25, $0xb8;
	[tilespmem:$0x1A680] =	vst v63  }
0xae: {  	s11 =	simm.s32 $0x1600  }
0xaf: {  	[tilespmem:s11], [sflag:$0x2] =	stream.indirect.gather [hbm4b:s4+s25], $0x80, s24, s25, $0xb8;
	[tilespmem:$0x1A680] =	vst v63  }
0xb0: {  	_ = 	snop  }
0xb1: {  	[spmem:s13] =	stream.indirect.scatter.add.f32 [tilespmem:s29], [sflag:$0x3], $0x80, s2, s25, $0xb8;
	[tilespmem:$0x1A680] =	vst v63  }
0xb2: {  	_ =	swait.ge [sflag:s17], $0x1400  }
0xb3: {  	[sflag:s17] =	ssyncset.done $0x0  }
0xb4: {  	[sflag:s17] =	ssyncadd.s32 $0xFFFFEC00  }
0xb5: {  	_ =	swait.ge [sflag:s18], $0x1400  }
0xb6: {  	[sflag:s18] =	ssyncset.done $0x0  }
0xb7: {  	s1 =	simm.s32 $0x0;
	[sflag:s18] =	ssyncadd.s32 $0xFFFFEC00  }
0xb8: {  	v9 =	vld [tilespmem:s1+$0x3E00]  }
0xb9: {  	v13 =	vld [tilespmem:s1+$0x3E10]  }
0xba: {  	v7 =	vld [tilespmem:s1+$0x3E20]  }
0xbb: {  	v6 =	vld [tilespmem:s1+$0x3E30]  }
0xbc: {  	v5 =	vld [tilespmem:s1+$0x3E40]  }
0xbd: {  	v4 =	vld [tilespmem:s1+$0x3E50]  }
0xbe: {  	v3 =	vld [tilespmem:s1+$0x3E60]  }
0xbf: {  	v2 =	vld [tilespmem:s1+$0x3E70]  }
0xc0: {  	v14 =	vld [tilespmem:s1+$0x2A00]  }
0xc1: {  	v15 =	vld [tilespmem:s1+$0x2A10]  }
0xc2: {  	v12 =	vld [tilespmem:s1+$0x2A20]  }
0xc3: {  	v11 =	vld [tilespmem:s1+$0x2A30]  }
0xc4: {  	v10 =	vld [tilespmem:s1+$0x2A40]  }
0xc5: {  	v8 =	vld [tilespmem:s1+$0x2A50];
	v14 =	vadd.f32 v9, v14  }
0xc6: {  	s8 =	simm.s32 $0x200;
	v13 =	vadd.f32 v13, v15;
	v9 =	vld [tilespmem:s1+$0x2A60]  }
.LBB2_11:
0xc7: {  	s2 =	sshra.s32 s8, $0x2;
	p1 =	sne.s32 s8, $0x4E00;
	[tilespmem:s1+$0x2A00] =	vst v14;
	v7 =	vadd.f32 v7, v12;
	v12 =	vld [tilespmem:s1+$0x2A70]  }
0xc8: {  	v14 =	vld [tilespmem:s2+$0x3E00];
	[tilespmem:s1+$0x2A10] =	vst v13;
	v6 =	vadd.f32 v6, v11  }
0xc9: {  	v13 =	vld [tilespmem:s2+$0x3E10];
	[tilespmem:s1+$0x2A20] =	vst v7;
	v5 =	vadd.f32 v5, v10  }
0xca: {  	v7 =	vld [tilespmem:s2+$0x3E20];
	[tilespmem:s1+$0x2A30] =	vst v6;
	v4 =	vadd.f32 v4, v8  }
0xcb: {  	v6 =	vld [tilespmem:s2+$0x3E30];
	[tilespmem:s1+$0x2A40] =	vst v5;
	v3 =	vadd.f32 v3, v9  }
0xcc: {  	v5 =	vld [tilespmem:s2+$0x3E40];
	[tilespmem:s1+$0x2A50] =	vst v4;
	v2 =	vadd.f32 v2, v12  }
0xcd: {  	v4 =	vld [tilespmem:s2+$0x3E50];
	[tilespmem:s1+$0x2A60] =	vst v3  }
0xce: {  	v3 =	vld [tilespmem:s2+$0x3E60];
	[tilespmem:s1+$0x2A70] =	vst v2;
	s1 =	smov.u32 s2  }
0xcf: {  	v2 =	vld [tilespmem:s1+$0x3E70]  }
0xd0: {  	v8 =	vld [tilespmem:s1+$0x2A00]  }
0xd1: {  	v9 =	vld [tilespmem:s1+$0x2A10]  }
.Ltmp4:
0xd2: {  	v12 =	vld [tilespmem:s1+$0x2A20];
	(pc) =	sbr.rel @p1 .LBB2_11-.Ltmp4, $4  }
0xd3: {  	v11 =	vld [tilespmem:s1+$0x2A30]  }
0xd4: {  	v10 =	vld [tilespmem:s1+$0x2A40]  }
0xd5: {  	v14 =	vadd.f32 v14, v8;
	v8 =	vld [tilespmem:s1+$0x2A50]  }
0xd6: {  	s8 =	sadd.s32 $0x200, s8;
	v13 =	vadd.f32 v13, v9;
	v9 =	vld [tilespmem:s1+$0x2A60]  }
0xd7: {  	[tilespmem:s1+$0x2A00] =	vst v14;
	v7 =	vadd.f32 v7, v12;
	v63 =	vld [tilespmem:s1+$0x2A70]  }
0xd8: {  	[tilespmem:s1+$0x2A10] =	vst v13;
	v6 =	vadd.f32 v6, v11  }
0xd9: {  	[tilespmem:s1+$0x2A20] =	vst v7;
	v5 =	vadd.f32 v5, v10  }
0xda: {  	[tilespmem:s1+$0x2A30] =	vst v6;
	v4 =	vadd.f32 v4, v8  }
0xdb: {  	[tilespmem:s1+$0x2A40] =	vst v5;
	v3 =	vadd.f32 v3, v9  }
0xdc: {  	[tilespmem:s1+$0x2A50] =	vst v4;
	v2 =	vadd.f32 v2, v63  }
0xdd: {  	s2 =	sshll.u32 s28, $0x4;
	[tilespmem:s1+$0x2A60] =	vst v3  }
0xde: {  	s20 =	sadd.s32 $0x1, s20;
	s28 =	sadd.s32 s7, s2;
	[tilespmem:s1+$0x2A70] =	vst v2  }
0xdf: {  	[hbm4b:s28+s3] =	stream.linear.scatter [tilespmem:s0], [sflag:$0x7], $0x1400, $0x38;
	[tilespmem:$0x1A680] =	vst v63  }
0xe0: {  	p1 =	sne.s32 s20, $0x7C;
	_ =	swait.ge [sflag:s23], $0x1400  }
.Ltmp5:
0xe1: {  	[sflag:s23] =	ssyncset.done $0x0;
	(pc) =	sbr.rel @p1 .LBB2_8-.Ltmp5, $4  }
0xe2: {  	[sflag:s23] =	ssyncadd.s32 $0xFFFFEC00  }
0xe3: {  	_ =	swait.ge [sflag:s19], $0x1400  }
0xe4: {  	[sflag:s19] =	ssyncset.done $0x0  }
0xe5: {  	[sflag:s19] =	ssyncadd.s32 $0xFFFFEC00  }
0xe6: {  	s1 =	simm.s32 $0x0;
	s2 =	rddreg [dreg:$0x9]  }
0xe7: {  	[tilespmem:s30], [sflag:$0x7] =	stream.linear.gather [hbm4b:s2+s1], $0x28, $0x38;
	[tilespmem:$0x1A680] =	vst v63  }
0xe8: {  	_ =	swait.ge [sflag:s23], $0x28  }
0xe9: {  	[sflag:s23] =	ssyncset.done $0x0  }
0xea: {  	s11 =	rddreg [dreg:$0xa];
	[sflag:s23] =	ssyncadd.s32 $0xFFFFFFD8  }
0xeb: {  	[tilespmem:s31], [sflag:$0x7] =	stream.linear.gather [hbm4b:s11+s1], $0x28, $0x38;
	[tilespmem:$0x1A680] =	vst v63  }
0xec: {  	_ =	swait.ge [sflag:s23], $0x28  }
0xed: {  	[sflag:s23] =	ssyncset.done $0x0  }
0xee: {  	[sflag:s23] =	ssyncadd.s32 $0xFFFFFFD8  }
0xef: {  	s20 =	rddreg [dreg:$0x0]  }
0xf0: {  	[tilespmem:s0], [sflag:$0x4] =	stream.indirect.gather [hbm4b:s20+s25], $0x80, s30, s25, $0xb8;
	[tilespmem:$0x1A680] =	vst v63  }
0xf1: {  	s28 =	simm.s32 $0x3E00  }
0xf2: {  	[tilespmem:s28], [sflag:$0x5] =	stream.indirect.gather [hbm4b:s4+s25], $0x80, s31, s25, $0xb8;
	[tilespmem:$0x1A680] =	vst v63  }
0xf3: {  	_ = 	snop  }
0xf4: {  	[spmem:s13] =	stream.indirect.scatter.add.f32 [tilespmem:s29], [sflag:$0x6], $0x80, s30, s25, $0xb8;
	[tilespmem:$0x1A680] =	vst v63  }
0xf5: {  	_ =	swait.ge [sflag:s12], $0x1400  }
0xf6: {  	[sflag:s12] =	ssyncset.done $0x0  }
0xf7: {  	[sflag:s12] =	ssyncadd.s32 $0xFFFFEC00  }
0xf8: {  	_ =	swait.ge [sflag:s15], $0x1400  }
0xf9: {  	[sflag:s15] =	ssyncset.done $0x0  }
0xfa: {  	s1 =	simm.s32 $0x0;
	[sflag:s15] =	ssyncadd.s32 $0xFFFFEC00  }
0xfb: {  	v9 =	vld [tilespmem:s1+$0x1600]  }
0xfc: {  	v13 =	vld [tilespmem:s1+$0x1610]  }
0xfd: {  	v7 =	vld [tilespmem:s1+$0x1620]  }
0xfe: {  	v6 =	vld [tilespmem:s1+$0x1630]  }
0xff: {  	v5 =	vld [tilespmem:s1+$0x1640]  }
0x100: {  	v4 =	vld [tilespmem:s1+$0x1650]  }
0x101: {  	v3 =	vld [tilespmem:s1+$0x1660]  }
0x102: {  	v2 =	vld [tilespmem:s1+$0x1670]  }
0x103: {  	v14 =	vld [tilespmem:s1+$0x200]  }
0x104: {  	v15 =	vld [tilespmem:s1+$0x210]  }
0x105: {  	v12 =	vld [tilespmem:s1+$0x220]  }
0x106: {  	v11 =	vld [tilespmem:s1+$0x230]  }
0x107: {  	v10 =	vld [tilespmem:s1+$0x240]  }
0x108: {  	v8 =	vld [tilespmem:s1+$0x250];
	v14 =	vadd.f32 v9, v14  }
0x109: {  	s8 =	simm.s32 $0x200;
	v13 =	vadd.f32 v13, v15;
	v9 =	vld [tilespmem:s1+$0x260]  }
.LBB2_14:
0x10a: {  	s2 =	sshra.s32 s8, $0x2;
	p1 =	sne.s32 s8, $0x4E00;
	[tilespmem:s1+$0x200] =	vst v14;
	v7 =	vadd.f32 v7, v12;
	v12 =	vld [tilespmem:s1+$0x270]  }
0x10b: {  	v14 =	vld [tilespmem:s2+$0x1600];
	[tilespmem:s1+$0x210] =	vst v13;
	v6 =	vadd.f32 v6, v11  }
0x10c: {  	v13 =	vld [tilespmem:s2+$0x1610];
	[tilespmem:s1+$0x220] =	vst v7;
	v5 =	vadd.f32 v5, v10  }
0x10d: {  	v7 =	vld [tilespmem:s2+$0x1620];
	[tilespmem:s1+$0x230] =	vst v6;
	v4 =	vadd.f32 v4, v8  }
0x10e: {  	v6 =	vld [tilespmem:s2+$0x1630];
	[tilespmem:s1+$0x240] =	vst v5;
	v3 =	vadd.f32 v3, v9  }
0x10f: {  	v5 =	vld [tilespmem:s2+$0x1640];
	[tilespmem:s1+$0x250] =	vst v4;
	v2 =	vadd.f32 v2, v12  }
0x110: {  	v4 =	vld [tilespmem:s2+$0x1650];
	[tilespmem:s1+$0x260] =	vst v3  }
0x111: {  	v3 =	vld [tilespmem:s2+$0x1660];
	[tilespmem:s1+$0x270] =	vst v2;
	s1 =	smov.u32 s2  }
0x112: {  	v2 =	vld [tilespmem:s1+$0x1670]  }
0x113: {  	v8 =	vld [tilespmem:s1+$0x200]  }
0x114: {  	v9 =	vld [tilespmem:s1+$0x210]  }
.Ltmp6:
0x115: {  	v12 =	vld [tilespmem:s1+$0x220];
	(pc) =	sbr.rel @p1 .LBB2_14-.Ltmp6, $4  }
0x116: {  	v11 =	vld [tilespmem:s1+$0x230]  }
0x117: {  	v10 =	vld [tilespmem:s1+$0x240]  }
0x118: {  	v14 =	vadd.f32 v14, v8;
	v8 =	vld [tilespmem:s1+$0x250]  }
0x119: {  	s8 =	sadd.s32 $0x200, s8;
	v13 =	vadd.f32 v13, v9;
	v9 =	vld [tilespmem:s1+$0x260]  }
0x11a: {  	[tilespmem:s1+$0x200] =	vst v14;
	v7 =	vadd.f32 v7, v12;
	v12 =	vld [tilespmem:s1+$0x270]  }
0x11b: {  	[tilespmem:s1+$0x210] =	vst v13;
	v6 =	vadd.f32 v6, v11  }
0x11c: {  	[tilespmem:s1+$0x220] =	vst v7;
	v5 =	vadd.f32 v5, v10  }
0x11d: {  	[tilespmem:s1+$0x230] =	vst v6;
	v4 =	vadd.f32 v4, v8  }
0x11e: {  	[tilespmem:s1+$0x240] =	vst v5;
	v3 =	vadd.f32 v3, v9  }
0x11f: {  	[tilespmem:s1+$0x250] =	vst v4;
	v2 =	vadd.f32 v2, v12  }
0x120: {  	[tilespmem:s1+$0x260] =	vst v3  }
0x121: {  	s28 =	simm.s32 $0x0;
	s2 =	rddreg [dreg:$0xb];
	[tilespmem:s1+$0x270] =	vst v2  }
0x122: {  	[hbm4b:s2+s28] =	stream.linear.scatter [tilespmem:s26], [sflag:$0x7], $0x1400, $0x38;
	[tilespmem:$0x1A680] =	vst v63  }
0x123: {  	_ =	swait.ge [sflag:s23], $0x1400  }
0x124: {  	[sflag:s23] =	ssyncset.done $0x0  }
0x125: {  	[sflag:s23] =	ssyncadd.s32 $0xFFFFEC00  }
0x126: {  	_ =	swait.ge [sflag:s16], $0x1400  }
0x127: {  	[sflag:s16] =	ssyncset.done $0x0  }
0x128: {  	[sflag:s16] =	ssyncadd.s32 $0xFFFFEC00  }
0x129: {  	_ =	swait.ge [sflag:s17], $0x1400  }
0x12a: {  	[sflag:s17] =	ssyncset.done $0x0  }
0x12b: {  	[sflag:s17] =	ssyncadd.s32 $0xFFFFEC00  }
0x12c: {  	_ =	swait.ge [sflag:s18], $0x1400  }
0x12d: {  	[sflag:s18] =	ssyncset.done $0x0  }
0x12e: {  	s1 =	simm.s32 $0x0;
	[sflag:s18] =	ssyncadd.s32 $0xFFFFEC00  }
0x12f: {  	v9 =	vld [tilespmem:s1+$0x3E00]  }
0x130: {  	v13 =	vld [tilespmem:s1+$0x3E10]  }
0x131: {  	v7 =	vld [tilespmem:s1+$0x3E20]  }
0x132: {  	v6 =	vld [tilespmem:s1+$0x3E30]  }
0x133: {  	v5 =	vld [tilespmem:s1+$0x3E40]  }
0x134: {  	v4 =	vld [tilespmem:s1+$0x3E50]  }
0x135: {  	v3 =	vld [tilespmem:s1+$0x3E60]  }
0x136: {  	v2 =	vld [tilespmem:s1+$0x3E70]  }
0x137: {  	v14 =	vld [tilespmem:s1+$0x2A00]  }
0x138: {  	v15 =	vld [tilespmem:s1+$0x2A10]  }
0x139: {  	v12 =	vld [tilespmem:s1+$0x2A20]  }
0x13a: {  	v11 =	vld [tilespmem:s1+$0x2A30]  }
0x13b: {  	v10 =	vld [tilespmem:s1+$0x2A40]  }
0x13c: {  	v8 =	vld [tilespmem:s1+$0x2A50];
	v14 =	vadd.f32 v9, v14  }
0x13d: {  	s8 =	simm.s32 $0x200;
	s20 =	rddreg [dreg:$0x4];
	v13 =	vadd.f32 v13, v15;
	v9 =	vld [tilespmem:s1+$0x2A60]  }
.LBB2_16:
0x13e: {  	s2 =	sshra.s32 s8, $0x2;
	p1 =	sne.s32 s8, $0x4E00;
	[tilespmem:s1+$0x2A00] =	vst v14;
	v7 =	vadd.f32 v7, v12;
	v12 =	vld [tilespmem:s1+$0x2A70]  }
0x13f: {  	v14 =	vld [tilespmem:s2+$0x3E00];
	[tilespmem:s1+$0x2A10] =	vst v13;
	v6 =	vadd.f32 v6, v11  }
0x140: {  	v13 =	vld [tilespmem:s2+$0x3E10];
	[tilespmem:s1+$0x2A20] =	vst v7;
	v5 =	vadd.f32 v5, v10  }
0x141: {  	v7 =	vld [tilespmem:s2+$0x3E20];
	[tilespmem:s1+$0x2A30] =	vst v6;
	v4 =	vadd.f32 v4, v8  }
0x142: {  	v6 =	vld [tilespmem:s2+$0x3E30];
	[tilespmem:s1+$0x2A40] =	vst v5;
	v3 =	vadd.f32 v3, v9  }
0x143: {  	v5 =	vld [tilespmem:s2+$0x3E40];
	[tilespmem:s1+$0x2A50] =	vst v4;
	v2 =	vadd.f32 v2, v12  }
0x144: {  	v4 =	vld [tilespmem:s2+$0x3E50];
	[tilespmem:s1+$0x2A60] =	vst v3  }
0x145: {  	v3 =	vld [tilespmem:s2+$0x3E60];
	[tilespmem:s1+$0x2A70] =	vst v2;
	s1 =	smov.u32 s2  }
0x146: {  	v2 =	vld [tilespmem:s1+$0x3E70]  }
0x147: {  	v8 =	vld [tilespmem:s1+$0x2A00]  }
0x148: {  	v9 =	vld [tilespmem:s1+$0x2A10]  }
.Ltmp7:
0x149: {  	v12 =	vld [tilespmem:s1+$0x2A20];
	(pc) =	sbr.rel @p1 .LBB2_16-.Ltmp7, $4  }
0x14a: {  	v11 =	vld [tilespmem:s1+$0x2A30]  }
0x14b: {  	v10 =	vld [tilespmem:s1+$0x2A40]  }
0x14c: {  	v14 =	vadd.f32 v14, v8;
	v8 =	vld [tilespmem:s1+$0x2A50]  }
0x14d: {  	s8 =	sadd.s32 $0x200, s8;
	v13 =	vadd.f32 v13, v9;
	v9 =	vld [tilespmem:s1+$0x2A60]  }
0x14e: {  	[tilespmem:s1+$0x2A00] =	vst v14;
	v7 =	vadd.f32 v7, v12;
	v63 =	vld [tilespmem:s1+$0x2A70]  }
0x14f: {  	[tilespmem:s1+$0x2A10] =	vst v13;
	v6 =	vadd.f32 v6, v11  }
0x150: {  	[tilespmem:s1+$0x2A20] =	vst v7;
	v5 =	vadd.f32 v5, v10  }
0x151: {  	[tilespmem:s1+$0x2A30] =	vst v6;
	v4 =	vadd.f32 v4, v8  }
0x152: {  	[tilespmem:s1+$0x2A40] =	vst v5;
	v3 =	vadd.f32 v3, v9  }
0x153: {  	[tilespmem:s1+$0x2A50] =	vst v4;
	v2 =	vadd.f32 v2, v63  }
0x154: {  	[tilespmem:s1+$0x2A60] =	vst v3  }
0x155: {  	s11 =	simm.s32 $0x0;
	s2 =	rddreg [dreg:$0xc];
	[tilespmem:s1+$0x2A70] =	vst v2  }
0x156: {  	[hbm4b:s2+s11] =	stream.linear.scatter [tilespmem:s0], [sflag:$0x7], $0x1400, $0x38;
	[tilespmem:$0x1A680] =	vst v63  }
0x157: {  	_ =	swait.ge [sflag:s23], $0x1400  }
0x158: {  	[sflag:s23] =	ssyncset.done $0x0  }
0x159: {  	[sflag:s23] =	ssyncadd.s32 $0xFFFFEC00  }
0x15a: {  	_ =	swait.ge [sflag:s19], $0x1400  }
0x15b: {  	[sflag:s19] =	ssyncset.done $0x0  }
0x15c: {  	[sflag:s19] =	ssyncadd.s32 $0xFFFFEC00  }
0x15d: {  	[bflag:$0x0] =	sbarrier.arrive $0xFFFF  }
0x15e: {  	[tilespmem:s22], [sflag:$0x7] =	stream.linear.gather [spmem:s9], $0x800, $0x38;
	[tilespmem:$0x1A680] =	vst v63  }
0x15f: {  	_ =	swait.ge [sflag:s23], $0x800  }
0x160: {  	[sflag:s23] =	ssyncset.done $0x0  }
0x161: {  	s28 =	sadd.s32 $0x0, s21;
	[sflag:s23] =	ssyncadd.s32 $0xFFFFF800  }
0x162: {  	[hbm4b:s28+s3] =	stream.linear.scatter [tilespmem:s22], [sflag:$0x7], $0x800, $0x38;
	[tilespmem:$0x1A680] =	vst v63  }
0x163: {  	_ =	swait.ge [sflag:s23], $0x800  }
0x164: {  	s8 =	smov.u32 s9;
	s1 =	simm.s32 $0x100;
	[sflag:s23] =	ssyncset.done $0x0  }
.LBB2_18:
0x165: {  	p1 =	sne.s32 s1, $0x2600;
	[sflag:s23] =	ssyncadd.s32 $0xFFFFF800;
	s8 =	sadd.s32 $0x800, s8  }
0x166: {  	[tilespmem:s22], [sflag:$0x7] =	stream.linear.gather [spmem:s8], $0x800, $0x38;
	[tilespmem:$0x1A680] =	vst v63  }
0x167: {  	s2 =	smov.u32 s1;
	s1 =	sadd.s32 $0x100, s1;
	_ =	swait.ge [sflag:s23], $0x800  }
.Ltmp8:
0x168: {  	[sflag:s23] =	ssyncset.done $0x0;
	(pc) =	sbr.rel @p1 .LBB2_18-.Ltmp8, $4  }
0x169: {  	s2 =	sadd.s32 s2, s21;
	[sflag:s23] =	ssyncadd.s32 $0xFFFFF800  }
0x16a: {  	[hbm4b:s2+s3] =	stream.linear.scatter [tilespmem:s22], [sflag:$0x7], $0x800, $0x38;
	[tilespmem:$0x1A680] =	vst v63  }
0x16b: {  	_ =	swait.ge [sflag:s23], $0x800  }
0x16c: {  	[sflag:s23] =	ssyncset.done $0x0  }
0x16d: {  	[sflag:s23] =	ssyncadd.s32 $0xFFFFF800;
	s1 =	simm.s32 @!p0 $0x6600;
	s2 =	simm.s32 @!p0 $0x7  }
0x16e: {  	[tilespmem:s1], [sflag:$0x7] =	stream.linear.gather @!p0 [spmem:s20], $0x800, $0x38;
	[tilespmem:$0x1A680] =	vst v63  }
0x16f: {  	_ =	swait.ge @!p0 [sflag:s2], $0x800  }
0x170: {  	[sflag:s2] =	ssyncset.done @!p0 $0x0  }
0x171: {  	s8 =	simm.s32 @!p0 $0x0;
	s10 =	rddreg [dreg:$0xd];
	[sflag:s2] =	ssyncadd.s32 @!p0 $0xFFFFF800  }
0x172: {  	[hbm4b:s10+s8] =	stream.linear.scatter @!p0 [tilespmem:s1], [sflag:$0x7], $0x800, $0x38;
	[tilespmem:$0x1A680] =	vst v63  }
0x173: {  	_ =	swait.ge @!p0 [sflag:s2], $0x800  }
0x174: {  	s11 =	rddreg [dreg:$0xf]  }
0x175: {  	s28 =	rddreg [dreg:$0xe];
	s8 =	sadd.s32 $0x1, s11  }
0x176: {  	p1 =	sne.s32 s8, s28  }
.Ltmp9:
0x177: {  	_ = 	snop;
	(pc) =	sbr.rel @p1 .LBB2_1-.Ltmp9, $3  }
0x178: {  	_ =	sdelay $0x1  }
0x179: {  	[sflag:s2] =	ssyncset.done @!p0 $0x0  }
0x17a: {  	[sflag:s2] =	ssyncadd.s32 @!p0 $0xFFFFF800  }
0x17b: {  	_ =	sfence.sel $0x180000  }
0x17c: {  	[bflag:$0x0] =	sbarrier.arrive $0xFFFF  }
0x17d: {  	_ =	strace $0x90000047  }
0x17e: {  	[bflag:$0x2] =	sbarrier.arrive $0xFFFF  }
0x17f: {  	s0 =	rddreg [dreg:$0x3]  }
0x180: {  	s0 =	sadd.s32 @!p0 $0x100000, s0  }
0x181: {  	[sflag:s0] =	ssyncadd.tile.s32 @!p0 $0x1;
	_ =	shalt  }
.Lfunc_end2:
_tile_overlayer_lowered:
.L_overlay_start_2:
0x182: {  	(tag) =	ssettag $0x2  }
0x183: {  	s0 =	rddreg [dreg:$0x0];
	s2 =	stileid.u32  }
0x184: {  	s1 =	rddreg [dreg:$0x1];
	p0 =	sne.s32 s2, $0x0  }
0x185: {  	s3 =	rddreg [dreg:$0x2];
	[bflag:$0x3] =	sbarrier.arrive $0xFFFF;
	s2 =	simm.s32 @!p0 $0x1C07  }
0x186: {  	[timem:s3], [sflag:s2] =	dma.local @!p0 [hbm:s0], s1  }
0x187: {  	s0 =	simm.s32 @!p0 $0x7  }
0x188: {  	_ =	swait.ge @!p0 [sflag:s0], s1  }
0x189: {  	s1 =	ssub.s32 @!p0 $0x0, s1;
	[sflag:s0] =	ssyncset.done @!p0 $0x0  }
0x18a: {  	[sflag:s0] =	ssyncadd.s32 @!p0 s1  }
0x18b: {  	[bflag:$0x3] =	sbarrier.arrive $0xFFFF  }
0x18c: {  	_ =	shalt  }

</sc_bundles>
